<compile_context>
chip_gen: v7x
topology: tpu7x:2x2x1
jax: 0.10.2.dev20260603
libtpu: 0.0.44.dev20260713+nightly
codegen_flags: <defaults>
</compile_context>

<pallas_src>
import functools

import jax
import jax.numpy as jnp
from jax import lax
from jax.experimental import pallas as pl
from jax.experimental.pallas import tpu as pltpu
from jax.experimental.pallas import tpu_sc as plsc

N_NODES = 10000
N_EDGES = 320000
F = 128
NUM_GRAPHS = 16
MSG_EPS = 1e-7
LN_EPS = 1e-5

NC = 2
NS = 16
EG = 64

E_ROWS = 5120
E_PAD = E_ROWS * EG - N_EDGES
ROWS_PER_TILE = E_ROWS // NS
W = 5120
S = 4992
N_PAD = S + W
TRASH_A = S
TRASH_B = N_NODES - S

BLK = 2000
GRID = N_NODES // BLK



ACC_ROWS_PER_TILE = W // NS
IDXB = 160
NBUF = 3


def _edge_body(pq_hbm, src2_hbm, dst2_hbm, zeros_hbm, dn_hbm,
               src_v, dst_v, rows_v, sem_g, acc):
    c = lax.axis_index("c")
    s = lax.axis_index("s")
    a0 = s * ACC_ROWS_PER_TILE
    asl = pl.ds(a0, ACC_ROWS_PER_TILE)
    r0 = s * ROWS_PER_TILE

    def buf(j):
        off = pl.multiple_of(lax.rem(j, NBUF) * EG, EG)
        return rows_v.at[pl.ds(off, EG)]

    def one_pass(p, carry):
        pltpu.sync_copy(zeros_hbm, acc.at[asl])
        plsc.subcore_barrier()

        def one_blk(b, carry2):
            rb = r0 + b * IDXB
            pltpu.sync_copy(src2_hbm.at[c, pl.ds(rb, IDXB)], src_v)
            pltpu.sync_copy(dst2_hbm.at[p, pl.ds(rb, IDXB)], dst_v)

            def body(i, carry3):
                @pl.when(i < IDXB)
                def _():
                    pltpu.async_copy(pq_hbm.at[src_v.at[i]], buf(i), sem_g)

                @pl.when(i >= 2)
                def _():
                    j = i - 2
                    pltpu.make_async_copy(pq_hbm.at[src_v.at[j]], buf(j),
                                          sem_g).wait()
                    pltpu.sync_copy(buf(j), acc.at[dst_v.at[j]], add=True)

                return carry3

            lax.fori_loop(0, IDXB + 2, body, 0)
            return carry2

        lax.fori_loop(0, ROWS_PER_TILE // IDXB, one_blk, 0)
        plsc.subcore_barrier()
        pltpu.sync_copy(acc.at[asl],
                        dn_hbm.at[c, pl.ds(p * S + a0, ACC_ROWS_PER_TILE)])
        return carry

    lax.fori_loop(0, 2, one_pass, 0)


def _edge_pass(pq, src2, dst2):
    zeros_blk = jnp.zeros((ACC_ROWS_PER_TILE, F), jnp.float32)
    mesh = plsc.VectorSubcoreMesh(core_axis_name="c", subcore_axis_name="s",
                                  num_cores=NC, num_subcores=NS)
    f = pl.kernel(
        _edge_body,
        out_type=jax.ShapeDtypeStruct((NC, N_PAD, F), jnp.float32),
        mesh=mesh,
        scratch_types=[
            pltpu.VMEM((IDXB, EG), jnp.int32),
            pltpu.VMEM((IDXB, EG), jnp.int32),
            pltpu.VMEM((NBUF * EG, F), jnp.float32),
            pltpu.SemaphoreType.DMA,
            pltpu.VMEM_SHARED((W, F), jnp.float32),
        ],
    )
    return f(pq, src2, dst2, zeros_blk)



def _ln(v, g, b):
    mu = jnp.mean(v, axis=-1, keepdims=True)
    var = jnp.mean((v - mu) ** 2, axis=-1, keepdims=True)
    return (v - mu) * lax.rsqrt(var + LN_EPS) * g + b


def _pre(h, ln_g, ln_b, t):
    z = jax.nn.relu(_ln(h, ln_g, ln_b))
    g = z + MSG_EPS
    p = jnp.exp(t * g)
    return z, p, g * p


def _mlp_post(h, z, den, num, w1, b1, mg, mb, w2, b2):
    aggr = num / (den + 1e-16)
    out = aggr + z
    u = jnp.dot(out, w1, preferred_element_type=jnp.float32) + b1
    u = jax.nn.relu(_ln(u, mg, mb))
    v = jnp.dot(u, w2, preferred_element_type=jnp.float32) + b2
    return h + v


def _enc_pre_body(x_ref, w_ref, b_ref, g_ref, bb_ref, t_ref,
                  h_ref, z_ref, p_ref, q_ref):
    h = jnp.dot(x_ref[...], w_ref[...],
                preferred_element_type=jnp.float32) + b_ref[0:1, :]
    z, p, q = _pre(h, g_ref[0:1, :], bb_ref[0:1, :], t_ref[0:1, :])
    h_ref[...] = h
    z_ref[...] = z
    p_ref[...] = p
    q_ref[...] = q


def _post_pre_body(h_ref, z_ref, den_ref, num_ref,
                   w1_ref, b1_ref, mg_ref, mb_ref, w2_ref, b2_ref,
                   g2_ref, bb2_ref, t2_ref,
                   h2_ref, z2_ref, p_ref, q_ref):
    hn = _mlp_post(h_ref[...], z_ref[...], den_ref[...], num_ref[...],
                   w1_ref[...], b1_ref[0:1, :], mg_ref[0:1, :], mb_ref[0:1, :],
                   w2_ref[...], b2_ref[0:1, :])
    z2, p, q = _pre(hn, g2_ref[0:1, :], bb2_ref[0:1, :], t2_ref[0:1, :])
    h2_ref[...] = hn
    z2_ref[...] = z2
    p_ref[...] = p
    q_ref[...] = q


def _post_pool_body(h_ref, z_ref, den_ref, num_ref,
                    w1_ref, b1_ref, mg_ref, mb_ref, w2_ref, b2_ref,
                    bf_ref, cw_ref, cb_ref,
                    out_ref, acc):
    i = pl.program_id(0)
    hn = _mlp_post(h_ref[...], z_ref[...], den_ref[...], num_ref[...],
                   w1_ref[...], b1_ref[0:1, :], mg_ref[0:1, :], mb_ref[0:1, :],
                   w2_ref[...], b2_ref[0:1, :])
    bvals = bf_ref[:, 0:NUM_GRAPHS]
    gid = lax.broadcasted_iota(jnp.int32, (BLK, NUM_GRAPHS), 1)
    oh = jnp.where(bvals == gid.astype(jnp.float32), 1.0, 0.0)
    part = lax.dot_general(oh, hn, (((0,), (0,)), ((), ())),
                           preferred_element_type=jnp.float32)

    @pl.when(i == 0)
    def _():
        acc[...] = part

    @pl.when(i > 0)
    def _():
        acc[...] = acc[...] + part

    out_ref[...] = jnp.dot(acc[...], cw_ref[...],
                           preferred_element_type=jnp.float32) + cb_ref[0:1, :]


def _full(shape):
    return pl.BlockSpec(shape, lambda i: (0, 0))


def _rows(width):
    return pl.BlockSpec((BLK, width), lambda i: (i, 0))


_N_SHAPE = jax.ShapeDtypeStruct((N_NODES, F), jnp.float32)


def _enc_pre(x, w, b, g, bb, t):
    return pl.pallas_call(
        _enc_pre_body,
        grid=(GRID,),
        in_specs=[_rows(F), _full((F, F)), _full((8, F)), _full((8, F)),
                  _full((8, F)), _full((8, F))],
        out_specs=[_rows(F)] * 4,
        out_shape=[_N_SHAPE] * 4,
    )(x, w, b, g, bb, t)


def _post_pre(h, z, den, num, w1, b1, mg, mb, w2, b2, g2, bb2, t2):
    return pl.pallas_call(
        _post_pre_body,
        grid=(GRID,),
        in_specs=[_rows(F)] * 4 + [
            _full((F, 2 * F)), _full((8, 2 * F)), _full((8, 2 * F)),
            _full((8, 2 * F)), _full((2 * F, F)), _full((8, F)),
            _full((8, F)), _full((8, F)), _full((8, F))],
        out_specs=[_rows(F)] * 4,
        out_shape=[_N_SHAPE] * 4,
    )(h, z, den, num, w1, b1, mg, mb, w2, b2, g2, bb2, t2)


def _post_pool(h, z, den, num, w1, b1, mg, mb, w2, b2, bf, cw, cb):
    nc = cw.shape[1]
    return pl.pallas_call(
        _post_pool_body,
        grid=(GRID,),
        in_specs=[_rows(F)] * 4 + [
            _full((F, 2 * F)), _full((8, 2 * F)), _full((8, 2 * F)),
            _full((8, 2 * F)), _full((2 * F, F)), _full((8, F)),
            _rows(F), _full((F, nc)), _full((8, nc))],
        out_specs=pl.BlockSpec((NUM_GRAPHS, nc), lambda i: (0, 0)),
        out_shape=jax.ShapeDtypeStruct((NUM_GRAPHS, nc), jnp.float32),
        scratch_shapes=[pltpu.VMEM((NUM_GRAPHS, F), jnp.float32)],
    )(h, z, den, num, w1, b1, mg, mb, w2, b2, bf, cw, cb)


def _bcast8(v):
    return jnp.broadcast_to(v.reshape(1, -1), (8, v.shape[-1]))


def kernel(x, edge_index, batch, params):
    src = jnp.concatenate([edge_index[0].astype(jnp.int32),
                           jnp.zeros((E_PAD,), jnp.int32)])
    dst = jnp.concatenate([edge_index[1].astype(jnp.int32),
                           jnp.full((E_PAD,), N_NODES, jnp.int32)])
    spread = jnp.arange(E_ROWS * EG, dtype=jnp.int32) & 63
    dst_a = jnp.where(dst < S, dst, TRASH_A + spread)
    dst_b = jnp.where(dst >= S, dst - S, TRASH_B + spread)
    src2 = jnp.stack([src, src + N_NODES]).reshape(2, E_ROWS, EG)
    dst2 = jnp.stack([dst_a, dst_b]).reshape(2, E_ROWS, EG)
    bf = jnp.broadcast_to(batch.astype(jnp.float32)[:, None], (N_NODES, F))

    layers = params['layers']
    l0 = layers[0]
    h, z, p, q = _enc_pre(
        x, params['enc_w'], _bcast8(params['enc_b']),
        _bcast8(l0['ln_g']), _bcast8(l0['ln_b']),
        jnp.full((8, F), l0['t'], jnp.float32))
    for i, lp in enumerate(layers):
        dn = _edge_pass(jnp.concatenate([p, q]), src2, dst2)
        den = dn[0, :N_NODES]
        num = dn[1, :N_NODES]
        if i + 1 < len(layers):
            ln = layers[i + 1]
            h, z, p, q = _post_pre(
                h, z, den, num, lp['w1'], _bcast8(lp['b1']),
                _bcast8(lp['mlp_ln_g']), _bcast8(lp['mlp_ln_b']),
                lp['w2'], _bcast8(lp['b2']),
                _bcast8(ln['ln_g']), _bcast8(ln['ln_b']),
                jnp.full((8, F), ln['t'], jnp.float32))
        else:
            out = _post_pool(
                h, z, den, num, lp['w1'], _bcast8(lp['b1']),
                _bcast8(lp['mlp_ln_g']), _bcast8(lp['mlp_ln_b']),
                lp['w2'], _bcast8(lp['b2']),
                bf, params['cls_w'], _bcast8(params['cls_b']))
    return out

# --- scband reference (transcript-rebuilt; emitter-appended) ---
"""Pipeline reference for scband-res-gcn-56487409877355 (READ-ONLY COPY).

The authoritative reference and input builder live on the scoring server;
editing this copy changes nothing except your own understanding.
"""

import jax, jax.numpy as jnp
import numpy as np

N_NODES = 10000
N_EDGES = 320000
IN_FEAT = 128
H_FEAT = 128
NUM_CLASSES = 4
NUM_LAYERS = 6
NUM_GRAPHS = 16
MSG_EPS = 1e-7


def _dense_init(k, fan_in, fan_out):
    w = jax.random.normal(k, (fan_in, fan_out), dtype=jnp.float32) * (1.0 / np.sqrt(fan_in))
    b = jnp.zeros((fan_out,), dtype=jnp.float32)
    return w, b


def setup_inputs(seed: int = 0) -> dict:
    key = jax.random.key(seed)
    ks = jax.random.split(key, 4)
    x = jax.random.normal(ks[0], (N_NODES, IN_FEAT), dtype=jnp.float32)
    edge_index = jax.random.randint(ks[1], (2, N_EDGES), 0, N_NODES, dtype=jnp.int32)
    batch = jnp.sort(jax.random.randint(ks[2], (N_NODES,), 0, NUM_GRAPHS, dtype=jnp.int32))
    pk = jax.random.split(ks[3], 2 * NUM_LAYERS + 2)
    enc_w, enc_b = _dense_init(pk[0], IN_FEAT, H_FEAT)
    layers = []
    for i in range(NUM_LAYERS):
        w1, b1 = _dense_init(pk[1 + 2 * i], H_FEAT, 2 * H_FEAT)
        w2, b2 = _dense_init(pk[2 + 2 * i], 2 * H_FEAT, H_FEAT)
        layers.append({
            'ln_g': jnp.ones((H_FEAT,), jnp.float32),
            'ln_b': jnp.zeros((H_FEAT,), jnp.float32),
            't': jnp.float32(1.0),
            'w1': w1, 'b1': b1,
            'mlp_ln_g': jnp.ones((2 * H_FEAT,), jnp.float32),
            'mlp_ln_b': jnp.zeros((2 * H_FEAT,), jnp.float32),
            'w2': w2, 'b2': b2,
        })
    cls_w, cls_b = _dense_init(pk[-1], H_FEAT, NUM_CLASSES)
    params = {'enc_w': enc_w, 'enc_b': enc_b, 'layers': layers, 'cls_w': cls_w, 'cls_b': cls_b}
    return {'x': x, 'edge_index': edge_index, 'batch': batch, 'params': params}


def _layer_norm(x, g, b, eps=1e-5):
    mu = jnp.mean(x, axis=-1, keepdims=True)
    var = jnp.var(x, axis=-1, keepdims=True)
    return (x - mu) / jnp.sqrt(var + eps) * g + b


def _segment_softmax(vals, seg, num_segments):
    m = jax.ops.segment_max(vals, seg, num_segments=num_segments)
    m = jnp.where(jnp.isfinite(m), m, 0.0)
    e = jnp.exp(vals - m[seg])
    s = jax.ops.segment_sum(e, seg, num_segments=num_segments)
    return e / (s[seg] + 1e-16)


def _gen_conv(h, edge_index, p):
    # GENConv(aggr='softmax', t learnable, num_layers=2, norm='layer')
    src = edge_index[0]
    dst = edge_index[1]
    msg = jax.nn.relu(h[src]) + MSG_EPS
    alpha = _segment_softmax(p['t'] * msg, dst, N_NODES)
    aggr = jax.ops.segment_sum(alpha * msg, dst, num_segments=N_NODES)
    out = aggr + h  # root/skip term x_r
    z = out @ p['w1'] + p['b1']
    z = _layer_norm(z, p['mlp_ln_g'], p['mlp_ln_b'])
    z = jax.nn.relu(z)
    z = z @ p['w2'] + p['b2']
    return z


def reference(x, edge_index, batch, params):
    h = x @ params['enc_w'] + params['enc_b']
    # DeepGCNLayer block='res+': x = x + conv(act(norm(x)))  (dropout inactive in eval)
    for p in params['layers']:
        z = _layer_norm(h, p['ln_g'], p['ln_b'])
        z = jax.nn.relu(z)
        z = _gen_conv(z, edge_index, p)
        h = h + z
    pooled = jax.ops.segment_sum(h, batch, num_segments=NUM_GRAPHS)  # global_add_pool
    return pooled @ params['cls_w'] + params['cls_b']

if __name__ == "__main__":
    import jax
    _d = setup_inputs()
    print(jax.jit(kernel)(*tuple(_d.values())))

</pallas_src>

<mosaic_0001>
#map = affine_map<(d0, d1) -> (0, 0)>
#map1 = affine_map<(d0, d1) -> (0, 0, 0)>
module attributes {stable_mosaic.version = 14 : i64} {
  func.func @_edge_body(%arg0: i32, %arg1: i32, %arg2: memref<20000x128xf32, #tpu.memory_space<hbm>>, %arg3: memref<2x5120x64xi32, #tpu.memory_space<hbm>>, %arg4: memref<2x5120x64xi32, #tpu.memory_space<hbm>>, %arg5: memref<320x128xf32, #tpu.memory_space<hbm>>, %arg6: memref<2x10112x128xf32, #tpu.memory_space<hbm>>, %arg7: memref<160x64xi32, #tpu.memory_space<vmem>>, %arg8: memref<160x64xi32, #tpu.memory_space<vmem>>, %arg9: memref<192x128xf32, #tpu.memory_space<vmem>>, %arg10: memref<!tpu.dma_semaphore, #tpu.memory_space<semaphore_mem>>, %arg11: memref<5120x128xf32, #tpu.memory_space<vmem_shared>>) attributes {dimension_semantics = [#tpu.dimension_semantics<core_parallel>, #tpu.dimension_semantics<subcore_parallel>], iteration_bounds = array<i64: 2, 16>, scalar_prefetch = 0 : i64, scratch_operands = 5 : i64, tpu.core_type = #tpu.core_type<sc_vector_subcore>, window_params = [{transform_indices = #map}, {transform_indices = #map1}, {transform_indices = #map1}, {transform_indices = #map}, {transform_indices = #map1}]} {
    %mul3A = arith.constant 320 : i32
    %mul3A_0 = arith.muli %arg1, %mul3A : i32
    %mul3A_1 = arith.constant 320 : i32
    %mul3A_2 = arith.muli %arg1, %mul3A_1 : i32
    %scan3A = arith.constant 0 : i32
    %scan3A_3 = arith.constant 0 : i32
    %scan3A_4 = arith.constant 2 : i32
    %scan3A_5 = arith.addi %scan3A_3, %scan3A_4 : i32
    %scan3A_6 = arith.constant 1 : i32
    scf.for %scan3A_8 = %scan3A_3 to %scan3A_5 step %scan3A_6  : i32 {
      "tpu.region"() ({
        %run_scoped3A = tpu.sem_alloc : memref<!tpu.dma_semaphore, #tpu.memory_space<semaphore_mem>>
        %dma_start3A = arith.constant 0 : i32
        %dma_start3A_18 = tpu.memref_slice %arg11[%mul3A_0, %dma_start3A] : memref<5120x128xf32, #tpu.memory_space<vmem_shared>> -> memref<320x128xf32, #tpu.memory_space<vmem_shared>>
        tpu.enqueue_dma source(%arg5 : memref<320x128xf32, #tpu.memory_space<hbm>>) target(%dma_start3A_18 : memref<320x128xf32, #tpu.memory_space<vmem_shared>>) target_semaphore(%run_scoped3A : memref<!tpu.dma_semaphore, #tpu.memory_space<semaphore_mem>>)
        %dma_wait3A = arith.constant 0 : i32
        %dma_wait3A_19 = tpu.memref_slice %arg11[%mul3A_0, %dma_wait3A] : memref<5120x128xf32, #tpu.memory_space<vmem_shared>> -> memref<320x128xf32, #tpu.memory_space<vmem_shared>>
        tpu.wait_dma2 semaphore(%run_scoped3A : memref<!tpu.dma_semaphore, #tpu.memory_space<semaphore_mem>>) src(%arg5 : memref<320x128xf32, #tpu.memory_space<hbm>>) dst(%dma_wait3A_19 : memref<320x128xf32, #tpu.memory_space<vmem_shared>>)
        tpu.yield
      }) : () -> ()
      %barrier3A = arith.constant 0 : index
      tpu.barrier barrier_id(%barrier3A)
      %scan3A_9 = arith.constant 0 : i32
      %scan3A_10 = arith.constant 0 : i32
      %scan3A_11 = arith.constant 2 : i32
      %scan3A_12 = arith.addi %scan3A_10, %scan3A_11 : i32
      %scan3A_13 = arith.constant 1 : i32
      scf.for %scan3A_18 = %scan3A_10 to %scan3A_12 step %scan3A_13  : i32 {
        %mul3A_19 = arith.constant 160 : i32
        %mul3A_20 = arith.muli %scan3A_18, %mul3A_19 : i32
        %add3A_21 = arith.addi %mul3A_2, %mul3A_20 : i32
        "tpu.region"() ({
          %run_scoped3A = tpu.sem_alloc : memref<!tpu.dma_semaphore, #tpu.memory_space<semaphore_mem>>
          %dma_start3A = arith.constant 0 : i32
          %dma_start3A_28 = tpu.memref_slice %arg3[%arg0, %add3A_21, %dma_start3A] : memref<2x5120x64xi32, #tpu.memory_space<hbm>> -> memref<1x160x64xi32, #tpu.memory_space<hbm>>
          %dma_start3A_29 = tpu.memref_squeeze %dma_start3A_28 : memref<1x160x64xi32, #tpu.memory_space<hbm>> -> memref<160x64xi32, #tpu.memory_space<hbm>>
          %dma_start3A_30 = arith.constant 0 : i32
          %dma_start3A_31 = tpu.memref_slice %arg3[%arg0, %add3A_21, %dma_start3A_30] : memref<2x5120x64xi32, #tpu.memory_space<hbm>> -> memref<1x160x64xi32, #tpu.memory_space<hbm>>
          %dma_start3A_32 = tpu.memref_squeeze %dma_start3A_31 : memref<1x160x64xi32, #tpu.memory_space<hbm>> -> memref<160x64xi32, #tpu.memory_space<hbm>>
          tpu.enqueue_dma source(%dma_start3A_32 : memref<160x64xi32, #tpu.memory_space<hbm>>) target(%arg7 : memref<160x64xi32, #tpu.memory_space<vmem>>) target_semaphore(%run_scoped3A : memref<!tpu.dma_semaphore, #tpu.memory_space<semaphore_mem>>)
          %dma_wait3A = arith.constant 0 : i32
          %dma_wait3A_33 = tpu.memref_slice %arg3[%arg0, %add3A_21, %dma_wait3A] : memref<2x5120x64xi32, #tpu.memory_space<hbm>> -> memref<1x160x64xi32, #tpu.memory_space<hbm>>
          %dma_wait3A_34 = tpu.memref_squeeze %dma_wait3A_33 : memref<1x160x64xi32, #tpu.memory_space<hbm>> -> memref<160x64xi32, #tpu.memory_space<hbm>>
          %dma_wait3A_35 = arith.constant 0 : i32
          %dma_wait3A_36 = tpu.memref_slice %arg3[%arg0, %add3A_21, %dma_wait3A_35] : memref<2x5120x64xi32, #tpu.memory_space<hbm>> -> memref<1x160x64xi32, #tpu.memory_space<hbm>>
          %dma_wait3A_37 = tpu.memref_squeeze %dma_wait3A_36 : memref<1x160x64xi32, #tpu.memory_space<hbm>> -> memref<160x64xi32, #tpu.memory_space<hbm>>
          tpu.wait_dma2 semaphore(%run_scoped3A : memref<!tpu.dma_semaphore, #tpu.memory_space<semaphore_mem>>) src(%dma_wait3A_37 : memref<160x64xi32, #tpu.memory_space<hbm>>) dst(%arg7 : memref<160x64xi32, #tpu.memory_space<vmem>>)
          tpu.yield
        }) : () -> ()
        "tpu.region"() ({
          %run_scoped3A = tpu.sem_alloc : memref<!tpu.dma_semaphore, #tpu.memory_space<semaphore_mem>>
          %dma_start3A = arith.constant 0 : i32
          %dma_start3A_28 = tpu.memref_slice %arg4[%scan3A_8, %add3A_21, %dma_start3A] : memref<2x5120x64xi32, #tpu.memory_space<hbm>> -> memref<1x160x64xi32, #tpu.memory_space<hbm>>
          %dma_start3A_29 = tpu.memref_squeeze %dma_start3A_28 : memref<1x160x64xi32, #tpu.memory_space<hbm>> -> memref<160x64xi32, #tpu.memory_space<hbm>>
          %dma_start3A_30 = arith.constant 0 : i32
          %dma_start3A_31 = tpu.memref_slice %arg4[%scan3A_8, %add3A_21, %dma_start3A_30] : memref<2x5120x64xi32, #tpu.memory_space<hbm>> -> memref<1x160x64xi32, #tpu.memory_space<hbm>>
          %dma_start3A_32 = tpu.memref_squeeze %dma_start3A_31 : memref<1x160x64xi32, #tpu.memory_space<hbm>> -> memref<160x64xi32, #tpu.memory_space<hbm>>
          tpu.enqueue_dma source(%dma_start3A_32 : memref<160x64xi32, #tpu.memory_space<hbm>>) target(%arg8 : memref<160x64xi32, #tpu.memory_space<vmem>>) target_semaphore(%run_scoped3A : memref<!tpu.dma_semaphore, #tpu.memory_space<semaphore_mem>>)
          %dma_wait3A = arith.constant 0 : i32
          %dma_wait3A_33 = tpu.memref_slice %arg4[%scan3A_8, %add3A_21, %dma_wait3A] : memref<2x5120x64xi32, #tpu.memory_space<hbm>> -> memref<1x160x64xi32, #tpu.memory_space<hbm>>
          %dma_wait3A_34 = tpu.memref_squeeze %dma_wait3A_33 : memref<1x160x64xi32, #tpu.memory_space<hbm>> -> memref<160x64xi32, #tpu.memory_space<hbm>>
          %dma_wait3A_35 = arith.constant 0 : i32
          %dma_wait3A_36 = tpu.memref_slice %arg4[%scan3A_8, %add3A_21, %dma_wait3A_35] : memref<2x5120x64xi32, #tpu.memory_space<hbm>> -> memref<1x160x64xi32, #tpu.memory_space<hbm>>
          %dma_wait3A_37 = tpu.memref_squeeze %dma_wait3A_36 : memref<1x160x64xi32, #tpu.memory_space<hbm>> -> memref<160x64xi32, #tpu.memory_space<hbm>>
          tpu.wait_dma2 semaphore(%run_scoped3A : memref<!tpu.dma_semaphore, #tpu.memory_space<semaphore_mem>>) src(%dma_wait3A_37 : memref<160x64xi32, #tpu.memory_space<hbm>>) dst(%arg8 : memref<160x64xi32, #tpu.memory_space<vmem>>)
          tpu.yield
        }) : () -> ()
        %scan3A_22 = arith.constant 0 : i32
        %scan3A_23 = arith.constant 0 : i32
        %scan3A_24 = arith.constant 162 : i32
        %scan3A_25 = arith.addi %scan3A_23, %scan3A_24 : i32
        %scan3A_26 = arith.constant 1 : i32
        scf.for %scan3A_28 = %scan3A_23 to %scan3A_25 step %scan3A_26  : i32 {
          %lt3A = arith.constant 160 : i32
          %lt3A_29 = arith.cmpi slt, %scan3A_28, %lt3A : i32
          %convert_element_type3A = arith.extui %lt3A_29 : i1 to i32
          %cond3A = arith.constant 0 : i32
          %cond3A_30 = arith.cmpi ne, %convert_element_type3A, %cond3A : i32
          scf.if %cond3A_30 {
            %rem3A = arith.constant 3 : i32
            %rem3A_35 = arith.remsi %scan3A_28, %rem3A : i32
            %mul3A_36 = arith.constant 64 : i32
            %mul3A_37 = arith.muli %rem3A_35, %mul3A_36 : i32
            %multiple_of3A = tpu.assume_multiple %mul3A_37, 64 : i32
            %dma_start3A = arith.constant 0 : i32
            %dma_start3A_38 = tpu.memref_slice %arg9[%multiple_of3A, %dma_start3A] : memref<192x128xf32, #tpu.memory_space<vmem>> -> memref<64x128xf32, #tpu.memory_space<vmem>>
            %dma_start3A_39 = arith.constant 0 : i32
            %dma_start3A_40 = tpu.memref_slice %arg7[%scan3A_28, %dma_start3A_39] : memref<160x64xi32, #tpu.memory_space<vmem>> -> memref<1x64xi32, #tpu.memory_space<vmem>>
            %dma_start3A_41 = tpu.memref_squeeze %dma_start3A_40 : memref<1x64xi32, #tpu.memory_space<vmem>> -> memref<64xi32, #tpu.memory_space<vmem>>
            %dma_start3A_42 = arith.constant 0 : i32
            %dma_start3A_43 = arith.constant 0 : i32
            %dma_start3A_44 = tpu.memref_slice %arg2[%dma_start3A_42, %dma_start3A_43] : memref<20000x128xf32, #tpu.memory_space<hbm>> -> memref<20000x128xf32, #tpu.memory_space<hbm>>
            tpu.enqueue_indirect_dma source(%dma_start3A_44 : memref<20000x128xf32, #tpu.memory_space<hbm>>) target(%dma_start3A_38 : memref<64x128xf32, #tpu.memory_space<vmem>>) offsets(%dma_start3A_41 : memref<64xi32, #tpu.memory_space<vmem>>) semaphore(%arg10 : memref<!tpu.dma_semaphore, #tpu.memory_space<semaphore_mem>>)
          } else {
          }
          %ge3A = arith.constant 2 : i32
          %ge3A_31 = arith.cmpi sge, %scan3A_28, %ge3A : i32
          %convert_element_type3A_32 = arith.extui %ge3A_31 : i1 to i32
          %cond3A_33 = arith.constant 0 : i32
          %cond3A_34 = arith.cmpi ne, %convert_element_type3A_32, %cond3A_33 : i32
          scf.if %cond3A_34 {
            %sub3A = arith.constant 2 : i32
            %sub3A_35 = arith.subi %scan3A_28, %sub3A : i32
            %rem3A = arith.constant 3 : i32
            %rem3A_36 = arith.remsi %sub3A_35, %rem3A : i32
            %mul3A_37 = arith.constant 64 : i32
            %mul3A_38 = arith.muli %rem3A_36, %mul3A_37 : i32
            %multiple_of3A = tpu.assume_multiple %mul3A_38, 64 : i32
            %dma_wait3A = arith.constant 0 : i32
            %dma_wait3A_39 = tpu.memref_slice %arg9[%multiple_of3A, %dma_wait3A] : memref<192x128xf32, #tpu.memory_space<vmem>> -> memref<64x128xf32, #tpu.memory_space<vmem>>
            %dma_wait3A_40 = arith.constant 0 : i32
            %dma_wait3A_41 = tpu.memref_slice %arg7[%sub3A_35, %dma_wait3A_40] : memref<160x64xi32, #tpu.memory_space<vmem>> -> memref<1x64xi32, #tpu.memory_space<vmem>>
            %dma_wait3A_42 = tpu.memref_squeeze %dma_wait3A_41 : memref<1x64xi32, #tpu.memory_space<vmem>> -> memref<64xi32, #tpu.memory_space<vmem>>
            %dma_wait3A_43 = arith.constant 0 : i32
            %dma_wait3A_44 = arith.constant 0 : i32
            %dma_wait3A_45 = tpu.memref_slice %arg2[%dma_wait3A_43, %dma_wait3A_44] : memref<20000x128xf32, #tpu.memory_space<hbm>> -> memref<20000x128xf32, #tpu.memory_space<hbm>>
            tpu.wait_indirect_dma semaphore(%arg10 : memref<!tpu.dma_semaphore, #tpu.memory_space<semaphore_mem>>) src(%dma_wait3A_45 : memref<20000x128xf32, #tpu.memory_space<hbm>>) dst(%dma_wait3A_39 : memref<64x128xf32, #tpu.memory_space<vmem>>)
            %rem3A_46 = arith.constant 3 : i32
            %rem3A_47 = arith.remsi %sub3A_35, %rem3A_46 : i32
            %mul3A_48 = arith.constant 64 : i32
            %mul3A_49 = arith.muli %rem3A_47, %mul3A_48 : i32
            %multiple_of3A_50 = tpu.assume_multiple %mul3A_49, 64 : i32
            "tpu.region"() ({
              %run_scoped3A = tpu.sem_alloc : memref<!tpu.dma_semaphore, #tpu.memory_space<semaphore_mem>>
              %dma_start3A = arith.constant 0 : i32
              %dma_start3A_51 = tpu.memref_slice %arg9[%multiple_of3A_50, %dma_start3A] : memref<192x128xf32, #tpu.memory_space<vmem>> -> memref<64x128xf32, #tpu.memory_space<vmem>>
              %dma_start3A_52 = arith.constant 0 : i32
              %dma_start3A_53 = tpu.memref_slice %arg8[%sub3A_35, %dma_start3A_52] : memref<160x64xi32, #tpu.memory_space<vmem>> -> memref<1x64xi32, #tpu.memory_space<vmem>>
              %dma_start3A_54 = tpu.memref_squeeze %dma_start3A_53 : memref<1x64xi32, #tpu.memory_space<vmem>> -> memref<64xi32, #tpu.memory_space<vmem>>
              %dma_start3A_55 = arith.constant 0 : i32
              %dma_start3A_56 = arith.constant 0 : i32
              %dma_start3A_57 = tpu.memref_slice %arg11[%dma_start3A_55, %dma_start3A_56] : memref<5120x128xf32, #tpu.memory_space<vmem_shared>> -> memref<5120x128xf32, #tpu.memory_space<vmem_shared>>
              tpu.enqueue_indirect_dma source(%dma_start3A_51 : memref<64x128xf32, #tpu.memory_space<vmem>>) target(%dma_start3A_57 : memref<5120x128xf32, #tpu.memory_space<vmem_shared>>) offsets(%dma_start3A_54 : memref<64xi32, #tpu.memory_space<vmem>>) semaphore(%run_scoped3A : memref<!tpu.dma_semaphore, #tpu.memory_space<semaphore_mem>>) {add = true}
              %dma_wait3A_58 = arith.constant 0 : i32
              %dma_wait3A_59 = tpu.memref_slice %arg9[%multiple_of3A_50, %dma_wait3A_58] : memref<192x128xf32, #tpu.memory_space<vmem>> -> memref<64x128xf32, #tpu.memory_space<vmem>>
              %dma_wait3A_60 = arith.constant 0 : i32
              %dma_wait3A_61 = tpu.memref_slice %arg8[%sub3A_35, %dma_wait3A_60] : memref<160x64xi32, #tpu.memory_space<vmem>> -> memref<1x64xi32, #tpu.memory_space<vmem>>
              %dma_wait3A_62 = tpu.memref_squeeze %dma_wait3A_61 : memref<1x64xi32, #tpu.memory_space<vmem>> -> memref<64xi32, #tpu.memory_space<vmem>>
              %dma_wait3A_63 = arith.constant 0 : i32
              %dma_wait3A_64 = arith.constant 0 : i32
              %dma_wait3A_65 = tpu.memref_slice %arg11[%dma_wait3A_63, %dma_wait3A_64] : memref<5120x128xf32, #tpu.memory_space<vmem_shared>> -> memref<5120x128xf32, #tpu.memory_space<vmem_shared>>
              tpu.wait_indirect_dma semaphore(%run_scoped3A : memref<!tpu.dma_semaphore, #tpu.memory_space<semaphore_mem>>) src(%dma_wait3A_59 : memref<64x128xf32, #tpu.memory_space<vmem>>) dst(%dma_wait3A_65 : memref<5120x128xf32, #tpu.memory_space<vmem_shared>>)
              tpu.yield
            }) : () -> ()
          } else {
          }
        }
        %scan3A_27 = arith.constant 162 : i32
      }
      %scan3A_14 = arith.constant 2 : i32
      %barrier3A_15 = arith.constant 0 : index
      tpu.barrier barrier_id(%barrier3A_15)
      %mul3A_16 = arith.constant 4992 : i32
      %mul3A_17 = arith.muli %scan3A_8, %mul3A_16 : i32
      %add3A = arith.addi %mul3A_17, %mul3A_0 : i32
      "tpu.region"() ({
        %run_scoped3A = tpu.sem_alloc : memref<!tpu.dma_semaphore, #tpu.memory_space<semaphore_mem>>
        %dma_start3A = arith.constant 0 : i32
        %dma_start3A_18 = tpu.memref_slice %arg6[%arg0, %add3A, %dma_start3A] : memref<2x10112x128xf32, #tpu.memory_space<hbm>> -> memref<1x320x128xf32, #tpu.memory_space<hbm>>
        %dma_start3A_19 = tpu.memref_squeeze %dma_start3A_18 : memref<1x320x128xf32, #tpu.memory_space<hbm>> -> memref<320x128xf32, #tpu.memory_space<hbm>>
        %dma_start3A_20 = arith.constant 0 : i32
        %dma_start3A_21 = tpu.memref_slice %arg11[%mul3A_0, %dma_start3A_20] : memref<5120x128xf32, #tpu.memory_space<vmem_shared>> -> memref<320x128xf32, #tpu.memory_space<vmem_shared>>
        tpu.enqueue_dma source(%dma_start3A_21 : memref<320x128xf32, #tpu.memory_space<vmem_shared>>) target(%dma_start3A_19 : memref<320x128xf32, #tpu.memory_space<hbm>>) target_semaphore(%run_scoped3A : memref<!tpu.dma_semaphore, #tpu.memory_space<semaphore_mem>>)
        %dma_wait3A = arith.constant 0 : i32
        %dma_wait3A_22 = tpu.memref_slice %arg6[%arg0, %add3A, %dma_wait3A] : memref<2x10112x128xf32, #tpu.memory_space<hbm>> -> memref<1x320x128xf32, #tpu.memory_space<hbm>>
        %dma_wait3A_23 = tpu.memref_squeeze %dma_wait3A_22 : memref<1x320x128xf32, #tpu.memory_space<hbm>> -> memref<320x128xf32, #tpu.memory_space<hbm>>
        %dma_wait3A_24 = arith.constant 0 : i32
        %dma_wait3A_25 = tpu.memref_slice %arg11[%mul3A_0, %dma_wait3A_24] : memref<5120x128xf32, #tpu.memory_space<vmem_shared>> -> memref<320x128xf32, #tpu.memory_space<vmem_shared>>
        tpu.wait_dma2 semaphore(%run_scoped3A : memref<!tpu.dma_semaphore, #tpu.memory_space<semaphore_mem>>) src(%dma_wait3A_25 : memref<320x128xf32, #tpu.memory_space<vmem_shared>>) dst(%dma_wait3A_23 : memref<320x128xf32, #tpu.memory_space<hbm>>)
        tpu.yield
      }) : () -> ()
    }
    %scan3A_7 = arith.constant 2 : i32
    return
  }
}

#map = affine_map<(d0, d1) -> (0, 0)>
#map1 = affine_map<(d0, d1) -> (0, 0, 0)>
module attributes {stable_mosaic.version = 14 : i64} {
  func.func @_edge_body(%arg0: i32, %arg1: i32, %arg2: memref<20000x128xf32, #tpu.memory_space<hbm>>, %arg3: memref<2x5120x64xi32, #tpu.memory_space<hbm>>, %arg4: memref<2x5120x64xi32, #tpu.memory_space<hbm>>, %arg5: memref<320x128xf32, #tpu.memory_space<hbm>>, %arg6: memref<2x10112x128xf32, #tpu.memory_space<hbm>>, %arg7: memref<160x64xi32, #tpu.memory_space<vmem>>, %arg8: memref<160x64xi32, #tpu.memory_space<vmem>>, %arg9: memref<192x128xf32, #tpu.memory_space<vmem>>, %arg10: memref<!tpu.dma_semaphore, #tpu.memory_space<semaphore_mem>>, %arg11: memref<5120x128xf32, #tpu.memory_space<vmem_shared>>) attributes {dimension_semantics = [#tpu.dimension_semantics<core_parallel>, #tpu.dimension_semantics<subcore_parallel>], iteration_bounds = array<i64: 2, 16>, scalar_prefetch = 0 : i64, scratch_operands = 5 : i64, tpu.core_type = #tpu.core_type<sc_vector_subcore>, window_params = [{transform_indices = #map}, {transform_indices = #map1}, {transform_indices = #map1}, {transform_indices = #map}, {transform_indices = #map1}]} {
    %mul3A = arith.constant 320 : i32
    %mul3A_0 = arith.muli %arg1, %mul3A : i32
    %mul3A_1 = arith.constant 320 : i32
    %mul3A_2 = arith.muli %arg1, %mul3A_1 : i32
    %scan3A = arith.constant 0 : i32
    %scan3A_3 = arith.constant 0 : i32
    %scan3A_4 = arith.constant 2 : i32
    %scan3A_5 = arith.addi %scan3A_3, %scan3A_4 : i32
    %scan3A_6 = arith.constant 1 : i32
    scf.for %scan3A_8 = %scan3A_3 to %scan3A_5 step %scan3A_6  : i32 {
      "tpu.region"() ({
        %run_scoped3A = tpu.sem_alloc : memref<!tpu.dma_semaphore, #tpu.memory_space<semaphore_mem>>
        %dma_start3A = arith.constant 0 : i32
        %dma_start3A_18 = tpu.memref_slice %arg11[%mul3A_0, %dma_start3A] : memref<5120x128xf32, #tpu.memory_space<vmem_shared>> -> memref<320x128xf32, #tpu.memory_space<vmem_shared>>
        tpu.enqueue_dma source(%arg5 : memref<320x128xf32, #tpu.memory_space<hbm>>) target(%dma_start3A_18 : memref<320x128xf32, #tpu.memory_space<vmem_shared>>) target_semaphore(%run_scoped3A : memref<!tpu.dma_semaphore, #tpu.memory_space<semaphore_mem>>)
        %dma_wait3A = arith.constant 0 : i32
        %dma_wait3A_19 = tpu.memref_slice %arg11[%mul3A_0, %dma_wait3A] : memref<5120x128xf32, #tpu.memory_space<vmem_shared>> -> memref<320x128xf32, #tpu.memory_space<vmem_shared>>
        tpu.wait_dma2 semaphore(%run_scoped3A : memref<!tpu.dma_semaphore, #tpu.memory_space<semaphore_mem>>) src(%arg5 : memref<320x128xf32, #tpu.memory_space<hbm>>) dst(%dma_wait3A_19 : memref<320x128xf32, #tpu.memory_space<vmem_shared>>)
        tpu.yield
      }) : () -> ()
      %barrier3A = arith.constant 0 : index
      tpu.barrier barrier_id(%barrier3A)
      %scan3A_9 = arith.constant 0 : i32
      %scan3A_10 = arith.constant 0 : i32
      %scan3A_11 = arith.constant 2 : i32
      %scan3A_12 = arith.addi %scan3A_10, %scan3A_11 : i32
      %scan3A_13 = arith.constant 1 : i32
      scf.for %scan3A_18 = %scan3A_10 to %scan3A_12 step %scan3A_13  : i32 {
        %mul3A_19 = arith.constant 160 : i32
        %mul3A_20 = arith.muli %scan3A_18, %mul3A_19 : i32
        %add3A_21 = arith.addi %mul3A_2, %mul3A_20 : i32
        "tpu.region"() ({
          %run_scoped3A = tpu.sem_alloc : memref<!tpu.dma_semaphore, #tpu.memory_space<semaphore_mem>>
          %dma_start3A = arith.constant 0 : i32
          %dma_start3A_28 = tpu.memref_slice %arg3[%arg0, %add3A_21, %dma_start3A] : memref<2x5120x64xi32, #tpu.memory_space<hbm>> -> memref<1x160x64xi32, #tpu.memory_space<hbm>>
          %dma_start3A_29 = tpu.memref_squeeze %dma_start3A_28 : memref<1x160x64xi32, #tpu.memory_space<hbm>> -> memref<160x64xi32, #tpu.memory_space<hbm>>
          %dma_start3A_30 = arith.constant 0 : i32
          %dma_start3A_31 = tpu.memref_slice %arg3[%arg0, %add3A_21, %dma_start3A_30] : memref<2x5120x64xi32, #tpu.memory_space<hbm>> -> memref<1x160x64xi32, #tpu.memory_space<hbm>>
          %dma_start3A_32 = tpu.memref_squeeze %dma_start3A_31 : memref<1x160x64xi32, #tpu.memory_space<hbm>> -> memref<160x64xi32, #tpu.memory_space<hbm>>
          tpu.enqueue_dma source(%dma_start3A_32 : memref<160x64xi32, #tpu.memory_space<hbm>>) target(%arg7 : memref<160x64xi32, #tpu.memory_space<vmem>>) target_semaphore(%run_scoped3A : memref<!tpu.dma_semaphore, #tpu.memory_space<semaphore_mem>>)
          %dma_wait3A = arith.constant 0 : i32
          %dma_wait3A_33 = tpu.memref_slice %arg3[%arg0, %add3A_21, %dma_wait3A] : memref<2x5120x64xi32, #tpu.memory_space<hbm>> -> memref<1x160x64xi32, #tpu.memory_space<hbm>>
          %dma_wait3A_34 = tpu.memref_squeeze %dma_wait3A_33 : memref<1x160x64xi32, #tpu.memory_space<hbm>> -> memref<160x64xi32, #tpu.memory_space<hbm>>
          %dma_wait3A_35 = arith.constant 0 : i32
          %dma_wait3A_36 = tpu.memref_slice %arg3[%arg0, %add3A_21, %dma_wait3A_35] : memref<2x5120x64xi32, #tpu.memory_space<hbm>> -> memref<1x160x64xi32, #tpu.memory_space<hbm>>
          %dma_wait3A_37 = tpu.memref_squeeze %dma_wait3A_36 : memref<1x160x64xi32, #tpu.memory_space<hbm>> -> memref<160x64xi32, #tpu.memory_space<hbm>>
          tpu.wait_dma2 semaphore(%run_scoped3A : memref<!tpu.dma_semaphore, #tpu.memory_space<semaphore_mem>>) src(%dma_wait3A_37 : memref<160x64xi32, #tpu.memory_space<hbm>>) dst(%arg7 : memref<160x64xi32, #tpu.memory_space<vmem>>)
          tpu.yield
        }) : () -> ()
        "tpu.region"() ({
          %run_scoped3A = tpu.sem_alloc : memref<!tpu.dma_semaphore, #tpu.memory_space<semaphore_mem>>
          %dma_start3A = arith.constant 0 : i32
          %dma_start3A_28 = tpu.memref_slice %arg4[%scan3A_8, %add3A_21, %dma_start3A] : memref<2x5120x64xi32, #tpu.memory_space<hbm>> -> memref<1x160x64xi32, #tpu.memory_space<hbm>>
          %dma_start3A_29 = tpu.memref_squeeze %dma_start3A_28 : memref<1x160x64xi32, #tpu.memory_space<hbm>> -> memref<160x64xi32, #tpu.memory_space<hbm>>
          %dma_start3A_30 = arith.constant 0 : i32
          %dma_start3A_31 = tpu.memref_slice %arg4[%scan3A_8, %add3A_21, %dma_start3A_30] : memref<2x5120x64xi32, #tpu.memory_space<hbm>> -> memref<1x160x64xi32, #tpu.memory_space<hbm>>
          %dma_start3A_32 = tpu.memref_squeeze %dma_start3A_31 : memref<1x160x64xi32, #tpu.memory_space<hbm>> -> memref<160x64xi32, #tpu.memory_space<hbm>>
          tpu.enqueue_dma source(%dma_start3A_32 : memref<160x64xi32, #tpu.memory_space<hbm>>) target(%arg8 : memref<160x64xi32, #tpu.memory_space<vmem>>) target_semaphore(%run_scoped3A : memref<!tpu.dma_semaphore, #tpu.memory_space<semaphore_mem>>)
          %dma_wait3A = arith.constant 0 : i32
          %dma_wait3A_33 = tpu.memref_slice %arg4[%scan3A_8, %add3A_21, %dma_wait3A] : memref<2x5120x64xi32, #tpu.memory_space<hbm>> -> memref<1x160x64xi32, #tpu.memory_space<hbm>>
          %dma_wait3A_34 = tpu.memref_squeeze %dma_wait3A_33 : memref<1x160x64xi32, #tpu.memory_space<hbm>> -> memref<160x64xi32, #tpu.memory_space<hbm>>
          %dma_wait3A_35 = arith.constant 0 : i32
          %dma_wait3A_36 = tpu.memref_slice %arg4[%scan3A_8, %add3A_21, %dma_wait3A_35] : memref<2x5120x64xi32, #tpu.memory_space<hbm>> -> memref<1x160x64xi32, #tpu.memory_space<hbm>>
          %dma_wait3A_37 = tpu.memref_squeeze %dma_wait3A_36 : memref<1x160x64xi32, #tpu.memory_space<hbm>> -> memref<160x64xi32, #tpu.memory_space<hbm>>
          tpu.wait_dma2 semaphore(%run_scoped3A : memref<!tpu.dma_semaphore, #tpu.memory_space<semaphore_mem>>) src(%dma_wait3A_37 : memref<160x64xi32, #tpu.memory_space<hbm>>) dst(%arg8 : memref<160x64xi32, #tpu.memory_space<vmem>>)
          tpu.yield
        }) : () -> ()
        %scan3A_22 = arith.constant 0 : i32
        %scan3A_23 = arith.constant 0 : i32
        %scan3A_24 = arith.constant 162 : i32
        %scan3A_25 = arith.addi %scan3A_23, %scan3A_24 : i32
        %scan3A_26 = arith.constant 1 : i32
        scf.for %scan3A_28 = %scan3A_23 to %scan3A_25 step %scan3A_26  : i32 {
          %lt3A = arith.constant 160 : i32
          %lt3A_29 = arith.cmpi slt, %scan3A_28, %lt3A : i32
          %convert_element_type3A = arith.extui %lt3A_29 : i1 to i32
          %cond3A = arith.constant 0 : i32
          %cond3A_30 = arith.cmpi ne, %convert_element_type3A, %cond3A : i32
          scf.if %cond3A_30 {
            %rem3A = arith.constant 3 : i32
            %rem3A_35 = arith.remsi %scan3A_28, %rem3A : i32
            %mul3A_36 = arith.constant 64 : i32
            %mul3A_37 = arith.muli %rem3A_35, %mul3A_36 : i32
            %multiple_of3A = tpu.assume_multiple %mul3A_37, 64 : i32
            %dma_start3A = arith.constant 0 : i32
            %dma_start3A_38 = tpu.memref_slice %arg9[%multiple_of3A, %dma_start3A] : memref<192x128xf32, #tpu.memory_space<vmem>> -> memref<64x128xf32, #tpu.memory_space<vmem>>
            %dma_start3A_39 = arith.constant 0 : i32
            %dma_start3A_40 = tpu.memref_slice %arg7[%scan3A_28, %dma_start3A_39] : memref<160x64xi32, #tpu.memory_space<vmem>> -> memref<1x64xi32, #tpu.memory_space<vmem>>
            %dma_start3A_41 = tpu.memref_squeeze %dma_start3A_40 : memref<1x64xi32, #tpu.memory_space<vmem>> -> memref<64xi32, #tpu.memory_space<vmem>>
            %dma_start3A_42 = arith.constant 0 : i32
            %dma_start3A_43 = arith.constant 0 : i32
            %dma_start3A_44 = tpu.memref_slice %arg2[%dma_start3A_42, %dma_start3A_43] : memref<20000x128xf32, #tpu.memory_space<hbm>> -> memref<20000x128xf32, #tpu.memory_space<hbm>>
            tpu.enqueue_indirect_dma source(%dma_start3A_44 : memref<20000x128xf32, #tpu.memory_space<hbm>>) target(%dma_start3A_38 : memref<64x128xf32, #tpu.memory_space<vmem>>) offsets(%dma_start3A_41 : memref<64xi32, #tpu.memory_space<vmem>>) semaphore(%arg10 : memref<!tpu.dma_semaphore, #tpu.memory_space<semaphore_mem>>)
          } else {
          }
          %ge3A = arith.constant 2 : i32
          %ge3A_31 = arith.cmpi sge, %scan3A_28, %ge3A : i32
          %convert_element_type3A_32 = arith.extui %ge3A_31 : i1 to i32
          %cond3A_33 = arith.constant 0 : i32
          %cond3A_34 = arith.cmpi ne, %convert_element_type3A_32, %cond3A_33 : i32
          scf.if %cond3A_34 {
            %sub3A = arith.constant 2 : i32
            %sub3A_35 = arith.subi %scan3A_28, %sub3A : i32
            %rem3A = arith.constant 3 : i32
            %rem3A_36 = arith.remsi %sub3A_35, %rem3A : i32
            %mul3A_37 = arith.constant 64 : i32
            %mul3A_38 = arith.muli %rem3A_36, %mul3A_37 : i32
            %multiple_of3A = tpu.assume_multiple %mul3A_38, 64 : i32
            %dma_wait3A = arith.constant 0 : i32
            %dma_wait3A_39 = tpu.memref_slice %arg9[%multiple_of3A, %dma_wait3A] : memref<192x128xf32, #tpu.memory_space<vmem>> -> memref<64x128xf32, #tpu.memory_space<vmem>>
            %dma_wait3A_40 = arith.constant 0 : i32
            %dma_wait3A_41 = tpu.memref_slice %arg7[%sub3A_35, %dma_wait3A_40] : memref<160x64xi32, #tpu.memory_space<vmem>> -> memref<1x64xi32, #tpu.memory_space<vmem>>
            %dma_wait3A_42 = tpu.memref_squeeze %dma_wait3A_41 : memref<1x64xi32, #tpu.memory_space<vmem>> -> memref<64xi32, #tpu.memory_space<vmem>>
            %dma_wait3A_43 = arith.constant 0 : i32
            %dma_wait3A_44 = arith.constant 0 : i32
            %dma_wait3A_45 = tpu.memref_slice %arg2[%dma_wait3A_43, %dma_wait3A_44] : memref<20000x128xf32, #tpu.memory_space<hbm>> -> memref<20000x128xf32, #tpu.memory_space<hbm>>
            tpu.wait_indirect_dma semaphore(%arg10 : memref<!tpu.dma_semaphore, #tpu.memory_space<semaphore_mem>>) src(%dma_wait3A_45 : memref<20000x128xf32, #tpu.memory_space<hbm>>) dst(%dma_wait3A_39 : memref<64x128xf32, #tpu.memory_space<vmem>>)
            %rem3A_46 = arith.constant 3 : i32
            %rem3A_47 = arith.remsi %sub3A_35, %rem3A_46 : i32
            %mul3A_48 = arith.constant 64 : i32
            %mul3A_49 = arith.muli %rem3A_47, %mul3A_48 : i32
            %multiple_of3A_50 = tpu.assume_multiple %mul3A_49, 64 : i32
            "tpu.region"() ({
              %run_scoped3A = tpu.sem_alloc : memref<!tpu.dma_semaphore, #tpu.memory_space<semaphore_mem>>
              %dma_start3A = arith.constant 0 : i32
              %dma_start3A_51 = tpu.memref_slice %arg9[%multiple_of3A_50, %dma_start3A] : memref<192x128xf32, #tpu.memory_space<vmem>> -> memref<64x128xf32, #tpu.memory_space<vmem>>
              %dma_start3A_52 = arith.constant 0 : i32
              %dma_start3A_53 = tpu.memref_slice %arg8[%sub3A_35, %dma_start3A_52] : memref<160x64xi32, #tpu.memory_space<vmem>> -> memref<1x64xi32, #tpu.memory_space<vmem>>
              %dma_start3A_54 = tpu.memref_squeeze %dma_start3A_53 : memref<1x64xi32, #tpu.memory_space<vmem>> -> memref<64xi32, #tpu.memory_space<vmem>>
              %dma_start3A_55 = arith.constant 0 : i32
              %dma_start3A_56 = arith.constant 0 : i32
              %dma_start3A_57 = tpu.memref_slice %arg11[%dma_start3A_55, %dma_start3A_56] : memref<5120x128xf32, #tpu.memory_space<vmem_shared>> -> memref<5120x128xf32, #tpu.memory_space<vmem_shared>>
              tpu.enqueue_indirect_dma source(%dma_start3A_51 : memref<64x128xf32, #tpu.memory_space<vmem>>) target(%dma_start3A_57 : memref<5120x128xf32, #tpu.memory_space<vmem_shared>>) offsets(%dma_start3A_54 : memref<64xi32, #tpu.memory_space<vmem>>) semaphore(%run_scoped3A : memref<!tpu.dma_semaphore, #tpu.memory_space<semaphore_mem>>) {add = true}
              %dma_wait3A_58 = arith.constant 0 : i32
              %dma_wait3A_59 = tpu.memref_slice %arg9[%multiple_of3A_50, %dma_wait3A_58] : memref<192x128xf32, #tpu.memory_space<vmem>> -> memref<64x128xf32, #tpu.memory_space<vmem>>
              %dma_wait3A_60 = arith.constant 0 : i32
              %dma_wait3A_61 = tpu.memref_slice %arg8[%sub3A_35, %dma_wait3A_60] : memref<160x64xi32, #tpu.memory_space<vmem>> -> memref<1x64xi32, #tpu.memory_space<vmem>>
              %dma_wait3A_62 = tpu.memref_squeeze %dma_wait3A_61 : memref<1x64xi32, #tpu.memory_space<vmem>> -> memref<64xi32, #tpu.memory_space<vmem>>
              %dma_wait3A_63 = arith.constant 0 : i32
              %dma_wait3A_64 = arith.constant 0 : i32
              %dma_wait3A_65 = tpu.memref_slice %arg11[%dma_wait3A_63, %dma_wait3A_64] : memref<5120x128xf32, #tpu.memory_space<vmem_shared>> -> memref<5120x128xf32, #tpu.memory_space<vmem_shared>>
              tpu.wait_indirect_dma semaphore(%run_scoped3A : memref<!tpu.dma_semaphore, #tpu.memory_space<semaphore_mem>>) src(%dma_wait3A_59 : memref<64x128xf32, #tpu.memory_space<vmem>>) dst(%dma_wait3A_65 : memref<5120x128xf32, #tpu.memory_space<vmem_shared>>)
              tpu.yield
            }) : () -> ()
          } else {
          }
        }
        %scan3A_27 = arith.constant 162 : i32
      }
      %scan3A_14 = arith.constant 2 : i32
      %barrier3A_15 = arith.constant 0 : index
      tpu.barrier barrier_id(%barrier3A_15)
      %mul3A_16 = arith.constant 4992 : i32
      %mul3A_17 = arith.muli %scan3A_8, %mul3A_16 : i32
      %add3A = arith.addi %mul3A_17, %mul3A_0 : i32
      "tpu.region"() ({
        %run_scoped3A = tpu.sem_alloc : memref<!tpu.dma_semaphore, #tpu.memory_space<semaphore_mem>>
        %dma_start3A = arith.constant 0 : i32
        %dma_start3A_18 = tpu.memref_slice %arg6[%arg0, %add3A, %dma_start3A] : memref<2x10112x128xf32, #tpu.memory_space<hbm>> -> memref<1x320x128xf32, #tpu.memory_space<hbm>>
        %dma_start3A_19 = tpu.memref_squeeze %dma_start3A_18 : memref<1x320x128xf32, #tpu.memory_space<hbm>> -> memref<320x128xf32, #tpu.memory_space<hbm>>
        %dma_start3A_20 = arith.constant 0 : i32
        %dma_start3A_21 = tpu.memref_slice %arg11[%mul3A_0, %dma_start3A_20] : memref<5120x128xf32, #tpu.memory_space<vmem_shared>> -> memref<320x128xf32, #tpu.memory_space<vmem_shared>>
        tpu.enqueue_dma source(%dma_start3A_21 : memref<320x128xf32, #tpu.memory_space<vmem_shared>>) target(%dma_start3A_19 : memref<320x128xf32, #tpu.memory_space<hbm>>) target_semaphore(%run_scoped3A : memref<!tpu.dma_semaphore, #tpu.memory_space<semaphore_mem>>)
        %dma_wait3A = arith.constant 0 : i32
        %dma_wait3A_22 = tpu.memref_slice %arg6[%arg0, %add3A, %dma_wait3A] : memref<2x10112x128xf32, #tpu.memory_space<hbm>> -> memref<1x320x128xf32, #tpu.memory_space<hbm>>
        %dma_wait3A_23 = tpu.memref_squeeze %dma_wait3A_22 : memref<1x320x128xf32, #tpu.memory_space<hbm>> -> memref<320x128xf32, #tpu.memory_space<hbm>>
        %dma_wait3A_24 = arith.constant 0 : i32
        %dma_wait3A_25 = tpu.memref_slice %arg11[%mul3A_0, %dma_wait3A_24] : memref<5120x128xf32, #tpu.memory_space<vmem_shared>> -> memref<320x128xf32, #tpu.memory_space<vmem_shared>>
        tpu.wait_dma2 semaphore(%run_scoped3A : memref<!tpu.dma_semaphore, #tpu.memory_space<semaphore_mem>>) src(%dma_wait3A_25 : memref<320x128xf32, #tpu.memory_space<vmem_shared>>) dst(%dma_wait3A_23 : memref<320x128xf32, #tpu.memory_space<hbm>>)
        tpu.yield
      }) : () -> ()
    }
    %scan3A_7 = arith.constant 2 : i32
    return
  }
}

#map = affine_map<(d0, d1) -> (0, 0)>
#map1 = affine_map<(d0, d1) -> (0, 0, 0)>
module attributes {stable_mosaic.version = 14 : i64} {
  func.func @_edge_body(%arg0: i32, %arg1: i32, %arg2: memref<20000x128xf32, #tpu.memory_space<hbm>>, %arg3: memref<2x5120x64xi32, #tpu.memory_space<hbm>>, %arg4: memref<2x5120x64xi32, #tpu.memory_space<hbm>>, %arg5: memref<320x128xf32, #tpu.memory_space<hbm>>, %arg6: memref<2x10112x128xf32, #tpu.memory_space<hbm>>, %arg7: memref<160x64xi32, #tpu.memory_space<vmem>>, %arg8: memref<160x64xi32, #tpu.memory_space<vmem>>, %arg9: memref<192x128xf32, #tpu.memory_space<vmem>>, %arg10: memref<!tpu.dma_semaphore, #tpu.memory_space<semaphore_mem>>, %arg11: memref<5120x128xf32, #tpu.memory_space<vmem_shared>>) attributes {dimension_semantics = [#tpu.dimension_semantics<core_parallel>, #tpu.dimension_semantics<subcore_parallel>], iteration_bounds = array<i64: 2, 16>, scalar_prefetch = 0 : i64, scratch_operands = 5 : i64, tpu.core_type = #tpu.core_type<sc_vector_subcore>, window_params = [{transform_indices = #map}, {transform_indices = #map1}, {transform_indices = #map1}, {transform_indices = #map}, {transform_indices = #map1}]} {
    %mul3A = arith.constant 320 : i32
    %mul3A_0 = arith.muli %arg1, %mul3A : i32
    %mul3A_1 = arith.constant 320 : i32
    %mul3A_2 = arith.muli %arg1, %mul3A_1 : i32
    %scan3A = arith.constant 0 : i32
    %scan3A_3 = arith.constant 0 : i32
    %scan3A_4 = arith.constant 2 : i32
    %scan3A_5 = arith.addi %scan3A_3, %scan3A_4 : i32
    %scan3A_6 = arith.constant 1 : i32
    scf.for %scan3A_8 = %scan3A_3 to %scan3A_5 step %scan3A_6  : i32 {
      "tpu.region"() ({
        %run_scoped3A = tpu.sem_alloc : memref<!tpu.dma_semaphore, #tpu.memory_space<semaphore_mem>>
        %dma_start3A = arith.constant 0 : i32
        %dma_start3A_18 = tpu.memref_slice %arg11[%mul3A_0, %dma_start3A] : memref<5120x128xf32, #tpu.memory_space<vmem_shared>> -> memref<320x128xf32, #tpu.memory_space<vmem_shared>>
        tpu.enqueue_dma source(%arg5 : memref<320x128xf32, #tpu.memory_space<hbm>>) target(%dma_start3A_18 : memref<320x128xf32, #tpu.memory_space<vmem_shared>>) target_semaphore(%run_scoped3A : memref<!tpu.dma_semaphore, #tpu.memory_space<semaphore_mem>>)
        %dma_wait3A = arith.constant 0 : i32
        %dma_wait3A_19 = tpu.memref_slice %arg11[%mul3A_0, %dma_wait3A] : memref<5120x128xf32, #tpu.memory_space<vmem_shared>> -> memref<320x128xf32, #tpu.memory_space<vmem_shared>>
        tpu.wait_dma2 semaphore(%run_scoped3A : memref<!tpu.dma_semaphore, #tpu.memory_space<semaphore_mem>>) src(%arg5 : memref<320x128xf32, #tpu.memory_space<hbm>>) dst(%dma_wait3A_19 : memref<320x128xf32, #tpu.memory_space<vmem_shared>>)
        tpu.yield
      }) : () -> ()
      %barrier3A = arith.constant 0 : index
      tpu.barrier barrier_id(%barrier3A)
      %scan3A_9 = arith.constant 0 : i32
      %scan3A_10 = arith.constant 0 : i32
      %scan3A_11 = arith.constant 2 : i32
      %scan3A_12 = arith.addi %scan3A_10, %scan3A_11 : i32
      %scan3A_13 = arith.constant 1 : i32
      scf.for %scan3A_18 = %scan3A_10 to %scan3A_12 step %scan3A_13  : i32 {
        %mul3A_19 = arith.constant 160 : i32
        %mul3A_20 = arith.muli %scan3A_18, %mul3A_19 : i32
        %add3A_21 = arith.addi %mul3A_2, %mul3A_20 : i32
        "tpu.region"() ({
          %run_scoped3A = tpu.sem_alloc : memref<!tpu.dma_semaphore, #tpu.memory_space<semaphore_mem>>
          %dma_start3A = arith.constant 0 : i32
          %dma_start3A_28 = tpu.memref_slice %arg3[%arg0, %add3A_21, %dma_start3A] : memref<2x5120x64xi32, #tpu.memory_space<hbm>> -> memref<1x160x64xi32, #tpu.memory_space<hbm>>
          %dma_start3A_29 = tpu.memref_squeeze %dma_start3A_28 : memref<1x160x64xi32, #tpu.memory_space<hbm>> -> memref<160x64xi32, #tpu.memory_space<hbm>>
          %dma_start3A_30 = arith.constant 0 : i32
          %dma_start3A_31 = tpu.memref_slice %arg3[%arg0, %add3A_21, %dma_start3A_30] : memref<2x5120x64xi32, #tpu.memory_space<hbm>> -> memref<1x160x64xi32, #tpu.memory_space<hbm>>
          %dma_start3A_32 = tpu.memref_squeeze %dma_start3A_31 : memref<1x160x64xi32, #tpu.memory_space<hbm>> -> memref<160x64xi32, #tpu.memory_space<hbm>>
          tpu.enqueue_dma source(%dma_start3A_32 : memref<160x64xi32, #tpu.memory_space<hbm>>) target(%arg7 : memref<160x64xi32, #tpu.memory_space<vmem>>) target_semaphore(%run_scoped3A : memref<!tpu.dma_semaphore, #tpu.memory_space<semaphore_mem>>)
          %dma_wait3A = arith.constant 0 : i32
          %dma_wait3A_33 = tpu.memref_slice %arg3[%arg0, %add3A_21, %dma_wait3A] : memref<2x5120x64xi32, #tpu.memory_space<hbm>> -> memref<1x160x64xi32, #tpu.memory_space<hbm>>
          %dma_wait3A_34 = tpu.memref_squeeze %dma_wait3A_33 : memref<1x160x64xi32, #tpu.memory_space<hbm>> -> memref<160x64xi32, #tpu.memory_space<hbm>>
          %dma_wait3A_35 = arith.constant 0 : i32
          %dma_wait3A_36 = tpu.memref_slice %arg3[%arg0, %add3A_21, %dma_wait3A_35] : memref<2x5120x64xi32, #tpu.memory_space<hbm>> -> memref<1x160x64xi32, #tpu.memory_space<hbm>>
          %dma_wait3A_37 = tpu.memref_squeeze %dma_wait3A_36 : memref<1x160x64xi32, #tpu.memory_space<hbm>> -> memref<160x64xi32, #tpu.memory_space<hbm>>
          tpu.wait_dma2 semaphore(%run_scoped3A : memref<!tpu.dma_semaphore, #tpu.memory_space<semaphore_mem>>) src(%dma_wait3A_37 : memref<160x64xi32, #tpu.memory_space<hbm>>) dst(%arg7 : memref<160x64xi32, #tpu.memory_space<vmem>>)
          tpu.yield
        }) : () -> ()
        "tpu.region"() ({
          %run_scoped3A = tpu.sem_alloc : memref<!tpu.dma_semaphore, #tpu.memory_space<semaphore_mem>>
          %dma_start3A = arith.constant 0 : i32
          %dma_start3A_28 = tpu.memref_slice %arg4[%scan3A_8, %add3A_21, %dma_start3A] : memref<2x5120x64xi32, #tpu.memory_space<hbm>> -> memref<1x160x64xi32, #tpu.memory_space<hbm>>
          %dma_start3A_29 = tpu.memref_squeeze %dma_start3A_28 : memref<1x160x64xi32, #tpu.memory_space<hbm>> -> memref<160x64xi32, #tpu.memory_space<hbm>>
          %dma_start3A_30 = arith.constant 0 : i32
          %dma_start3A_31 = tpu.memref_slice %arg4[%scan3A_8, %add3A_21, %dma_start3A_30] : memref<2x5120x64xi32, #tpu.memory_space<hbm>> -> memref<1x160x64xi32, #tpu.memory_space<hbm>>
          %dma_start3A_32 = tpu.memref_squeeze %dma_start3A_31 : memref<1x160x64xi32, #tpu.memory_space<hbm>> -> memref<160x64xi32, #tpu.memory_space<hbm>>
          tpu.enqueue_dma source(%dma_start3A_32 : memref<160x64xi32, #tpu.memory_space<hbm>>) target(%arg8 : memref<160x64xi32, #tpu.memory_space<vmem>>) target_semaphore(%run_scoped3A : memref<!tpu.dma_semaphore, #tpu.memory_space<semaphore_mem>>)
          %dma_wait3A = arith.constant 0 : i32
          %dma_wait3A_33 = tpu.memref_slice %arg4[%scan3A_8, %add3A_21, %dma_wait3A] : memref<2x5120x64xi32, #tpu.memory_space<hbm>> -> memref<1x160x64xi32, #tpu.memory_space<hbm>>
          %dma_wait3A_34 = tpu.memref_squeeze %dma_wait3A_33 : memref<1x160x64xi32, #tpu.memory_space<hbm>> -> memref<160x64xi32, #tpu.memory_space<hbm>>
          %dma_wait3A_35 = arith.constant 0 : i32
          %dma_wait3A_36 = tpu.memref_slice %arg4[%scan3A_8, %add3A_21, %dma_wait3A_35] : memref<2x5120x64xi32, #tpu.memory_space<hbm>> -> memref<1x160x64xi32, #tpu.memory_space<hbm>>
          %dma_wait3A_37 = tpu.memref_squeeze %dma_wait3A_36 : memref<1x160x64xi32, #tpu.memory_space<hbm>> -> memref<160x64xi32, #tpu.memory_space<hbm>>
          tpu.wait_dma2 semaphore(%run_scoped3A : memref<!tpu.dma_semaphore, #tpu.memory_space<semaphore_mem>>) src(%dma_wait3A_37 : memref<160x64xi32, #tpu.memory_space<hbm>>) dst(%arg8 : memref<160x64xi32, #tpu.memory_space<vmem>>)
          tpu.yield
        }) : () -> ()
        %scan3A_22 = arith.constant 0 : i32
        %scan3A_23 = arith.constant 0 : i32
        %scan3A_24 = arith.constant 162 : i32
        %scan3A_25 = arith.addi %scan3A_23, %scan3A_24 : i32
        %scan3A_26 = arith.constant 1 : i32
        scf.for %scan3A_28 = %scan3A_23 to %scan3A_25 step %scan3A_26  : i32 {
          %lt3A = arith.constant 160 : i32
          %lt3A_29 = arith.cmpi slt, %scan3A_28, %lt3A : i32
          %convert_element_type3A = arith.extui %lt3A_29 : i1 to i32
          %cond3A = arith.constant 0 : i32
          %cond3A_30 = arith.cmpi ne, %convert_element_type3A, %cond3A : i32
          scf.if %cond3A_30 {
            %rem3A = arith.constant 3 : i32
            %rem3A_35 = arith.remsi %scan3A_28, %rem3A : i32
            %mul3A_36 = arith.constant 64 : i32
            %mul3A_37 = arith.muli %rem3A_35, %mul3A_36 : i32
            %multiple_of3A = tpu.assume_multiple %mul3A_37, 64 : i32
            %dma_start3A = arith.constant 0 : i32
            %dma_start3A_38 = tpu.memref_slice %arg9[%multiple_of3A, %dma_start3A] : memref<192x128xf32, #tpu.memory_space<vmem>> -> memref<64x128xf32, #tpu.memory_space<vmem>>
            %dma_start3A_39 = arith.constant 0 : i32
            %dma_start3A_40 = tpu.memref_slice %arg7[%scan3A_28, %dma_start3A_39] : memref<160x64xi32, #tpu.memory_space<vmem>> -> memref<1x64xi32, #tpu.memory_space<vmem>>
            %dma_start3A_41 = tpu.memref_squeeze %dma_start3A_40 : memref<1x64xi32, #tpu.memory_space<vmem>> -> memref<64xi32, #tpu.memory_space<vmem>>
            %dma_start3A_42 = arith.constant 0 : i32
            %dma_start3A_43 = arith.constant 0 : i32
            %dma_start3A_44 = tpu.memref_slice %arg2[%dma_start3A_42, %dma_start3A_43] : memref<20000x128xf32, #tpu.memory_space<hbm>> -> memref<20000x128xf32, #tpu.memory_space<hbm>>
            tpu.enqueue_indirect_dma source(%dma_start3A_44 : memref<20000x128xf32, #tpu.memory_space<hbm>>) target(%dma_start3A_38 : memref<64x128xf32, #tpu.memory_space<vmem>>) offsets(%dma_start3A_41 : memref<64xi32, #tpu.memory_space<vmem>>) semaphore(%arg10 : memref<!tpu.dma_semaphore, #tpu.memory_space<semaphore_mem>>)
          } else {
          }
          %ge3A = arith.constant 2 : i32
          %ge3A_31 = arith.cmpi sge, %scan3A_28, %ge3A : i32
          %convert_element_type3A_32 = arith.extui %ge3A_31 : i1 to i32
          %cond3A_33 = arith.constant 0 : i32
          %cond3A_34 = arith.cmpi ne, %convert_element_type3A_32, %cond3A_33 : i32
          scf.if %cond3A_34 {
            %sub3A = arith.constant 2 : i32
            %sub3A_35 = arith.subi %scan3A_28, %sub3A : i32
            %rem3A = arith.constant 3 : i32
            %rem3A_36 = arith.remsi %sub3A_35, %rem3A : i32
            %mul3A_37 = arith.constant 64 : i32
            %mul3A_38 = arith.muli %rem3A_36, %mul3A_37 : i32
            %multiple_of3A = tpu.assume_multiple %mul3A_38, 64 : i32
            %dma_wait3A = arith.constant 0 : i32
            %dma_wait3A_39 = tpu.memref_slice %arg9[%multiple_of3A, %dma_wait3A] : memref<192x128xf32, #tpu.memory_space<vmem>> -> memref<64x128xf32, #tpu.memory_space<vmem>>
            %dma_wait3A_40 = arith.constant 0 : i32
            %dma_wait3A_41 = tpu.memref_slice %arg7[%sub3A_35, %dma_wait3A_40] : memref<160x64xi32, #tpu.memory_space<vmem>> -> memref<1x64xi32, #tpu.memory_space<vmem>>
            %dma_wait3A_42 = tpu.memref_squeeze %dma_wait3A_41 : memref<1x64xi32, #tpu.memory_space<vmem>> -> memref<64xi32, #tpu.memory_space<vmem>>
            %dma_wait3A_43 = arith.constant 0 : i32
            %dma_wait3A_44 = arith.constant 0 : i32
            %dma_wait3A_45 = tpu.memref_slice %arg2[%dma_wait3A_43, %dma_wait3A_44] : memref<20000x128xf32, #tpu.memory_space<hbm>> -> memref<20000x128xf32, #tpu.memory_space<hbm>>
            tpu.wait_indirect_dma semaphore(%arg10 : memref<!tpu.dma_semaphore, #tpu.memory_space<semaphore_mem>>) src(%dma_wait3A_45 : memref<20000x128xf32, #tpu.memory_space<hbm>>) dst(%dma_wait3A_39 : memref<64x128xf32, #tpu.memory_space<vmem>>)
            %rem3A_46 = arith.constant 3 : i32
            %rem3A_47 = arith.remsi %sub3A_35, %rem3A_46 : i32
            %mul3A_48 = arith.constant 64 : i32
            %mul3A_49 = arith.muli %rem3A_47, %mul3A_48 : i32
            %multiple_of3A_50 = tpu.assume_multiple %mul3A_49, 64 : i32
            "tpu.region"() ({
              %run_scoped3A = tpu.sem_alloc : memref<!tpu.dma_semaphore, #tpu.memory_space<semaphore_mem>>
              %dma_start3A = arith.constant 0 : i32
              %dma_start3A_51 = tpu.memref_slice %arg9[%multiple_of3A_50, %dma_start3A] : memref<192x128xf32, #tpu.memory_space<vmem>> -> memref<64x128xf32, #tpu.memory_space<vmem>>
              %dma_start3A_52 = arith.constant 0 : i32
              %dma_start3A_53 = tpu.memref_slice %arg8[%sub3A_35, %dma_start3A_52] : memref<160x64xi32, #tpu.memory_space<vmem>> -> memref<1x64xi32, #tpu.memory_space<vmem>>
              %dma_start3A_54 = tpu.memref_squeeze %dma_start3A_53 : memref<1x64xi32, #tpu.memory_space<vmem>> -> memref<64xi32, #tpu.memory_space<vmem>>
              %dma_start3A_55 = arith.constant 0 : i32
              %dma_start3A_56 = arith.constant 0 : i32
              %dma_start3A_57 = tpu.memref_slice %arg11[%dma_start3A_55, %dma_start3A_56] : memref<5120x128xf32, #tpu.memory_space<vmem_shared>> -> memref<5120x128xf32, #tpu.memory_space<vmem_shared>>
              tpu.enqueue_indirect_dma source(%dma_start3A_51 : memref<64x128xf32, #tpu.memory_space<vmem>>) target(%dma_start3A_57 : memref<5120x128xf32, #tpu.memory_space<vmem_shared>>) offsets(%dma_start3A_54 : memref<64xi32, #tpu.memory_space<vmem>>) semaphore(%run_scoped3A : memref<!tpu.dma_semaphore, #tpu.memory_space<semaphore_mem>>) {add = true}
              %dma_wait3A_58 = arith.constant 0 : i32
              %dma_wait3A_59 = tpu.memref_slice %arg9[%multiple_of3A_50, %dma_wait3A_58] : memref<192x128xf32, #tpu.memory_space<vmem>> -> memref<64x128xf32, #tpu.memory_space<vmem>>
              %dma_wait3A_60 = arith.constant 0 : i32
              %dma_wait3A_61 = tpu.memref_slice %arg8[%sub3A_35, %dma_wait3A_60] : memref<160x64xi32, #tpu.memory_space<vmem>> -> memref<1x64xi32, #tpu.memory_space<vmem>>
              %dma_wait3A_62 = tpu.memref_squeeze %dma_wait3A_61 : memref<1x64xi32, #tpu.memory_space<vmem>> -> memref<64xi32, #tpu.memory_space<vmem>>
              %dma_wait3A_63 = arith.constant 0 : i32
              %dma_wait3A_64 = arith.constant 0 : i32
              %dma_wait3A_65 = tpu.memref_slice %arg11[%dma_wait3A_63, %dma_wait3A_64] : memref<5120x128xf32, #tpu.memory_space<vmem_shared>> -> memref<5120x128xf32, #tpu.memory_space<vmem_shared>>
              tpu.wait_indirect_dma semaphore(%run_scoped3A : memref<!tpu.dma_semaphore, #tpu.memory_space<semaphore_mem>>) src(%dma_wait3A_59 : memref<64x128xf32, #tpu.memory_space<vmem>>) dst(%dma_wait3A_65 : memref<5120x128xf32, #tpu.memory_space<vmem_shared>>)
              tpu.yield
            }) : () -> ()
          } else {
          }
        }
        %scan3A_27 = arith.constant 162 : i32
      }
      %scan3A_14 = arith.constant 2 : i32
      %barrier3A_15 = arith.constant 0 : index
      tpu.barrier barrier_id(%barrier3A_15)
      %mul3A_16 = arith.constant 4992 : i32
      %mul3A_17 = arith.muli %scan3A_8, %mul3A_16 : i32
      %add3A = arith.addi %mul3A_17, %mul3A_0 : i32
      "tpu.region"() ({
        %run_scoped3A = tpu.sem_alloc : memref<!tpu.dma_semaphore, #tpu.memory_space<semaphore_mem>>
        %dma_start3A = arith.constant 0 : i32
        %dma_start3A_18 = tpu.memref_slice %arg6[%arg0, %add3A, %dma_start3A] : memref<2x10112x128xf32, #tpu.memory_space<hbm>> -> memref<1x320x128xf32, #tpu.memory_space<hbm>>
        %dma_start3A_19 = tpu.memref_squeeze %dma_start3A_18 : memref<1x320x128xf32, #tpu.memory_space<hbm>> -> memref<320x128xf32, #tpu.memory_space<hbm>>
        %dma_start3A_20 = arith.constant 0 : i32
        %dma_start3A_21 = tpu.memref_slice %arg11[%mul3A_0, %dma_start3A_20] : memref<5120x128xf32, #tpu.memory_space<vmem_shared>> -> memref<320x128xf32, #tpu.memory_space<vmem_shared>>
        tpu.enqueue_dma source(%dma_start3A_21 : memref<320x128xf32, #tpu.memory_space<vmem_shared>>) target(%dma_start3A_19 : memref<320x128xf32, #tpu.memory_space<hbm>>) target_semaphore(%run_scoped3A : memref<!tpu.dma_semaphore, #tpu.memory_space<semaphore_mem>>)
        %dma_wait3A = arith.constant 0 : i32
        %dma_wait3A_22 = tpu.memref_slice %arg6[%arg0, %add3A, %dma_wait3A] : memref<2x10112x128xf32, #tpu.memory_space<hbm>> -> memref<1x320x128xf32, #tpu.memory_space<hbm>>
        %dma_wait3A_23 = tpu.memref_squeeze %dma_wait3A_22 : memref<1x320x128xf32, #tpu.memory_space<hbm>> -> memref<320x128xf32, #tpu.memory_space<hbm>>
        %dma_wait3A_24 = arith.constant 0 : i32
        %dma_wait3A_25 = tpu.memref_slice %arg11[%mul3A_0, %dma_wait3A_24] : memref<5120x128xf32, #tpu.memory_space<vmem_shared>> -> memref<320x128xf32, #tpu.memory_space<vmem_shared>>
        tpu.wait_dma2 semaphore(%run_scoped3A : memref<!tpu.dma_semaphore, #tpu.memory_space<semaphore_mem>>) src(%dma_wait3A_25 : memref<320x128xf32, #tpu.memory_space<vmem_shared>>) dst(%dma_wait3A_23 : memref<320x128xf32, #tpu.memory_space<hbm>>)
        tpu.yield
      }) : () -> ()
    }
    %scan3A_7 = arith.constant 2 : i32
    return
  }
}

#map = affine_map<(d0, d1) -> (0, 0)>
#map1 = affine_map<(d0, d1) -> (0, 0, 0)>
module attributes {stable_mosaic.version = 14 : i64} {
  func.func @_edge_body(%arg0: i32, %arg1: i32, %arg2: memref<20000x128xf32, #tpu.memory_space<hbm>>, %arg3: memref<2x5120x64xi32, #tpu.memory_space<hbm>>, %arg4: memref<2x5120x64xi32, #tpu.memory_space<hbm>>, %arg5: memref<320x128xf32, #tpu.memory_space<hbm>>, %arg6: memref<2x10112x128xf32, #tpu.memory_space<hbm>>, %arg7: memref<160x64xi32, #tpu.memory_space<vmem>>, %arg8: memref<160x64xi32, #tpu.memory_space<vmem>>, %arg9: memref<192x128xf32, #tpu.memory_space<vmem>>, %arg10: memref<!tpu.dma_semaphore, #tpu.memory_space<semaphore_mem>>, %arg11: memref<5120x128xf32, #tpu.memory_space<vmem_shared>>) attributes {dimension_semantics = [#tpu.dimension_semantics<core_parallel>, #tpu.dimension_semantics<subcore_parallel>], iteration_bounds = array<i64: 2, 16>, scalar_prefetch = 0 : i64, scratch_operands = 5 : i64, tpu.core_type = #tpu.core_type<sc_vector_subcore>, window_params = [{transform_indices = #map}, {transform_indices = #map1}, {transform_indices = #map1}, {transform_indices = #map}, {transform_indices = #map1}]} {
    %mul3A = arith.constant 320 : i32
    %mul3A_0 = arith.muli %arg1, %mul3A : i32
    %mul3A_1 = arith.constant 320 : i32
    %mul3A_2 = arith.muli %arg1, %mul3A_1 : i32
    %scan3A = arith.constant 0 : i32
    %scan3A_3 = arith.constant 0 : i32
    %scan3A_4 = arith.constant 2 : i32
    %scan3A_5 = arith.addi %scan3A_3, %scan3A_4 : i32
    %scan3A_6 = arith.constant 1 : i32
    scf.for %scan3A_8 = %scan3A_3 to %scan3A_5 step %scan3A_6  : i32 {
      "tpu.region"() ({
        %run_scoped3A = tpu.sem_alloc : memref<!tpu.dma_semaphore, #tpu.memory_space<semaphore_mem>>
        %dma_start3A = arith.constant 0 : i32
        %dma_start3A_18 = tpu.memref_slice %arg11[%mul3A_0, %dma_start3A] : memref<5120x128xf32, #tpu.memory_space<vmem_shared>> -> memref<320x128xf32, #tpu.memory_space<vmem_shared>>
        tpu.enqueue_dma source(%arg5 : memref<320x128xf32, #tpu.memory_space<hbm>>) target(%dma_start3A_18 : memref<320x128xf32, #tpu.memory_space<vmem_shared>>) target_semaphore(%run_scoped3A : memref<!tpu.dma_semaphore, #tpu.memory_space<semaphore_mem>>)
        %dma_wait3A = arith.constant 0 : i32
        %dma_wait3A_19 = tpu.memref_slice %arg11[%mul3A_0, %dma_wait3A] : memref<5120x128xf32, #tpu.memory_space<vmem_shared>> -> memref<320x128xf32, #tpu.memory_space<vmem_shared>>
        tpu.wait_dma2 semaphore(%run_scoped3A : memref<!tpu.dma_semaphore, #tpu.memory_space<semaphore_mem>>) src(%arg5 : memref<320x128xf32, #tpu.memory_space<hbm>>) dst(%dma_wait3A_19 : memref<320x128xf32, #tpu.memory_space<vmem_shared>>)
        tpu.yield
      }) : () -> ()
      %barrier3A = arith.constant 0 : index
      tpu.barrier barrier_id(%barrier3A)
      %scan3A_9 = arith.constant 0 : i32
      %scan3A_10 = arith.constant 0 : i32
      %scan3A_11 = arith.constant 2 : i32
      %scan3A_12 = arith.addi %scan3A_10, %scan3A_11 : i32
      %scan3A_13 = arith.constant 1 : i32
      scf.for %scan3A_18 = %scan3A_10 to %scan3A_12 step %scan3A_13  : i32 {
        %mul3A_19 = arith.constant 160 : i32
        %mul3A_20 = arith.muli %scan3A_18, %mul3A_19 : i32
        %add3A_21 = arith.addi %mul3A_2, %mul3A_20 : i32
        "tpu.region"() ({
          %run_scoped3A = tpu.sem_alloc : memref<!tpu.dma_semaphore, #tpu.memory_space<semaphore_mem>>
          %dma_start3A = arith.constant 0 : i32
          %dma_start3A_28 = tpu.memref_slice %arg3[%arg0, %add3A_21, %dma_start3A] : memref<2x5120x64xi32, #tpu.memory_space<hbm>> -> memref<1x160x64xi32, #tpu.memory_space<hbm>>
          %dma_start3A_29 = tpu.memref_squeeze %dma_start3A_28 : memref<1x160x64xi32, #tpu.memory_space<hbm>> -> memref<160x64xi32, #tpu.memory_space<hbm>>
          %dma_start3A_30 = arith.constant 0 : i32
          %dma_start3A_31 = tpu.memref_slice %arg3[%arg0, %add3A_21, %dma_start3A_30] : memref<2x5120x64xi32, #tpu.memory_space<hbm>> -> memref<1x160x64xi32, #tpu.memory_space<hbm>>
          %dma_start3A_32 = tpu.memref_squeeze %dma_start3A_31 : memref<1x160x64xi32, #tpu.memory_space<hbm>> -> memref<160x64xi32, #tpu.memory_space<hbm>>
          tpu.enqueue_dma source(%dma_start3A_32 : memref<160x64xi32, #tpu.memory_space<hbm>>) target(%arg7 : memref<160x64xi32, #tpu.memory_space<vmem>>) target_semaphore(%run_scoped3A : memref<!tpu.dma_semaphore, #tpu.memory_space<semaphore_mem>>)
          %dma_wait3A = arith.constant 0 : i32
          %dma_wait3A_33 = tpu.memref_slice %arg3[%arg0, %add3A_21, %dma_wait3A] : memref<2x5120x64xi32, #tpu.memory_space<hbm>> -> memref<1x160x64xi32, #tpu.memory_space<hbm>>
          %dma_wait3A_34 = tpu.memref_squeeze %dma_wait3A_33 : memref<1x160x64xi32, #tpu.memory_space<hbm>> -> memref<160x64xi32, #tpu.memory_space<hbm>>
          %dma_wait3A_35 = arith.constant 0 : i32
          %dma_wait3A_36 = tpu.memref_slice %arg3[%arg0, %add3A_21, %dma_wait3A_35] : memref<2x5120x64xi32, #tpu.memory_space<hbm>> -> memref<1x160x64xi32, #tpu.memory_space<hbm>>
          %dma_wait3A_37 = tpu.memref_squeeze %dma_wait3A_36 : memref<1x160x64xi32, #tpu.memory_space<hbm>> -> memref<160x64xi32, #tpu.memory_space<hbm>>
          tpu.wait_dma2 semaphore(%run_scoped3A : memref<!tpu.dma_semaphore, #tpu.memory_space<semaphore_mem>>) src(%dma_wait3A_37 : memref<160x64xi32, #tpu.memory_space<hbm>>) dst(%arg7 : memref<160x64xi32, #tpu.memory_space<vmem>>)
          tpu.yield
        }) : () -> ()
        "tpu.region"() ({
          %run_scoped3A = tpu.sem_alloc : memref<!tpu.dma_semaphore, #tpu.memory_space<semaphore_mem>>
          %dma_start3A = arith.constant 0 : i32
          %dma_start3A_28 = tpu.memref_slice %arg4[%scan3A_8, %add3A_21, %dma_start3A] : memref<2x5120x64xi32, #tpu.memory_space<hbm>> -> memref<1x160x64xi32, #tpu.memory_space<hbm>>
          %dma_start3A_29 = tpu.memref_squeeze %dma_start3A_28 : memref<1x160x64xi32, #tpu.memory_space<hbm>> -> memref<160x64xi32, #tpu.memory_space<hbm>>
          %dma_start3A_30 = arith.constant 0 : i32
          %dma_start3A_31 = tpu.memref_slice %arg4[%scan3A_8, %add3A_21, %dma_start3A_30] : memref<2x5120x64xi32, #tpu.memory_space<hbm>> -> memref<1x160x64xi32, #tpu.memory_space<hbm>>
          %dma_start3A_32 = tpu.memref_squeeze %dma_start3A_31 : memref<1x160x64xi32, #tpu.memory_space<hbm>> -> memref<160x64xi32, #tpu.memory_space<hbm>>
          tpu.enqueue_dma source(%dma_start3A_32 : memref<160x64xi32, #tpu.memory_space<hbm>>) target(%arg8 : memref<160x64xi32, #tpu.memory_space<vmem>>) target_semaphore(%run_scoped3A : memref<!tpu.dma_semaphore, #tpu.memory_space<semaphore_mem>>)
          %dma_wait3A = arith.constant 0 : i32
          %dma_wait3A_33 = tpu.memref_slice %arg4[%scan3A_8, %add3A_21, %dma_wait3A] : memref<2x5120x64xi32, #tpu.memory_space<hbm>> -> memref<1x160x64xi32, #tpu.memory_space<hbm>>
          %dma_wait3A_34 = tpu.memref_squeeze %dma_wait3A_33 : memref<1x160x64xi32, #tpu.memory_space<hbm>> -> memref<160x64xi32, #tpu.memory_space<hbm>>
          %dma_wait3A_35 = arith.constant 0 : i32
          %dma_wait3A_36 = tpu.memref_slice %arg4[%scan3A_8, %add3A_21, %dma_wait3A_35] : memref<2x5120x64xi32, #tpu.memory_space<hbm>> -> memref<1x160x64xi32, #tpu.memory_space<hbm>>
          %dma_wait3A_37 = tpu.memref_squeeze %dma_wait3A_36 : memref<1x160x64xi32, #tpu.memory_space<hbm>> -> memref<160x64xi32, #tpu.memory_space<hbm>>
          tpu.wait_dma2 semaphore(%run_scoped3A : memref<!tpu.dma_semaphore, #tpu.memory_space<semaphore_mem>>) src(%dma_wait3A_37 : memref<160x64xi32, #tpu.memory_space<hbm>>) dst(%arg8 : memref<160x64xi32, #tpu.memory_space<vmem>>)
          tpu.yield
        }) : () -> ()
        %scan3A_22 = arith.constant 0 : i32
        %scan3A_23 = arith.constant 0 : i32
        %scan3A_24 = arith.constant 162 : i32
        %scan3A_25 = arith.addi %scan3A_23, %scan3A_24 : i32
        %scan3A_26 = arith.constant 1 : i32
        scf.for %scan3A_28 = %scan3A_23 to %scan3A_25 step %scan3A_26  : i32 {
          %lt3A = arith.constant 160 : i32
          %lt3A_29 = arith.cmpi slt, %scan3A_28, %lt3A : i32
          %convert_element_type3A = arith.extui %lt3A_29 : i1 to i32
          %cond3A = arith.constant 0 : i32
          %cond3A_30 = arith.cmpi ne, %convert_element_type3A, %cond3A : i32
          scf.if %cond3A_30 {
            %rem3A = arith.constant 3 : i32
            %rem3A_35 = arith.remsi %scan3A_28, %rem3A : i32
            %mul3A_36 = arith.constant 64 : i32
            %mul3A_37 = arith.muli %rem3A_35, %mul3A_36 : i32
            %multiple_of3A = tpu.assume_multiple %mul3A_37, 64 : i32
            %dma_start3A = arith.constant 0 : i32
            %dma_start3A_38 = tpu.memref_slice %arg9[%multiple_of3A, %dma_start3A] : memref<192x128xf32, #tpu.memory_space<vmem>> -> memref<64x128xf32, #tpu.memory_space<vmem>>
            %dma_start3A_39 = arith.constant 0 : i32
            %dma_start3A_40 = tpu.memref_slice %arg7[%scan3A_28, %dma_start3A_39] : memref<160x64xi32, #tpu.memory_space<vmem>> -> memref<1x64xi32, #tpu.memory_space<vmem>>
            %dma_start3A_41 = tpu.memref_squeeze %dma_start3A_40 : memref<1x64xi32, #tpu.memory_space<vmem>> -> memref<64xi32, #tpu.memory_space<vmem>>
            %dma_start3A_42 = arith.constant 0 : i32
            %dma_start3A_43 = arith.constant 0 : i32
            %dma_start3A_44 = tpu.memref_slice %arg2[%dma_start3A_42, %dma_start3A_43] : memref<20000x128xf32, #tpu.memory_space<hbm>> -> memref<20000x128xf32, #tpu.memory_space<hbm>>
            tpu.enqueue_indirect_dma source(%dma_start3A_44 : memref<20000x128xf32, #tpu.memory_space<hbm>>) target(%dma_start3A_38 : memref<64x128xf32, #tpu.memory_space<vmem>>) offsets(%dma_start3A_41 : memref<64xi32, #tpu.memory_space<vmem>>) semaphore(%arg10 : memref<!tpu.dma_semaphore, #tpu.memory_space<semaphore_mem>>)
          } else {
          }
          %ge3A = arith.constant 2 : i32
          %ge3A_31 = arith.cmpi sge, %scan3A_28, %ge3A : i32
          %convert_element_type3A_32 = arith.extui %ge3A_31 : i1 to i32
          %cond3A_33 = arith.constant 0 : i32
          %cond3A_34 = arith.cmpi ne, %convert_element_type3A_32, %cond3A_33 : i32
          scf.if %cond3A_34 {
            %sub3A = arith.constant 2 : i32
            %sub3A_35 = arith.subi %scan3A_28, %sub3A : i32
            %rem3A = arith.constant 3 : i32
            %rem3A_36 = arith.remsi %sub3A_35, %rem3A : i32
            %mul3A_37 = arith.constant 64 : i32
            %mul3A_38 = arith.muli %rem3A_36, %mul3A_37 : i32
            %multiple_of3A = tpu.assume_multiple %mul3A_38, 64 : i32
            %dma_wait3A = arith.constant 0 : i32
            %dma_wait3A_39 = tpu.memref_slice %arg9[%multiple_of3A, %dma_wait3A] : memref<192x128xf32, #tpu.memory_space<vmem>> -> memref<64x128xf32, #tpu.memory_space<vmem>>
            %dma_wait3A_40 = arith.constant 0 : i32
            %dma_wait3A_41 = tpu.memref_slice %arg7[%sub3A_35, %dma_wait3A_40] : memref<160x64xi32, #tpu.memory_space<vmem>> -> memref<1x64xi32, #tpu.memory_space<vmem>>
            %dma_wait3A_42 = tpu.memref_squeeze %dma_wait3A_41 : memref<1x64xi32, #tpu.memory_space<vmem>> -> memref<64xi32, #tpu.memory_space<vmem>>
            %dma_wait3A_43 = arith.constant 0 : i32
            %dma_wait3A_44 = arith.constant 0 : i32
            %dma_wait3A_45 = tpu.memref_slice %arg2[%dma_wait3A_43, %dma_wait3A_44] : memref<20000x128xf32, #tpu.memory_space<hbm>> -> memref<20000x128xf32, #tpu.memory_space<hbm>>
            tpu.wait_indirect_dma semaphore(%arg10 : memref<!tpu.dma_semaphore, #tpu.memory_space<semaphore_mem>>) src(%dma_wait3A_45 : memref<20000x128xf32, #tpu.memory_space<hbm>>) dst(%dma_wait3A_39 : memref<64x128xf32, #tpu.memory_space<vmem>>)
            %rem3A_46 = arith.constant 3 : i32
            %rem3A_47 = arith.remsi %sub3A_35, %rem3A_46 : i32
            %mul3A_48 = arith.constant 64 : i32
            %mul3A_49 = arith.muli %rem3A_47, %mul3A_48 : i32
            %multiple_of3A_50 = tpu.assume_multiple %mul3A_49, 64 : i32
            "tpu.region"() ({
              %run_scoped3A = tpu.sem_alloc : memref<!tpu.dma_semaphore, #tpu.memory_space<semaphore_mem>>
              %dma_start3A = arith.constant 0 : i32
              %dma_start3A_51 = tpu.memref_slice %arg9[%multiple_of3A_50, %dma_start3A] : memref<192x128xf32, #tpu.memory_space<vmem>> -> memref<64x128xf32, #tpu.memory_space<vmem>>
              %dma_start3A_52 = arith.constant 0 : i32
              %dma_start3A_53 = tpu.memref_slice %arg8[%sub3A_35, %dma_start3A_52] : memref<160x64xi32, #tpu.memory_space<vmem>> -> memref<1x64xi32, #tpu.memory_space<vmem>>
              %dma_start3A_54 = tpu.memref_squeeze %dma_start3A_53 : memref<1x64xi32, #tpu.memory_space<vmem>> -> memref<64xi32, #tpu.memory_space<vmem>>
              %dma_start3A_55 = arith.constant 0 : i32
              %dma_start3A_56 = arith.constant 0 : i32
              %dma_start3A_57 = tpu.memref_slice %arg11[%dma_start3A_55, %dma_start3A_56] : memref<5120x128xf32, #tpu.memory_space<vmem_shared>> -> memref<5120x128xf32, #tpu.memory_space<vmem_shared>>
              tpu.enqueue_indirect_dma source(%dma_start3A_51 : memref<64x128xf32, #tpu.memory_space<vmem>>) target(%dma_start3A_57 : memref<5120x128xf32, #tpu.memory_space<vmem_shared>>) offsets(%dma_start3A_54 : memref<64xi32, #tpu.memory_space<vmem>>) semaphore(%run_scoped3A : memref<!tpu.dma_semaphore, #tpu.memory_space<semaphore_mem>>) {add = true}
              %dma_wait3A_58 = arith.constant 0 : i32
              %dma_wait3A_59 = tpu.memref_slice %arg9[%multiple_of3A_50, %dma_wait3A_58] : memref<192x128xf32, #tpu.memory_space<vmem>> -> memref<64x128xf32, #tpu.memory_space<vmem>>
              %dma_wait3A_60 = arith.constant 0 : i32
              %dma_wait3A_61 = tpu.memref_slice %arg8[%sub3A_35, %dma_wait3A_60] : memref<160x64xi32, #tpu.memory_space<vmem>> -> memref<1x64xi32, #tpu.memory_space<vmem>>
              %dma_wait3A_62 = tpu.memref_squeeze %dma_wait3A_61 : memref<1x64xi32, #tpu.memory_space<vmem>> -> memref<64xi32, #tpu.memory_space<vmem>>
              %dma_wait3A_63 = arith.constant 0 : i32
              %dma_wait3A_64 = arith.constant 0 : i32
              %dma_wait3A_65 = tpu.memref_slice %arg11[%dma_wait3A_63, %dma_wait3A_64] : memref<5120x128xf32, #tpu.memory_space<vmem_shared>> -> memref<5120x128xf32, #tpu.memory_space<vmem_shared>>
              tpu.wait_indirect_dma semaphore(%run_scoped3A : memref<!tpu.dma_semaphore, #tpu.memory_space<semaphore_mem>>) src(%dma_wait3A_59 : memref<64x128xf32, #tpu.memory_space<vmem>>) dst(%dma_wait3A_65 : memref<5120x128xf32, #tpu.memory_space<vmem_shared>>)
              tpu.yield
            }) : () -> ()
          } else {
          }
        }
        %scan3A_27 = arith.constant 162 : i32
      }
      %scan3A_14 = arith.constant 2 : i32
      %barrier3A_15 = arith.constant 0 : index
      tpu.barrier barrier_id(%barrier3A_15)
      %mul3A_16 = arith.constant 4992 : i32
      %mul3A_17 = arith.muli %scan3A_8, %mul3A_16 : i32
      %add3A = arith.addi %mul3A_17, %mul3A_0 : i32
      "tpu.region"() ({
        %run_scoped3A = tpu.sem_alloc : memref<!tpu.dma_semaphore, #tpu.memory_space<semaphore_mem>>
        %dma_start3A = arith.constant 0 : i32
        %dma_start3A_18 = tpu.memref_slice %arg6[%arg0, %add3A, %dma_start3A] : memref<2x10112x128xf32, #tpu.memory_space<hbm>> -> memref<1x320x128xf32, #tpu.memory_space<hbm>>
        %dma_start3A_19 = tpu.memref_squeeze %dma_start3A_18 : memref<1x320x128xf32, #tpu.memory_space<hbm>> -> memref<320x128xf32, #tpu.memory_space<hbm>>
        %dma_start3A_20 = arith.constant 0 : i32
        %dma_start3A_21 = tpu.memref_slice %arg11[%mul3A_0, %dma_start3A_20] : memref<5120x128xf32, #tpu.memory_space<vmem_shared>> -> memref<320x128xf32, #tpu.memory_space<vmem_shared>>
        tpu.enqueue_dma source(%dma_start3A_21 : memref<320x128xf32, #tpu.memory_space<vmem_shared>>) target(%dma_start3A_19 : memref<320x128xf32, #tpu.memory_space<hbm>>) target_semaphore(%run_scoped3A : memref<!tpu.dma_semaphore, #tpu.memory_space<semaphore_mem>>)
        %dma_wait3A = arith.constant 0 : i32
        %dma_wait3A_22 = tpu.memref_slice %arg6[%arg0, %add3A, %dma_wait3A] : memref<2x10112x128xf32, #tpu.memory_space<hbm>> -> memref<1x320x128xf32, #tpu.memory_space<hbm>>
        %dma_wait3A_23 = tpu.memref_squeeze %dma_wait3A_22 : memref<1x320x128xf32, #tpu.memory_space<hbm>> -> memref<320x128xf32, #tpu.memory_space<hbm>>
        %dma_wait3A_24 = arith.constant 0 : i32
        %dma_wait3A_25 = tpu.memref_slice %arg11[%mul3A_0, %dma_wait3A_24] : memref<5120x128xf32, #tpu.memory_space<vmem_shared>> -> memref<320x128xf32, #tpu.memory_space<vmem_shared>>
        tpu.wait_dma2 semaphore(%run_scoped3A : memref<!tpu.dma_semaphore, #tpu.memory_space<semaphore_mem>>) src(%dma_wait3A_25 : memref<320x128xf32, #tpu.memory_space<vmem_shared>>) dst(%dma_wait3A_23 : memref<320x128xf32, #tpu.memory_space<hbm>>)
        tpu.yield
      }) : () -> ()
    }
    %scan3A_7 = arith.constant 2 : i32
    return
  }
}

#map = affine_map<(d0, d1) -> (0, 0)>
#map1 = affine_map<(d0, d1) -> (0, 0, 0)>
module attributes {stable_mosaic.version = 14 : i64} {
  func.func @_edge_body(%arg0: i32, %arg1: i32, %arg2: memref<20000x128xf32, #tpu.memory_space<hbm>>, %arg3: memref<2x5120x64xi32, #tpu.memory_space<hbm>>, %arg4: memref<2x5120x64xi32, #tpu.memory_space<hbm>>, %arg5: memref<320x128xf32, #tpu.memory_space<hbm>>, %arg6: memref<2x10112x128xf32, #tpu.memory_space<hbm>>, %arg7: memref<160x64xi32, #tpu.memory_space<vmem>>, %arg8: memref<160x64xi32, #tpu.memory_space<vmem>>, %arg9: memref<192x128xf32, #tpu.memory_space<vmem>>, %arg10: memref<!tpu.dma_semaphore, #tpu.memory_space<semaphore_mem>>, %arg11: memref<5120x128xf32, #tpu.memory_space<vmem_shared>>) attributes {dimension_semantics = [#tpu.dimension_semantics<core_parallel>, #tpu.dimension_semantics<subcore_parallel>], iteration_bounds = array<i64: 2, 16>, scalar_prefetch = 0 : i64, scratch_operands = 5 : i64, tpu.core_type = #tpu.core_type<sc_vector_subcore>, window_params = [{transform_indices = #map}, {transform_indices = #map1}, {transform_indices = #map1}, {transform_indices = #map}, {transform_indices = #map1}]} {
    %mul3A = arith.constant 320 : i32
    %mul3A_0 = arith.muli %arg1, %mul3A : i32
    %mul3A_1 = arith.constant 320 : i32
    %mul3A_2 = arith.muli %arg1, %mul3A_1 : i32
    %scan3A = arith.constant 0 : i32
    %scan3A_3 = arith.constant 0 : i32
    %scan3A_4 = arith.constant 2 : i32
    %scan3A_5 = arith.addi %scan3A_3, %scan3A_4 : i32
    %scan3A_6 = arith.constant 1 : i32
    scf.for %scan3A_8 = %scan3A_3 to %scan3A_5 step %scan3A_6  : i32 {
      "tpu.region"() ({
        %run_scoped3A = tpu.sem_alloc : memref<!tpu.dma_semaphore, #tpu.memory_space<semaphore_mem>>
        %dma_start3A = arith.constant 0 : i32
        %dma_start3A_18 = tpu.memref_slice %arg11[%mul3A_0, %dma_start3A] : memref<5120x128xf32, #tpu.memory_space<vmem_shared>> -> memref<320x128xf32, #tpu.memory_space<vmem_shared>>
        tpu.enqueue_dma source(%arg5 : memref<320x128xf32, #tpu.memory_space<hbm>>) target(%dma_start3A_18 : memref<320x128xf32, #tpu.memory_space<vmem_shared>>) target_semaphore(%run_scoped3A : memref<!tpu.dma_semaphore, #tpu.memory_space<semaphore_mem>>)
        %dma_wait3A = arith.constant 0 : i32
        %dma_wait3A_19 = tpu.memref_slice %arg11[%mul3A_0, %dma_wait3A] : memref<5120x128xf32, #tpu.memory_space<vmem_shared>> -> memref<320x128xf32, #tpu.memory_space<vmem_shared>>
        tpu.wait_dma2 semaphore(%run_scoped3A : memref<!tpu.dma_semaphore, #tpu.memory_space<semaphore_mem>>) src(%arg5 : memref<320x128xf32, #tpu.memory_space<hbm>>) dst(%dma_wait3A_19 : memref<320x128xf32, #tpu.memory_space<vmem_shared>>)
        tpu.yield
      }) : () -> ()
      %barrier3A = arith.constant 0 : index
      tpu.barrier barrier_id(%barrier3A)
      %scan3A_9 = arith.constant 0 : i32
      %scan3A_10 = arith.constant 0 : i32
      %scan3A_11 = arith.constant 2 : i32
      %scan3A_12 = arith.addi %scan3A_10, %scan3A_11 : i32
      %scan3A_13 = arith.constant 1 : i32
      scf.for %scan3A_18 = %scan3A_10 to %scan3A_12 step %scan3A_13  : i32 {
        %mul3A_19 = arith.constant 160 : i32
        %mul3A_20 = arith.muli %scan3A_18, %mul3A_19 : i32
        %add3A_21 = arith.addi %mul3A_2, %mul3A_20 : i32
        "tpu.region"() ({
          %run_scoped3A = tpu.sem_alloc : memref<!tpu.dma_semaphore, #tpu.memory_space<semaphore_mem>>
          %dma_start3A = arith.constant 0 : i32
          %dma_start3A_28 = tpu.memref_slice %arg3[%arg0, %add3A_21, %dma_start3A] : memref<2x5120x64xi32, #tpu.memory_space<hbm>> -> memref<1x160x64xi32, #tpu.memory_space<hbm>>
          %dma_start3A_29 = tpu.memref_squeeze %dma_start3A_28 : memref<1x160x64xi32, #tpu.memory_space<hbm>> -> memref<160x64xi32, #tpu.memory_space<hbm>>
          %dma_start3A_30 = arith.constant 0 : i32
          %dma_start3A_31 = tpu.memref_slice %arg3[%arg0, %add3A_21, %dma_start3A_30] : memref<2x5120x64xi32, #tpu.memory_space<hbm>> -> memref<1x160x64xi32, #tpu.memory_space<hbm>>
          %dma_start3A_32 = tpu.memref_squeeze %dma_start3A_31 : memref<1x160x64xi32, #tpu.memory_space<hbm>> -> memref<160x64xi32, #tpu.memory_space<hbm>>
          tpu.enqueue_dma source(%dma_start3A_32 : memref<160x64xi32, #tpu.memory_space<hbm>>) target(%arg7 : memref<160x64xi32, #tpu.memory_space<vmem>>) target_semaphore(%run_scoped3A : memref<!tpu.dma_semaphore, #tpu.memory_space<semaphore_mem>>)
          %dma_wait3A = arith.constant 0 : i32
          %dma_wait3A_33 = tpu.memref_slice %arg3[%arg0, %add3A_21, %dma_wait3A] : memref<2x5120x64xi32, #tpu.memory_space<hbm>> -> memref<1x160x64xi32, #tpu.memory_space<hbm>>
          %dma_wait3A_34 = tpu.memref_squeeze %dma_wait3A_33 : memref<1x160x64xi32, #tpu.memory_space<hbm>> -> memref<160x64xi32, #tpu.memory_space<hbm>>
          %dma_wait3A_35 = arith.constant 0 : i32
          %dma_wait3A_36 = tpu.memref_slice %arg3[%arg0, %add3A_21, %dma_wait3A_35] : memref<2x5120x64xi32, #tpu.memory_space<hbm>> -> memref<1x160x64xi32, #tpu.memory_space<hbm>>
          %dma_wait3A_37 = tpu.memref_squeeze %dma_wait3A_36 : memref<1x160x64xi32, #tpu.memory_space<hbm>> -> memref<160x64xi32, #tpu.memory_space<hbm>>
          tpu.wait_dma2 semaphore(%run_scoped3A : memref<!tpu.dma_semaphore, #tpu.memory_space<semaphore_mem>>) src(%dma_wait3A_37 : memref<160x64xi32, #tpu.memory_space<hbm>>) dst(%arg7 : memref<160x64xi32, #tpu.memory_space<vmem>>)
          tpu.yield
        }) : () -> ()
        "tpu.region"() ({
          %run_scoped3A = tpu.sem_alloc : memref<!tpu.dma_semaphore, #tpu.memory_space<semaphore_mem>>
          %dma_start3A = arith.constant 0 : i32
          %dma_start3A_28 = tpu.memref_slice %arg4[%scan3A_8, %add3A_21, %dma_start3A] : memref<2x5120x64xi32, #tpu.memory_space<hbm>> -> memref<1x160x64xi32, #tpu.memory_space<hbm>>
          %dma_start3A_29 = tpu.memref_squeeze %dma_start3A_28 : memref<1x160x64xi32, #tpu.memory_space<hbm>> -> memref<160x64xi32, #tpu.memory_space<hbm>>
          %dma_start3A_30 = arith.constant 0 : i32
          %dma_start3A_31 = tpu.memref_slice %arg4[%scan3A_8, %add3A_21, %dma_start3A_30] : memref<2x5120x64xi32, #tpu.memory_space<hbm>> -> memref<1x160x64xi32, #tpu.memory_space<hbm>>
          %dma_start3A_32 = tpu.memref_squeeze %dma_start3A_31 : memref<1x160x64xi32, #tpu.memory_space<hbm>> -> memref<160x64xi32, #tpu.memory_space<hbm>>
          tpu.enqueue_dma source(%dma_start3A_32 : memref<160x64xi32, #tpu.memory_space<hbm>>) target(%arg8 : memref<160x64xi32, #tpu.memory_space<vmem>>) target_semaphore(%run_scoped3A : memref<!tpu.dma_semaphore, #tpu.memory_space<semaphore_mem>>)
          %dma_wait3A = arith.constant 0 : i32
          %dma_wait3A_33 = tpu.memref_slice %arg4[%scan3A_8, %add3A_21, %dma_wait3A] : memref<2x5120x64xi32, #tpu.memory_space<hbm>> -> memref<1x160x64xi32, #tpu.memory_space<hbm>>
          %dma_wait3A_34 = tpu.memref_squeeze %dma_wait3A_33 : memref<1x160x64xi32, #tpu.memory_space<hbm>> -> memref<160x64xi32, #tpu.memory_space<hbm>>
          %dma_wait3A_35 = arith.constant 0 : i32
          %dma_wait3A_36 = tpu.memref_slice %arg4[%scan3A_8, %add3A_21, %dma_wait3A_35] : memref<2x5120x64xi32, #tpu.memory_space<hbm>> -> memref<1x160x64xi32, #tpu.memory_space<hbm>>
          %dma_wait3A_37 = tpu.memref_squeeze %dma_wait3A_36 : memref<1x160x64xi32, #tpu.memory_space<hbm>> -> memref<160x64xi32, #tpu.memory_space<hbm>>
          tpu.wait_dma2 semaphore(%run_scoped3A : memref<!tpu.dma_semaphore, #tpu.memory_space<semaphore_mem>>) src(%dma_wait3A_37 : memref<160x64xi32, #tpu.memory_space<hbm>>) dst(%arg8 : memref<160x64xi32, #tpu.memory_space<vmem>>)
          tpu.yield
        }) : () -> ()
        %scan3A_22 = arith.constant 0 : i32
        %scan3A_23 = arith.constant 0 : i32
        %scan3A_24 = arith.constant 162 : i32
        %scan3A_25 = arith.addi %scan3A_23, %scan3A_24 : i32
        %scan3A_26 = arith.constant 1 : i32
        scf.for %scan3A_28 = %scan3A_23 to %scan3A_25 step %scan3A_26  : i32 {
          %lt3A = arith.constant 160 : i32
          %lt3A_29 = arith.cmpi slt, %scan3A_28, %lt3A : i32
          %convert_element_type3A = arith.extui %lt3A_29 : i1 to i32
          %cond3A = arith.constant 0 : i32
          %cond3A_30 = arith.cmpi ne, %convert_element_type3A, %cond3A : i32
          scf.if %cond3A_30 {
            %rem3A = arith.constant 3 : i32
            %rem3A_35 = arith.remsi %scan3A_28, %rem3A : i32
            %mul3A_36 = arith.constant 64 : i32
            %mul3A_37 = arith.muli %rem3A_35, %mul3A_36 : i32
            %multiple_of3A = tpu.assume_multiple %mul3A_37, 64 : i32
            %dma_start3A = arith.constant 0 : i32
            %dma_start3A_38 = tpu.memref_slice %arg9[%multiple_of3A, %dma_start3A] : memref<192x128xf32, #tpu.memory_space<vmem>> -> memref<64x128xf32, #tpu.memory_space<vmem>>
            %dma_start3A_39 = arith.constant 0 : i32
            %dma_start3A_40 = tpu.memref_slice %arg7[%scan3A_28, %dma_start3A_39] : memref<160x64xi32, #tpu.memory_space<vmem>> -> memref<1x64xi32, #tpu.memory_space<vmem>>
            %dma_start3A_41 = tpu.memref_squeeze %dma_start3A_40 : memref<1x64xi32, #tpu.memory_space<vmem>> -> memref<64xi32, #tpu.memory_space<vmem>>
            %dma_start3A_42 = arith.constant 0 : i32
            %dma_start3A_43 = arith.constant 0 : i32
            %dma_start3A_44 = tpu.memref_slice %arg2[%dma_start3A_42, %dma_start3A_43] : memref<20000x128xf32, #tpu.memory_space<hbm>> -> memref<20000x128xf32, #tpu.memory_space<hbm>>
            tpu.enqueue_indirect_dma source(%dma_start3A_44 : memref<20000x128xf32, #tpu.memory_space<hbm>>) target(%dma_start3A_38 : memref<64x128xf32, #tpu.memory_space<vmem>>) offsets(%dma_start3A_41 : memref<64xi32, #tpu.memory_space<vmem>>) semaphore(%arg10 : memref<!tpu.dma_semaphore, #tpu.memory_space<semaphore_mem>>)
          } else {
          }
          %ge3A = arith.constant 2 : i32
          %ge3A_31 = arith.cmpi sge, %scan3A_28, %ge3A : i32
          %convert_element_type3A_32 = arith.extui %ge3A_31 : i1 to i32
          %cond3A_33 = arith.constant 0 : i32
          %cond3A_34 = arith.cmpi ne, %convert_element_type3A_32, %cond3A_33 : i32
          scf.if %cond3A_34 {
            %sub3A = arith.constant 2 : i32
            %sub3A_35 = arith.subi %scan3A_28, %sub3A : i32
            %rem3A = arith.constant 3 : i32
            %rem3A_36 = arith.remsi %sub3A_35, %rem3A : i32
            %mul3A_37 = arith.constant 64 : i32
            %mul3A_38 = arith.muli %rem3A_36, %mul3A_37 : i32
            %multiple_of3A = tpu.assume_multiple %mul3A_38, 64 : i32
            %dma_wait3A = arith.constant 0 : i32
            %dma_wait3A_39 = tpu.memref_slice %arg9[%multiple_of3A, %dma_wait3A] : memref<192x128xf32, #tpu.memory_space<vmem>> -> memref<64x128xf32, #tpu.memory_space<vmem>>
            %dma_wait3A_40 = arith.constant 0 : i32
            %dma_wait3A_41 = tpu.memref_slice %arg7[%sub3A_35, %dma_wait3A_40] : memref<160x64xi32, #tpu.memory_space<vmem>> -> memref<1x64xi32, #tpu.memory_space<vmem>>
            %dma_wait3A_42 = tpu.memref_squeeze %dma_wait3A_41 : memref<1x64xi32, #tpu.memory_space<vmem>> -> memref<64xi32, #tpu.memory_space<vmem>>
            %dma_wait3A_43 = arith.constant 0 : i32
            %dma_wait3A_44 = arith.constant 0 : i32
            %dma_wait3A_45 = tpu.memref_slice %arg2[%dma_wait3A_43, %dma_wait3A_44] : memref<20000x128xf32, #tpu.memory_space<hbm>> -> memref<20000x128xf32, #tpu.memory_space<hbm>>
            tpu.wait_indirect_dma semaphore(%arg10 : memref<!tpu.dma_semaphore, #tpu.memory_space<semaphore_mem>>) src(%dma_wait3A_45 : memref<20000x128xf32, #tpu.memory_space<hbm>>) dst(%dma_wait3A_39 : memref<64x128xf32, #tpu.memory_space<vmem>>)
            %rem3A_46 = arith.constant 3 : i32
            %rem3A_47 = arith.remsi %sub3A_35, %rem3A_46 : i32
            %mul3A_48 = arith.constant 64 : i32
            %mul3A_49 = arith.muli %rem3A_47, %mul3A_48 : i32
            %multiple_of3A_50 = tpu.assume_multiple %mul3A_49, 64 : i32
            "tpu.region"() ({
              %run_scoped3A = tpu.sem_alloc : memref<!tpu.dma_semaphore, #tpu.memory_space<semaphore_mem>>
              %dma_start3A = arith.constant 0 : i32
              %dma_start3A_51 = tpu.memref_slice %arg9[%multiple_of3A_50, %dma_start3A] : memref<192x128xf32, #tpu.memory_space<vmem>> -> memref<64x128xf32, #tpu.memory_space<vmem>>
              %dma_start3A_52 = arith.constant 0 : i32
              %dma_start3A_53 = tpu.memref_slice %arg8[%sub3A_35, %dma_start3A_52] : memref<160x64xi32, #tpu.memory_space<vmem>> -> memref<1x64xi32, #tpu.memory_space<vmem>>
              %dma_start3A_54 = tpu.memref_squeeze %dma_start3A_53 : memref<1x64xi32, #tpu.memory_space<vmem>> -> memref<64xi32, #tpu.memory_space<vmem>>
              %dma_start3A_55 = arith.constant 0 : i32
              %dma_start3A_56 = arith.constant 0 : i32
              %dma_start3A_57 = tpu.memref_slice %arg11[%dma_start3A_55, %dma_start3A_56] : memref<5120x128xf32, #tpu.memory_space<vmem_shared>> -> memref<5120x128xf32, #tpu.memory_space<vmem_shared>>
              tpu.enqueue_indirect_dma source(%dma_start3A_51 : memref<64x128xf32, #tpu.memory_space<vmem>>) target(%dma_start3A_57 : memref<5120x128xf32, #tpu.memory_space<vmem_shared>>) offsets(%dma_start3A_54 : memref<64xi32, #tpu.memory_space<vmem>>) semaphore(%run_scoped3A : memref<!tpu.dma_semaphore, #tpu.memory_space<semaphore_mem>>) {add = true}
              %dma_wait3A_58 = arith.constant 0 : i32
              %dma_wait3A_59 = tpu.memref_slice %arg9[%multiple_of3A_50, %dma_wait3A_58] : memref<192x128xf32, #tpu.memory_space<vmem>> -> memref<64x128xf32, #tpu.memory_space<vmem>>
              %dma_wait3A_60 = arith.constant 0 : i32
              %dma_wait3A_61 = tpu.memref_slice %arg8[%sub3A_35, %dma_wait3A_60] : memref<160x64xi32, #tpu.memory_space<vmem>> -> memref<1x64xi32, #tpu.memory_space<vmem>>
              %dma_wait3A_62 = tpu.memref_squeeze %dma_wait3A_61 : memref<1x64xi32, #tpu.memory_space<vmem>> -> memref<64xi32, #tpu.memory_space<vmem>>
              %dma_wait3A_63 = arith.constant 0 : i32
              %dma_wait3A_64 = arith.constant 0 : i32
              %dma_wait3A_65 = tpu.memref_slice %arg11[%dma_wait3A_63, %dma_wait3A_64] : memref<5120x128xf32, #tpu.memory_space<vmem_shared>> -> memref<5120x128xf32, #tpu.memory_space<vmem_shared>>
              tpu.wait_indirect_dma semaphore(%run_scoped3A : memref<!tpu.dma_semaphore, #tpu.memory_space<semaphore_mem>>) src(%dma_wait3A_59 : memref<64x128xf32, #tpu.memory_space<vmem>>) dst(%dma_wait3A_65 : memref<5120x128xf32, #tpu.memory_space<vmem_shared>>)
              tpu.yield
            }) : () -> ()
          } else {
          }
        }
        %scan3A_27 = arith.constant 162 : i32
      }
      %scan3A_14 = arith.constant 2 : i32
      %barrier3A_15 = arith.constant 0 : index
      tpu.barrier barrier_id(%barrier3A_15)
      %mul3A_16 = arith.constant 4992 : i32
      %mul3A_17 = arith.muli %scan3A_8, %mul3A_16 : i32
      %add3A = arith.addi %mul3A_17, %mul3A_0 : i32
      "tpu.region"() ({
        %run_scoped3A = tpu.sem_alloc : memref<!tpu.dma_semaphore, #tpu.memory_space<semaphore_mem>>
        %dma_start3A = arith.constant 0 : i32
        %dma_start3A_18 = tpu.memref_slice %arg6[%arg0, %add3A, %dma_start3A] : memref<2x10112x128xf32, #tpu.memory_space<hbm>> -> memref<1x320x128xf32, #tpu.memory_space<hbm>>
        %dma_start3A_19 = tpu.memref_squeeze %dma_start3A_18 : memref<1x320x128xf32, #tpu.memory_space<hbm>> -> memref<320x128xf32, #tpu.memory_space<hbm>>
        %dma_start3A_20 = arith.constant 0 : i32
        %dma_start3A_21 = tpu.memref_slice %arg11[%mul3A_0, %dma_start3A_20] : memref<5120x128xf32, #tpu.memory_space<vmem_shared>> -> memref<320x128xf32, #tpu.memory_space<vmem_shared>>
        tpu.enqueue_dma source(%dma_start3A_21 : memref<320x128xf32, #tpu.memory_space<vmem_shared>>) target(%dma_start3A_19 : memref<320x128xf32, #tpu.memory_space<hbm>>) target_semaphore(%run_scoped3A : memref<!tpu.dma_semaphore, #tpu.memory_space<semaphore_mem>>)
        %dma_wait3A = arith.constant 0 : i32
        %dma_wait3A_22 = tpu.memref_slice %arg6[%arg0, %add3A, %dma_wait3A] : memref<2x10112x128xf32, #tpu.memory_space<hbm>> -> memref<1x320x128xf32, #tpu.memory_space<hbm>>
        %dma_wait3A_23 = tpu.memref_squeeze %dma_wait3A_22 : memref<1x320x128xf32, #tpu.memory_space<hbm>> -> memref<320x128xf32, #tpu.memory_space<hbm>>
        %dma_wait3A_24 = arith.constant 0 : i32
        %dma_wait3A_25 = tpu.memref_slice %arg11[%mul3A_0, %dma_wait3A_24] : memref<5120x128xf32, #tpu.memory_space<vmem_shared>> -> memref<320x128xf32, #tpu.memory_space<vmem_shared>>
        tpu.wait_dma2 semaphore(%run_scoped3A : memref<!tpu.dma_semaphore, #tpu.memory_space<semaphore_mem>>) src(%dma_wait3A_25 : memref<320x128xf32, #tpu.memory_space<vmem_shared>>) dst(%dma_wait3A_23 : memref<320x128xf32, #tpu.memory_space<hbm>>)
        tpu.yield
      }) : () -> ()
    }
    %scan3A_7 = arith.constant 2 : i32
    return
  }
}

#map = affine_map<(d0, d1) -> (0, 0)>
#map1 = affine_map<(d0, d1) -> (0, 0, 0)>
module attributes {stable_mosaic.version = 14 : i64} {
  func.func @_edge_body(%arg0: i32, %arg1: i32, %arg2: memref<20000x128xf32, #tpu.memory_space<hbm>>, %arg3: memref<2x5120x64xi32, #tpu.memory_space<hbm>>, %arg4: memref<2x5120x64xi32, #tpu.memory_space<hbm>>, %arg5: memref<320x128xf32, #tpu.memory_space<hbm>>, %arg6: memref<2x10112x128xf32, #tpu.memory_space<hbm>>, %arg7: memref<160x64xi32, #tpu.memory_space<vmem>>, %arg8: memref<160x64xi32, #tpu.memory_space<vmem>>, %arg9: memref<192x128xf32, #tpu.memory_space<vmem>>, %arg10: memref<!tpu.dma_semaphore, #tpu.memory_space<semaphore_mem>>, %arg11: memref<5120x128xf32, #tpu.memory_space<vmem_shared>>) attributes {dimension_semantics = [#tpu.dimension_semantics<core_parallel>, #tpu.dimension_semantics<subcore_parallel>], iteration_bounds = array<i64: 2, 16>, scalar_prefetch = 0 : i64, scratch_operands = 5 : i64, tpu.core_type = #tpu.core_type<sc_vector_subcore>, window_params = [{transform_indices = #map}, {transform_indices = #map1}, {transform_indices = #map1}, {transform_indices = #map}, {transform_indices = #map1}]} {
    %mul3A = arith.constant 320 : i32
    %mul3A_0 = arith.muli %arg1, %mul3A : i32
    %mul3A_1 = arith.constant 320 : i32
    %mul3A_2 = arith.muli %arg1, %mul3A_1 : i32
    %scan3A = arith.constant 0 : i32
    %scan3A_3 = arith.constant 0 : i32
    %scan3A_4 = arith.constant 2 : i32
    %scan3A_5 = arith.addi %scan3A_3, %scan3A_4 : i32
    %scan3A_6 = arith.constant 1 : i32
    scf.for %scan3A_8 = %scan3A_3 to %scan3A_5 step %scan3A_6  : i32 {
      "tpu.region"() ({
        %run_scoped3A = tpu.sem_alloc : memref<!tpu.dma_semaphore, #tpu.memory_space<semaphore_mem>>
        %dma_start3A = arith.constant 0 : i32
        %dma_start3A_18 = tpu.memref_slice %arg11[%mul3A_0, %dma_start3A] : memref<5120x128xf32, #tpu.memory_space<vmem_shared>> -> memref<320x128xf32, #tpu.memory_space<vmem_shared>>
        tpu.enqueue_dma source(%arg5 : memref<320x128xf32, #tpu.memory_space<hbm>>) target(%dma_start3A_18 : memref<320x128xf32, #tpu.memory_space<vmem_shared>>) target_semaphore(%run_scoped3A : memref<!tpu.dma_semaphore, #tpu.memory_space<semaphore_mem>>)
        %dma_wait3A = arith.constant 0 : i32
        %dma_wait3A_19 = tpu.memref_slice %arg11[%mul3A_0, %dma_wait3A] : memref<5120x128xf32, #tpu.memory_space<vmem_shared>> -> memref<320x128xf32, #tpu.memory_space<vmem_shared>>
        tpu.wait_dma2 semaphore(%run_scoped3A : memref<!tpu.dma_semaphore, #tpu.memory_space<semaphore_mem>>) src(%arg5 : memref<320x128xf32, #tpu.memory_space<hbm>>) dst(%dma_wait3A_19 : memref<320x128xf32, #tpu.memory_space<vmem_shared>>)
        tpu.yield
      }) : () -> ()
      %barrier3A = arith.constant 0 : index
      tpu.barrier barrier_id(%barrier3A)
      %scan3A_9 = arith.constant 0 : i32
      %scan3A_10 = arith.constant 0 : i32
      %scan3A_11 = arith.constant 2 : i32
      %scan3A_12 = arith.addi %scan3A_10, %scan3A_11 : i32
      %scan3A_13 = arith.constant 1 : i32
      scf.for %scan3A_18 = %scan3A_10 to %scan3A_12 step %scan3A_13  : i32 {
        %mul3A_19 = arith.constant 160 : i32
        %mul3A_20 = arith.muli %scan3A_18, %mul3A_19 : i32
        %add3A_21 = arith.addi %mul3A_2, %mul3A_20 : i32
        "tpu.region"() ({
          %run_scoped3A = tpu.sem_alloc : memref<!tpu.dma_semaphore, #tpu.memory_space<semaphore_mem>>
          %dma_start3A = arith.constant 0 : i32
          %dma_start3A_28 = tpu.memref_slice %arg3[%arg0, %add3A_21, %dma_start3A] : memref<2x5120x64xi32, #tpu.memory_space<hbm>> -> memref<1x160x64xi32, #tpu.memory_space<hbm>>
          %dma_start3A_29 = tpu.memref_squeeze %dma_start3A_28 : memref<1x160x64xi32, #tpu.memory_space<hbm>> -> memref<160x64xi32, #tpu.memory_space<hbm>>
          %dma_start3A_30 = arith.constant 0 : i32
          %dma_start3A_31 = tpu.memref_slice %arg3[%arg0, %add3A_21, %dma_start3A_30] : memref<2x5120x64xi32, #tpu.memory_space<hbm>> -> memref<1x160x64xi32, #tpu.memory_space<hbm>>
          %dma_start3A_32 = tpu.memref_squeeze %dma_start3A_31 : memref<1x160x64xi32, #tpu.memory_space<hbm>> -> memref<160x64xi32, #tpu.memory_space<hbm>>
          tpu.enqueue_dma source(%dma_start3A_32 : memref<160x64xi32, #tpu.memory_space<hbm>>) target(%arg7 : memref<160x64xi32, #tpu.memory_space<vmem>>) target_semaphore(%run_scoped3A : memref<!tpu.dma_semaphore, #tpu.memory_space<semaphore_mem>>)
          %dma_wait3A = arith.constant 0 : i32
          %dma_wait3A_33 = tpu.memref_slice %arg3[%arg0, %add3A_21, %dma_wait3A] : memref<2x5120x64xi32, #tpu.memory_space<hbm>> -> memref<1x160x64xi32, #tpu.memory_space<hbm>>
          %dma_wait3A_34 = tpu.memref_squeeze %dma_wait3A_33 : memref<1x160x64xi32, #tpu.memory_space<hbm>> -> memref<160x64xi32, #tpu.memory_space<hbm>>
          %dma_wait3A_35 = arith.constant 0 : i32
          %dma_wait3A_36 = tpu.memref_slice %arg3[%arg0, %add3A_21, %dma_wait3A_35] : memref<2x5120x64xi32, #tpu.memory_space<hbm>> -> memref<1x160x64xi32, #tpu.memory_space<hbm>>
          %dma_wait3A_37 = tpu.memref_squeeze %dma_wait3A_36 : memref<1x160x64xi32, #tpu.memory_space<hbm>> -> memref<160x64xi32, #tpu.memory_space<hbm>>
          tpu.wait_dma2 semaphore(%run_scoped3A : memref<!tpu.dma_semaphore, #tpu.memory_space<semaphore_mem>>) src(%dma_wait3A_37 : memref<160x64xi32, #tpu.memory_space<hbm>>) dst(%arg7 : memref<160x64xi32, #tpu.memory_space<vmem>>)
          tpu.yield
        }) : () -> ()
        "tpu.region"() ({
          %run_scoped3A = tpu.sem_alloc : memref<!tpu.dma_semaphore, #tpu.memory_space<semaphore_mem>>
          %dma_start3A = arith.constant 0 : i32
          %dma_start3A_28 = tpu.memref_slice %arg4[%scan3A_8, %add3A_21, %dma_start3A] : memref<2x5120x64xi32, #tpu.memory_space<hbm>> -> memref<1x160x64xi32, #tpu.memory_space<hbm>>
          %dma_start3A_29 = tpu.memref_squeeze %dma_start3A_28 : memref<1x160x64xi32, #tpu.memory_space<hbm>> -> memref<160x64xi32, #tpu.memory_space<hbm>>
          %dma_start3A_30 = arith.constant 0 : i32
          %dma_start3A_31 = tpu.memref_slice %arg4[%scan3A_8, %add3A_21, %dma_start3A_30] : memref<2x5120x64xi32, #tpu.memory_space<hbm>> -> memref<1x160x64xi32, #tpu.memory_space<hbm>>
          %dma_start3A_32 = tpu.memref_squeeze %dma_start3A_31 : memref<1x160x64xi32, #tpu.memory_space<hbm>> -> memref<160x64xi32, #tpu.memory_space<hbm>>
          tpu.enqueue_dma source(%dma_start3A_32 : memref<160x64xi32, #tpu.memory_space<hbm>>) target(%arg8 : memref<160x64xi32, #tpu.memory_space<vmem>>) target_semaphore(%run_scoped3A : memref<!tpu.dma_semaphore, #tpu.memory_space<semaphore_mem>>)
          %dma_wait3A = arith.constant 0 : i32
          %dma_wait3A_33 = tpu.memref_slice %arg4[%scan3A_8, %add3A_21, %dma_wait3A] : memref<2x5120x64xi32, #tpu.memory_space<hbm>> -> memref<1x160x64xi32, #tpu.memory_space<hbm>>
          %dma_wait3A_34 = tpu.memref_squeeze %dma_wait3A_33 : memref<1x160x64xi32, #tpu.memory_space<hbm>> -> memref<160x64xi32, #tpu.memory_space<hbm>>
          %dma_wait3A_35 = arith.constant 0 : i32
          %dma_wait3A_36 = tpu.memref_slice %arg4[%scan3A_8, %add3A_21, %dma_wait3A_35] : memref<2x5120x64xi32, #tpu.memory_space<hbm>> -> memref<1x160x64xi32, #tpu.memory_space<hbm>>
          %dma_wait3A_37 = tpu.memref_squeeze %dma_wait3A_36 : memref<1x160x64xi32, #tpu.memory_space<hbm>> -> memref<160x64xi32, #tpu.memory_space<hbm>>
          tpu.wait_dma2 semaphore(%run_scoped3A : memref<!tpu.dma_semaphore, #tpu.memory_space<semaphore_mem>>) src(%dma_wait3A_37 : memref<160x64xi32, #tpu.memory_space<hbm>>) dst(%arg8 : memref<160x64xi32, #tpu.memory_space<vmem>>)
          tpu.yield
        }) : () -> ()
        %scan3A_22 = arith.constant 0 : i32
        %scan3A_23 = arith.constant 0 : i32
        %scan3A_24 = arith.constant 162 : i32
        %scan3A_25 = arith.addi %scan3A_23, %scan3A_24 : i32
        %scan3A_26 = arith.constant 1 : i32
        scf.for %scan3A_28 = %scan3A_23 to %scan3A_25 step %scan3A_26  : i32 {
          %lt3A = arith.constant 160 : i32
          %lt3A_29 = arith.cmpi slt, %scan3A_28, %lt3A : i32
          %convert_element_type3A = arith.extui %lt3A_29 : i1 to i32
          %cond3A = arith.constant 0 : i32
          %cond3A_30 = arith.cmpi ne, %convert_element_type3A, %cond3A : i32
          scf.if %cond3A_30 {
            %rem3A = arith.constant 3 : i32
            %rem3A_35 = arith.remsi %scan3A_28, %rem3A : i32
            %mul3A_36 = arith.constant 64 : i32
            %mul3A_37 = arith.muli %rem3A_35, %mul3A_36 : i32
            %multiple_of3A = tpu.assume_multiple %mul3A_37, 64 : i32
            %dma_start3A = arith.constant 0 : i32
            %dma_start3A_38 = tpu.memref_slice %arg9[%multiple_of3A, %dma_start3A] : memref<192x128xf32, #tpu.memory_space<vmem>> -> memref<64x128xf32, #tpu.memory_space<vmem>>
            %dma_start3A_39 = arith.constant 0 : i32
            %dma_start3A_40 = tpu.memref_slice %arg7[%scan3A_28, %dma_start3A_39] : memref<160x64xi32, #tpu.memory_space<vmem>> -> memref<1x64xi32, #tpu.memory_space<vmem>>
            %dma_start3A_41 = tpu.memref_squeeze %dma_start3A_40 : memref<1x64xi32, #tpu.memory_space<vmem>> -> memref<64xi32, #tpu.memory_space<vmem>>
            %dma_start3A_42 = arith.constant 0 : i32
            %dma_start3A_43 = arith.constant 0 : i32
            %dma_start3A_44 = tpu.memref_slice %arg2[%dma_start3A_42, %dma_start3A_43] : memref<20000x128xf32, #tpu.memory_space<hbm>> -> memref<20000x128xf32, #tpu.memory_space<hbm>>
            tpu.enqueue_indirect_dma source(%dma_start3A_44 : memref<20000x128xf32, #tpu.memory_space<hbm>>) target(%dma_start3A_38 : memref<64x128xf32, #tpu.memory_space<vmem>>) offsets(%dma_start3A_41 : memref<64xi32, #tpu.memory_space<vmem>>) semaphore(%arg10 : memref<!tpu.dma_semaphore, #tpu.memory_space<semaphore_mem>>)
          } else {
          }
          %ge3A = arith.constant 2 : i32
          %ge3A_31 = arith.cmpi sge, %scan3A_28, %ge3A : i32
          %convert_element_type3A_32 = arith.extui %ge3A_31 : i1 to i32
          %cond3A_33 = arith.constant 0 : i32
          %cond3A_34 = arith.cmpi ne, %convert_element_type3A_32, %cond3A_33 : i32
          scf.if %cond3A_34 {
            %sub3A = arith.constant 2 : i32
            %sub3A_35 = arith.subi %scan3A_28, %sub3A : i32
            %rem3A = arith.constant 3 : i32
            %rem3A_36 = arith.remsi %sub3A_35, %rem3A : i32
            %mul3A_37 = arith.constant 64 : i32
            %mul3A_38 = arith.muli %rem3A_36, %mul3A_37 : i32
            %multiple_of3A = tpu.assume_multiple %mul3A_38, 64 : i32
            %dma_wait3A = arith.constant 0 : i32
            %dma_wait3A_39 = tpu.memref_slice %arg9[%multiple_of3A, %dma_wait3A] : memref<192x128xf32, #tpu.memory_space<vmem>> -> memref<64x128xf32, #tpu.memory_space<vmem>>
            %dma_wait3A_40 = arith.constant 0 : i32
            %dma_wait3A_41 = tpu.memref_slice %arg7[%sub3A_35, %dma_wait3A_40] : memref<160x64xi32, #tpu.memory_space<vmem>> -> memref<1x64xi32, #tpu.memory_space<vmem>>
            %dma_wait3A_42 = tpu.memref_squeeze %dma_wait3A_41 : memref<1x64xi32, #tpu.memory_space<vmem>> -> memref<64xi32, #tpu.memory_space<vmem>>
            %dma_wait3A_43 = arith.constant 0 : i32
            %dma_wait3A_44 = arith.constant 0 : i32
            %dma_wait3A_45 = tpu.memref_slice %arg2[%dma_wait3A_43, %dma_wait3A_44] : memref<20000x128xf32, #tpu.memory_space<hbm>> -> memref<20000x128xf32, #tpu.memory_space<hbm>>
            tpu.wait_indirect_dma semaphore(%arg10 : memref<!tpu.dma_semaphore, #tpu.memory_space<semaphore_mem>>) src(%dma_wait3A_45 : memref<20000x128xf32, #tpu.memory_space<hbm>>) dst(%dma_wait3A_39 : memref<64x128xf32, #tpu.memory_space<vmem>>)
            %rem3A_46 = arith.constant 3 : i32
            %rem3A_47 = arith.remsi %sub3A_35, %rem3A_46 : i32
            %mul3A_48 = arith.constant 64 : i32
            %mul3A_49 = arith.muli %rem3A_47, %mul3A_48 : i32
            %multiple_of3A_50 = tpu.assume_multiple %mul3A_49, 64 : i32
            "tpu.region"() ({
              %run_scoped3A = tpu.sem_alloc : memref<!tpu.dma_semaphore, #tpu.memory_space<semaphore_mem>>
              %dma_start3A = arith.constant 0 : i32
              %dma_start3A_51 = tpu.memref_slice %arg9[%multiple_of3A_50, %dma_start3A] : memref<192x128xf32, #tpu.memory_space<vmem>> -> memref<64x128xf32, #tpu.memory_space<vmem>>
              %dma_start3A_52 = arith.constant 0 : i32
              %dma_start3A_53 = tpu.memref_slice %arg8[%sub3A_35, %dma_start3A_52] : memref<160x64xi32, #tpu.memory_space<vmem>> -> memref<1x64xi32, #tpu.memory_space<vmem>>
              %dma_start3A_54 = tpu.memref_squeeze %dma_start3A_53 : memref<1x64xi32, #tpu.memory_space<vmem>> -> memref<64xi32, #tpu.memory_space<vmem>>
              %dma_start3A_55 = arith.constant 0 : i32
              %dma_start3A_56 = arith.constant 0 : i32
              %dma_start3A_57 = tpu.memref_slice %arg11[%dma_start3A_55, %dma_start3A_56] : memref<5120x128xf32, #tpu.memory_space<vmem_shared>> -> memref<5120x128xf32, #tpu.memory_space<vmem_shared>>
              tpu.enqueue_indirect_dma source(%dma_start3A_51 : memref<64x128xf32, #tpu.memory_space<vmem>>) target(%dma_start3A_57 : memref<5120x128xf32, #tpu.memory_space<vmem_shared>>) offsets(%dma_start3A_54 : memref<64xi32, #tpu.memory_space<vmem>>) semaphore(%run_scoped3A : memref<!tpu.dma_semaphore, #tpu.memory_space<semaphore_mem>>) {add = true}
              %dma_wait3A_58 = arith.constant 0 : i32
              %dma_wait3A_59 = tpu.memref_slice %arg9[%multiple_of3A_50, %dma_wait3A_58] : memref<192x128xf32, #tpu.memory_space<vmem>> -> memref<64x128xf32, #tpu.memory_space<vmem>>
              %dma_wait3A_60 = arith.constant 0 : i32
              %dma_wait3A_61 = tpu.memref_slice %arg8[%sub3A_35, %dma_wait3A_60] : memref<160x64xi32, #tpu.memory_space<vmem>> -> memref<1x64xi32, #tpu.memory_space<vmem>>
              %dma_wait3A_62 = tpu.memref_squeeze %dma_wait3A_61 : memref<1x64xi32, #tpu.memory_space<vmem>> -> memref<64xi32, #tpu.memory_space<vmem>>
              %dma_wait3A_63 = arith.constant 0 : i32
              %dma_wait3A_64 = arith.constant 0 : i32
              %dma_wait3A_65 = tpu.memref_slice %arg11[%dma_wait3A_63, %dma_wait3A_64] : memref<5120x128xf32, #tpu.memory_space<vmem_shared>> -> memref<5120x128xf32, #tpu.memory_space<vmem_shared>>
              tpu.wait_indirect_dma semaphore(%run_scoped3A : memref<!tpu.dma_semaphore, #tpu.memory_space<semaphore_mem>>) src(%dma_wait3A_59 : memref<64x128xf32, #tpu.memory_space<vmem>>) dst(%dma_wait3A_65 : memref<5120x128xf32, #tpu.memory_space<vmem_shared>>)
              tpu.yield
            }) : () -> ()
          } else {
          }
        }
        %scan3A_27 = arith.constant 162 : i32
      }
      %scan3A_14 = arith.constant 2 : i32
      %barrier3A_15 = arith.constant 0 : index
      tpu.barrier barrier_id(%barrier3A_15)
      %mul3A_16 = arith.constant 4992 : i32
      %mul3A_17 = arith.muli %scan3A_8, %mul3A_16 : i32
      %add3A = arith.addi %mul3A_17, %mul3A_0 : i32
      "tpu.region"() ({
        %run_scoped3A = tpu.sem_alloc : memref<!tpu.dma_semaphore, #tpu.memory_space<semaphore_mem>>
        %dma_start3A = arith.constant 0 : i32
        %dma_start3A_18 = tpu.memref_slice %arg6[%arg0, %add3A, %dma_start3A] : memref<2x10112x128xf32, #tpu.memory_space<hbm>> -> memref<1x320x128xf32, #tpu.memory_space<hbm>>
        %dma_start3A_19 = tpu.memref_squeeze %dma_start3A_18 : memref<1x320x128xf32, #tpu.memory_space<hbm>> -> memref<320x128xf32, #tpu.memory_space<hbm>>
        %dma_start3A_20 = arith.constant 0 : i32
        %dma_start3A_21 = tpu.memref_slice %arg11[%mul3A_0, %dma_start3A_20] : memref<5120x128xf32, #tpu.memory_space<vmem_shared>> -> memref<320x128xf32, #tpu.memory_space<vmem_shared>>
        tpu.enqueue_dma source(%dma_start3A_21 : memref<320x128xf32, #tpu.memory_space<vmem_shared>>) target(%dma_start3A_19 : memref<320x128xf32, #tpu.memory_space<hbm>>) target_semaphore(%run_scoped3A : memref<!tpu.dma_semaphore, #tpu.memory_space<semaphore_mem>>)
        %dma_wait3A = arith.constant 0 : i32
        %dma_wait3A_22 = tpu.memref_slice %arg6[%arg0, %add3A, %dma_wait3A] : memref<2x10112x128xf32, #tpu.memory_space<hbm>> -> memref<1x320x128xf32, #tpu.memory_space<hbm>>
        %dma_wait3A_23 = tpu.memref_squeeze %dma_wait3A_22 : memref<1x320x128xf32, #tpu.memory_space<hbm>> -> memref<320x128xf32, #tpu.memory_space<hbm>>
        %dma_wait3A_24 = arith.constant 0 : i32
        %dma_wait3A_25 = tpu.memref_slice %arg11[%mul3A_0, %dma_wait3A_24] : memref<5120x128xf32, #tpu.memory_space<vmem_shared>> -> memref<320x128xf32, #tpu.memory_space<vmem_shared>>
        tpu.wait_dma2 semaphore(%run_scoped3A : memref<!tpu.dma_semaphore, #tpu.memory_space<semaphore_mem>>) src(%dma_wait3A_25 : memref<320x128xf32, #tpu.memory_space<vmem_shared>>) dst(%dma_wait3A_23 : memref<320x128xf32, #tpu.memory_space<hbm>>)
        tpu.yield
      }) : () -> ()
    }
    %scan3A_7 = arith.constant 2 : i32
    return
  }
}

module attributes {stable_mosaic.version = 14 : i64} {
  func.func @_enc_pre_body(%arg0: i32, %arg1: memref<2000x128xf32, #tpu.memory_space<vmem>>, %arg2: memref<128x128xf32, #tpu.memory_space<vmem>>, %arg3: memref<8x128xf32, #tpu.memory_space<vmem>>, %arg4: memref<8x128xf32, #tpu.memory_space<vmem>>, %arg5: memref<8x128xf32, #tpu.memory_space<vmem>>, %arg6: memref<8x128xf32, #tpu.memory_space<vmem>>, %arg7: memref<2000x128xf32, #tpu.memory_space<vmem>>, %arg8: memref<2000x128xf32, #tpu.memory_space<vmem>>, %arg9: memref<2000x128xf32, #tpu.memory_space<vmem>>, %arg10: memref<2000x128xf32, #tpu.memory_space<vmem>>) attributes {dimension_semantics = [#tpu.dimension_semantics<arbitrary>], iteration_bounds = array<i64: 5>, scalar_prefetch = 0 : i64, scratch_operands = 0 : i64, tpu.core_type = #tpu.core_type<tc>, window_params = [{transform_indices = @transform_0, window_bounds = array<i64: 2000, 128>}, {pipeline_mode = #tpu.pipeline_mode<synchronous>, transform_indices = @transform_1, window_bounds = array<i64: 128, 128>}, {pipeline_mode = #tpu.pipeline_mode<synchronous>, transform_indices = @transform_2, window_bounds = array<i64: 8, 128>}, {pipeline_mode = #tpu.pipeline_mode<synchronous>, transform_indices = @transform_3, window_bounds = array<i64: 8, 128>}, {pipeline_mode = #tpu.pipeline_mode<synchronous>, transform_indices = @transform_4, window_bounds = array<i64: 8, 128>}, {pipeline_mode = #tpu.pipeline_mode<synchronous>, transform_indices = @transform_5, window_bounds = array<i64: 8, 128>}, {transform_indices = @transform_6, window_bounds = array<i64: 2000, 128>}, {transform_indices = @transform_7, window_bounds = array<i64: 2000, 128>}, {transform_indices = @transform_8, window_bounds = array<i64: 2000, 128>}, {transform_indices = @transform_9, window_bounds = array<i64: 2000, 128>}]} {
    %get3A = arith.constant 0 : index
    %get3A_0 = arith.constant 0 : index
    %get3A_1 = vector.load %arg1[%get3A, %get3A_0] : memref<2000x128xf32, #tpu.memory_space<vmem>>, vector<2000x128xf32>
    %get3A_2 = arith.constant 0 : index
    %get3A_3 = arith.constant 0 : index
    %get3A_4 = vector.load %arg2[%get3A_2, %get3A_3] : memref<128x128xf32, #tpu.memory_space<vmem>>, vector<128x128xf32>
    %dot_general3A = arith.constant dense<0.000000e+00> : vector<2000x128xf32>
    %dot_general3A_5 = tpu.matmul %get3A_1, %get3A_4, %dot_general3A {dimension_numbers = #tpu.dot_dimension_numbers<[1], [0], [0], [1], [0, 0, 1, 1], [], []>, transpose_lhs_hint = false} : vector<2000x128xf32>, vector<128x128xf32>, vector<2000x128xf32> -> vector<2000x128xf32>
    %get3A_6 = arith.constant 0 : index
    %get3A_7 = arith.constant 0 : index
    %get3A_8 = vector.load %arg3[%get3A_6, %get3A_7] : memref<8x128xf32, #tpu.memory_space<vmem>>, vector<1x128xf32>
    %add3A = vector.broadcast %get3A_8 : vector<1x128xf32> to vector<2000x128xf32>
    %add3A_9 = arith.addf %dot_general3A_5, %add3A : vector<2000x128xf32>
    %get3A_10 = arith.constant 0 : index
    %get3A_11 = arith.constant 0 : index
    %get3A_12 = vector.load %arg4[%get3A_10, %get3A_11] : memref<8x128xf32, #tpu.memory_space<vmem>>, vector<1x128xf32>
    %get3A_13 = arith.constant 0 : index
    %get3A_14 = arith.constant 0 : index
    %get3A_15 = vector.load %arg5[%get3A_13, %get3A_14] : memref<8x128xf32, #tpu.memory_space<vmem>>, vector<1x128xf32>
    %get3A_16 = arith.constant 0 : index
    %get3A_17 = arith.constant 0 : index
    %get3A_18 = vector.load %arg6[%get3A_16, %get3A_17] : memref<8x128xf32, #tpu.memory_space<vmem>>, vector<1x128xf32>
    %reduce_sum3A = arith.constant dense<0.000000e+00> : vector<2000xf32>
    %reduce_sum3A_19 = vector.multi_reduction <add>, %add3A_9, %reduce_sum3A [1] : vector<2000x128xf32> to vector<2000xf32>
    %broadcast_in_dim3A = vector.shape_cast %reduce_sum3A_19 : vector<2000xf32> to vector<2000x1xf32>
    %div3A = arith.constant 1.280000e+02 : f32
    %div3A_20 = vector.broadcast %div3A : f32 to vector<2000x1xf32>
    %div3A_21 = arith.divf %broadcast_in_dim3A, %div3A_20 : vector<2000x1xf32>
    %sub3A = vector.broadcast %div3A_21 : vector<2000x1xf32> to vector<2000x128xf32>
    %sub3A_22 = arith.subf %add3A_9, %sub3A : vector<2000x128xf32>
    %integer_pow3A = arith.mulf %sub3A_22, %sub3A_22 : vector<2000x128xf32>
    %reduce_sum3A_23 = arith.constant dense<0.000000e+00> : vector<2000xf32>
    %reduce_sum3A_24 = vector.multi_reduction <add>, %integer_pow3A, %reduce_sum3A_23 [1] : vector<2000x128xf32> to vector<2000xf32>
    %broadcast_in_dim3A_25 = vector.shape_cast %reduce_sum3A_24 : vector<2000xf32> to vector<2000x1xf32>
    %div3A_26 = arith.constant 1.280000e+02 : f32
    %div3A_27 = vector.broadcast %div3A_26 : f32 to vector<2000x1xf32>
    %div3A_28 = arith.divf %broadcast_in_dim3A_25, %div3A_27 : vector<2000x1xf32>
    %sub3A_29 = vector.broadcast %div3A_21 : vector<2000x1xf32> to vector<2000x128xf32>
    %sub3A_30 = arith.subf %add3A_9, %sub3A_29 : vector<2000x128xf32>
    %add3A_31 = arith.constant 9.99999974E-6 : f32
    %add3A_32 = vector.broadcast %add3A_31 : f32 to vector<2000x1xf32>
    %add3A_33 = arith.addf %div3A_28, %add3A_32 : vector<2000x1xf32>
    %rsqrt3A = math.rsqrt %add3A_33 : vector<2000x1xf32>
    %mul3A = vector.broadcast %rsqrt3A : vector<2000x1xf32> to vector<2000x128xf32>
    %mul3A_34 = arith.mulf %sub3A_30, %mul3A : vector<2000x128xf32>
    %mul3A_35 = vector.broadcast %get3A_12 : vector<1x128xf32> to vector<2000x128xf32>
    %mul3A_36 = arith.mulf %mul3A_34, %mul3A_35 : vector<2000x128xf32>
    %add3A_37 = vector.broadcast %get3A_15 : vector<1x128xf32> to vector<2000x128xf32>
    %add3A_38 = arith.addf %mul3A_36, %add3A_37 : vector<2000x128xf32>
    %max3A = arith.constant 0.000000e+00 : f32
    %max3A_39 = vector.broadcast %max3A : f32 to vector<2000x128xf32>
    %max3A_40 = arith.maximumf %add3A_38, %max3A_39 : vector<2000x128xf32>
    %add3A_41 = arith.constant 1.000000e-07 : f32
    %add3A_42 = vector.broadcast %add3A_41 : f32 to vector<2000x128xf32>
    %add3A_43 = arith.addf %max3A_40, %add3A_42 : vector<2000x128xf32>
    %mul3A_44 = vector.broadcast %get3A_18 : vector<1x128xf32> to vector<2000x128xf32>
    %mul3A_45 = arith.mulf %mul3A_44, %add3A_43 : vector<2000x128xf32>
    %exp3A = math.exp %mul3A_45 : vector<2000x128xf32>
    %mul3A_46 = arith.mulf %add3A_43, %exp3A : vector<2000x128xf32>
    %swap3A = arith.constant 0 : index
    %swap3A_47 = arith.constant 0 : index
    %swap3A_48 = vector.load %arg7[%swap3A, %swap3A_47] : memref<2000x128xf32, #tpu.memory_space<vmem>>, vector<2000x128xf32>
    tpu.vector_store %arg7[%swap3A, %swap3A_47], %add3A_9 {strides = array<i32>} : memref<2000x128xf32, #tpu.memory_space<vmem>>, vector<2000x128xf32>,
    %swap3A_49 = arith.constant 0 : index
    %swap3A_50 = arith.constant 0 : index
    %swap3A_51 = vector.load %arg8[%swap3A_49, %swap3A_50] : memref<2000x128xf32, #tpu.memory_space<vmem>>, vector<2000x128xf32>
    tpu.vector_store %arg8[%swap3A_49, %swap3A_50], %max3A_40 {strides = array<i32>} : memref<2000x128xf32, #tpu.memory_space<vmem>>, vector<2000x128xf32>,
    %swap3A_52 = arith.constant 0 : index
    %swap3A_53 = arith.constant 0 : index
    %swap3A_54 = vector.load %arg9[%swap3A_52, %swap3A_53] : memref<2000x128xf32, #tpu.memory_space<vmem>>, vector<2000x128xf32>
    tpu.vector_store %arg9[%swap3A_52, %swap3A_53], %exp3A {strides = array<i32>} : memref<2000x128xf32, #tpu.memory_space<vmem>>, vector<2000x128xf32>,
    %swap3A_55 = arith.constant 0 : index
    %swap3A_56 = arith.constant 0 : index
    %swap3A_57 = vector.load %arg10[%swap3A_55, %swap3A_56] : memref<2000x128xf32, #tpu.memory_space<vmem>>, vector<2000x128xf32>
    tpu.vector_store %arg10[%swap3A_55, %swap3A_56], %mul3A_46 {strides = array<i32>} : memref<2000x128xf32, #tpu.memory_space<vmem>>, vector<2000x128xf32>,
    return
  }
  func.func @transform_0(%arg0: i32) -> (i32, i32) {
    %c0_i32 = arith.constant 0 : i32
    %c0_i32_0 = arith.constant 0 : i32
    return %arg0, %c0_i32 : i32, i32
  }
  func.func @transform_1(%arg0: i32) -> (i32, i32) {
    %c0_i32 = arith.constant 0 : i32
    %c0_i32_0 = arith.constant 0 : i32
    %c0_i32_1 = arith.constant 0 : i32
    return %c0_i32, %c0_i32_0 : i32, i32
  }
  func.func @transform_2(%arg0: i32) -> (i32, i32) {
    %c0_i32 = arith.constant 0 : i32
    %c0_i32_0 = arith.constant 0 : i32
    %c0_i32_1 = arith.constant 0 : i32
    return %c0_i32, %c0_i32_0 : i32, i32
  }
  func.func @transform_3(%arg0: i32) -> (i32, i32) {
    %c0_i32 = arith.constant 0 : i32
    %c0_i32_0 = arith.constant 0 : i32
    %c0_i32_1 = arith.constant 0 : i32
    return %c0_i32, %c0_i32_0 : i32, i32
  }
  func.func @transform_4(%arg0: i32) -> (i32, i32) {
    %c0_i32 = arith.constant 0 : i32
    %c0_i32_0 = arith.constant 0 : i32
    %c0_i32_1 = arith.constant 0 : i32
    return %c0_i32, %c0_i32_0 : i32, i32
  }
  func.func @transform_5(%arg0: i32) -> (i32, i32) {
    %c0_i32 = arith.constant 0 : i32
    %c0_i32_0 = arith.constant 0 : i32
    %c0_i32_1 = arith.constant 0 : i32
    return %c0_i32, %c0_i32_0 : i32, i32
  }
  func.func @transform_6(%arg0: i32) -> (i32, i32) {
    %c0_i32 = arith.constant 0 : i32
    %c0_i32_0 = arith.constant 0 : i32
    return %arg0, %c0_i32 : i32, i32
  }
  func.func @transform_7(%arg0: i32) -> (i32, i32) {
    %c0_i32 = arith.constant 0 : i32
    %c0_i32_0 = arith.constant 0 : i32
    return %arg0, %c0_i32 : i32, i32
  }
  func.func @transform_8(%arg0: i32) -> (i32, i32) {
    %c0_i32 = arith.constant 0 : i32
    %c0_i32_0 = arith.constant 0 : i32
    return %arg0, %c0_i32 : i32, i32
  }
  func.func @transform_9(%arg0: i32) -> (i32, i32) {
    %c0_i32 = arith.constant 0 : i32
    %c0_i32_0 = arith.constant 0 : i32
    return %arg0, %c0_i32 : i32, i32
  }
}

module attributes {stable_mosaic.version = 14 : i64} {
  func.func @_post_pre_body(%arg0: i32, %arg1: memref<2000x128xf32, #tpu.memory_space<vmem>>, %arg2: memref<2000x128xf32, #tpu.memory_space<vmem>>, %arg3: memref<2000x128xf32, #tpu.memory_space<vmem>>, %arg4: memref<2000x128xf32, #tpu.memory_space<vmem>>, %arg5: memref<128x256xf32, #tpu.memory_space<vmem>>, %arg6: memref<8x256xf32, #tpu.memory_space<vmem>>, %arg7: memref<8x256xf32, #tpu.memory_space<vmem>>, %arg8: memref<8x256xf32, #tpu.memory_space<vmem>>, %arg9: memref<256x128xf32, #tpu.memory_space<vmem>>, %arg10: memref<8x128xf32, #tpu.memory_space<vmem>>, %arg11: memref<8x128xf32, #tpu.memory_space<vmem>>, %arg12: memref<8x128xf32, #tpu.memory_space<vmem>>, %arg13: memref<8x128xf32, #tpu.memory_space<vmem>>, %arg14: memref<2000x128xf32, #tpu.memory_space<vmem>>, %arg15: memref<2000x128xf32, #tpu.memory_space<vmem>>, %arg16: memref<2000x128xf32, #tpu.memory_space<vmem>>, %arg17: memref<2000x128xf32, #tpu.memory_space<vmem>>) attributes {dimension_semantics = [#tpu.dimension_semantics<arbitrary>], iteration_bounds = array<i64: 5>, scalar_prefetch = 0 : i64, scratch_operands = 0 : i64, tpu.core_type = #tpu.core_type<tc>, window_params = [{transform_indices = @transform_0, window_bounds = array<i64: 2000, 128>}, {transform_indices = @transform_1, window_bounds = array<i64: 2000, 128>}, {transform_indices = @transform_2, window_bounds = array<i64: 2000, 128>}, {transform_indices = @transform_3, window_bounds = array<i64: 2000, 128>}, {pipeline_mode = #tpu.pipeline_mode<synchronous>, transform_indices = @transform_4, window_bounds = array<i64: 128, 256>}, {pipeline_mode = #tpu.pipeline_mode<synchronous>, transform_indices = @transform_5, window_bounds = array<i64: 8, 256>}, {pipeline_mode = #tpu.pipeline_mode<synchronous>, transform_indices = @transform_6, window_bounds = array<i64: 8, 256>}, {pipeline_mode = #tpu.pipeline_mode<synchronous>, transform_indices = @transform_7, window_bounds = array<i64: 8, 256>}, {pipeline_mode = #tpu.pipeline_mode<synchronous>, transform_indices = @transform_8, window_bounds = array<i64: 256, 128>}, {pipeline_mode = #tpu.pipeline_mode<synchronous>, transform_indices = @transform_9, window_bounds = array<i64: 8, 128>}, {pipeline_mode = #tpu.pipeline_mode<synchronous>, transform_indices = @transform_10, window_bounds = array<i64: 8, 128>}, {pipeline_mode = #tpu.pipeline_mode<synchronous>, transform_indices = @transform_11, window_bounds = array<i64: 8, 128>}, {pipeline_mode = #tpu.pipeline_mode<synchronous>, transform_indices = @transform_12, window_bounds = array<i64: 8, 128>}, {transform_indices = @transform_13, window_bounds = array<i64: 2000, 128>}, {transform_indices = @transform_14, window_bounds = array<i64: 2000, 128>}, {transform_indices = @transform_15, window_bounds = array<i64: 2000, 128>}, {transform_indices = @transform_16, window_bounds = array<i64: 2000, 128>}]} {
    %get3A = arith.constant 0 : index
    %get3A_0 = arith.constant 0 : index
    %get3A_1 = vector.load %arg1[%get3A, %get3A_0] : memref<2000x128xf32, #tpu.memory_space<vmem>>, vector<2000x128xf32>
    %get3A_2 = arith.constant 0 : index
    %get3A_3 = arith.constant 0 : index
    %get3A_4 = vector.load %arg2[%get3A_2, %get3A_3] : memref<2000x128xf32, #tpu.memory_space<vmem>>, vector<2000x128xf32>
    %get3A_5 = arith.constant 0 : index
    %get3A_6 = arith.constant 0 : index
    %get3A_7 = vector.load %arg3[%get3A_5, %get3A_6] : memref<2000x128xf32, #tpu.memory_space<vmem>>, vector<2000x128xf32>
    %get3A_8 = arith.constant 0 : index
    %get3A_9 = arith.constant 0 : index
    %get3A_10 = vector.load %arg4[%get3A_8, %get3A_9] : memref<2000x128xf32, #tpu.memory_space<vmem>>, vector<2000x128xf32>
    %get3A_11 = arith.constant 0 : index
    %get3A_12 = arith.constant 0 : index
    %get3A_13 = vector.load %arg5[%get3A_11, %get3A_12] : memref<128x256xf32, #tpu.memory_space<vmem>>, vector<128x256xf32>
    %get3A_14 = arith.constant 0 : index
    %get3A_15 = arith.constant 0 : index
    %get3A_16 = vector.load %arg6[%get3A_14, %get3A_15] : memref<8x256xf32, #tpu.memory_space<vmem>>, vector<1x256xf32>
    %get3A_17 = arith.constant 0 : index
    %get3A_18 = arith.constant 0 : index
    %get3A_19 = vector.load %arg7[%get3A_17, %get3A_18] : memref<8x256xf32, #tpu.memory_space<vmem>>, vector<1x256xf32>
    %get3A_20 = arith.constant 0 : index
    %get3A_21 = arith.constant 0 : index
    %get3A_22 = vector.load %arg8[%get3A_20, %get3A_21] : memref<8x256xf32, #tpu.memory_space<vmem>>, vector<1x256xf32>
    %get3A_23 = arith.constant 0 : index
    %get3A_24 = arith.constant 0 : index
    %get3A_25 = vector.load %arg9[%get3A_23, %get3A_24] : memref<256x128xf32, #tpu.memory_space<vmem>>, vector<256x128xf32>
    %get3A_26 = arith.constant 0 : index
    %get3A_27 = arith.constant 0 : index
    %get3A_28 = vector.load %arg10[%get3A_26, %get3A_27] : memref<8x128xf32, #tpu.memory_space<vmem>>, vector<1x128xf32>
    %add3A = arith.constant 1.000000e-16 : f32
    %add3A_29 = vector.broadcast %add3A : f32 to vector<2000x128xf32>
    %add3A_30 = arith.addf %get3A_7, %add3A_29 : vector<2000x128xf32>
    %div3A = arith.divf %get3A_10, %add3A_30 : vector<2000x128xf32>
    %add3A_31 = arith.addf %div3A, %get3A_4 : vector<2000x128xf32>
    %dot_general3A = arith.constant dense<0.000000e+00> : vector<2000x256xf32>
    %dot_general3A_32 = tpu.matmul %add3A_31, %get3A_13, %dot_general3A {dimension_numbers = #tpu.dot_dimension_numbers<[1], [0], [0], [1], [0, 0, 1, 1], [], []>, transpose_lhs_hint = false} : vector<2000x128xf32>, vector<128x256xf32>, vector<2000x256xf32> -> vector<2000x256xf32>
    %add3A_33 = vector.broadcast %get3A_16 : vector<1x256xf32> to vector<2000x256xf32>
    %add3A_34 = arith.addf %dot_general3A_32, %add3A_33 : vector<2000x256xf32>
    %reduce_sum3A = arith.constant dense<0.000000e+00> : vector<2000xf32>
    %reduce_sum3A_35 = vector.multi_reduction <add>, %add3A_34, %reduce_sum3A [1] : vector<2000x256xf32> to vector<2000xf32>
    %broadcast_in_dim3A = vector.shape_cast %reduce_sum3A_35 : vector<2000xf32> to vector<2000x1xf32>
    %div3A_36 = arith.constant 2.560000e+02 : f32
    %div3A_37 = vector.broadcast %div3A_36 : f32 to vector<2000x1xf32>
    %div3A_38 = arith.divf %broadcast_in_dim3A, %div3A_37 : vector<2000x1xf32>
    %sub3A = vector.broadcast %div3A_38 : vector<2000x1xf32> to vector<2000x256xf32>
    %sub3A_39 = arith.subf %add3A_34, %sub3A : vector<2000x256xf32>
    %integer_pow3A = arith.mulf %sub3A_39, %sub3A_39 : vector<2000x256xf32>
    %reduce_sum3A_40 = arith.constant dense<0.000000e+00> : vector<2000xf32>
    %reduce_sum3A_41 = vector.multi_reduction <add>, %integer_pow3A, %reduce_sum3A_40 [1] : vector<2000x256xf32> to vector<2000xf32>
    %broadcast_in_dim3A_42 = vector.shape_cast %reduce_sum3A_41 : vector<2000xf32> to vector<2000x1xf32>
    %div3A_43 = arith.constant 2.560000e+02 : f32
    %div3A_44 = vector.broadcast %div3A_43 : f32 to vector<2000x1xf32>
    %div3A_45 = arith.divf %broadcast_in_dim3A_42, %div3A_44 : vector<2000x1xf32>
    %sub3A_46 = vector.broadcast %div3A_38 : vector<2000x1xf32> to vector<2000x256xf32>
    %sub3A_47 = arith.subf %add3A_34, %sub3A_46 : vector<2000x256xf32>
    %add3A_48 = arith.constant 9.99999974E-6 : f32
    %add3A_49 = vector.broadcast %add3A_48 : f32 to vector<2000x1xf32>
    %add3A_50 = arith.addf %div3A_45, %add3A_49 : vector<2000x1xf32>
    %rsqrt3A = math.rsqrt %add3A_50 : vector<2000x1xf32>
    %mul3A = vector.broadcast %rsqrt3A : vector<2000x1xf32> to vector<2000x256xf32>
    %mul3A_51 = arith.mulf %sub3A_47, %mul3A : vector<2000x256xf32>
    %mul3A_52 = vector.broadcast %get3A_19 : vector<1x256xf32> to vector<2000x256xf32>
    %mul3A_53 = arith.mulf %mul3A_51, %mul3A_52 : vector<2000x256xf32>
    %add3A_54 = vector.broadcast %get3A_22 : vector<1x256xf32> to vector<2000x256xf32>
    %add3A_55 = arith.addf %mul3A_53, %add3A_54 : vector<2000x256xf32>
    %max3A = arith.constant 0.000000e+00 : f32
    %max3A_56 = vector.broadcast %max3A : f32 to vector<2000x256xf32>
    %max3A_57 = arith.maximumf %add3A_55, %max3A_56 : vector<2000x256xf32>
    %dot_general3A_58 = arith.constant dense<0.000000e+00> : vector<2000x128xf32>
    %dot_general3A_59 = tpu.matmul %max3A_57, %get3A_25, %dot_general3A_58 {dimension_numbers = #tpu.dot_dimension_numbers<[1], [0], [0], [1], [0, 0, 1, 1], [], []>, transpose_lhs_hint = false} : vector<2000x256xf32>, vector<256x128xf32>, vector<2000x128xf32> -> vector<2000x128xf32>
    %add3A_60 = vector.broadcast %get3A_28 : vector<1x128xf32> to vector<2000x128xf32>
    %add3A_61 = arith.addf %dot_general3A_59, %add3A_60 : vector<2000x128xf32>
    %add3A_62 = arith.addf %get3A_1, %add3A_61 : vector<2000x128xf32>
    %get3A_63 = arith.constant 0 : index
    %get3A_64 = arith.constant 0 : index
    %get3A_65 = vector.load %arg11[%get3A_63, %get3A_64] : memref<8x128xf32, #tpu.memory_space<vmem>>, vector<1x128xf32>
    %get3A_66 = arith.constant 0 : index
    %get3A_67 = arith.constant 0 : index
    %get3A_68 = vector.load %arg12[%get3A_66, %get3A_67] : memref<8x128xf32, #tpu.memory_space<vmem>>, vector<1x128xf32>
    %get3A_69 = arith.constant 0 : index
    %get3A_70 = arith.constant 0 : index
    %get3A_71 = vector.load %arg13[%get3A_69, %get3A_70] : memref<8x128xf32, #tpu.memory_space<vmem>>, vector<1x128xf32>
    %reduce_sum3A_72 = arith.constant dense<0.000000e+00> : vector<2000xf32>
    %reduce_sum3A_73 = vector.multi_reduction <add>, %add3A_62, %reduce_sum3A_72 [1] : vector<2000x128xf32> to vector<2000xf32>
    %broadcast_in_dim3A_74 = vector.shape_cast %reduce_sum3A_73 : vector<2000xf32> to vector<2000x1xf32>
    %div3A_75 = arith.constant 1.280000e+02 : f32
    %div3A_76 = vector.broadcast %div3A_75 : f32 to vector<2000x1xf32>
    %div3A_77 = arith.divf %broadcast_in_dim3A_74, %div3A_76 : vector<2000x1xf32>
    %sub3A_78 = vector.broadcast %div3A_77 : vector<2000x1xf32> to vector<2000x128xf32>
    %sub3A_79 = arith.subf %add3A_62, %sub3A_78 : vector<2000x128xf32>
    %integer_pow3A_80 = arith.mulf %sub3A_79, %sub3A_79 : vector<2000x128xf32>
    %reduce_sum3A_81 = arith.constant dense<0.000000e+00> : vector<2000xf32>
    %reduce_sum3A_82 = vector.multi_reduction <add>, %integer_pow3A_80, %reduce_sum3A_81 [1] : vector<2000x128xf32> to vector<2000xf32>
    %broadcast_in_dim3A_83 = vector.shape_cast %reduce_sum3A_82 : vector<2000xf32> to vector<2000x1xf32>
    %div3A_84 = arith.constant 1.280000e+02 : f32
    %div3A_85 = vector.broadcast %div3A_84 : f32 to vector<2000x1xf32>
    %div3A_86 = arith.divf %broadcast_in_dim3A_83, %div3A_85 : vector<2000x1xf32>
    %sub3A_87 = vector.broadcast %div3A_77 : vector<2000x1xf32> to vector<2000x128xf32>
    %sub3A_88 = arith.subf %add3A_62, %sub3A_87 : vector<2000x128xf32>
    %add3A_89 = arith.constant 9.99999974E-6 : f32
    %add3A_90 = vector.broadcast %add3A_89 : f32 to vector<2000x1xf32>
    %add3A_91 = arith.addf %div3A_86, %add3A_90 : vector<2000x1xf32>
    %rsqrt3A_92 = math.rsqrt %add3A_91 : vector<2000x1xf32>
    %mul3A_93 = vector.broadcast %rsqrt3A_92 : vector<2000x1xf32> to vector<2000x128xf32>
    %mul3A_94 = arith.mulf %sub3A_88, %mul3A_93 : vector<2000x128xf32>
    %mul3A_95 = vector.broadcast %get3A_65 : vector<1x128xf32> to vector<2000x128xf32>
    %mul3A_96 = arith.mulf %mul3A_94, %mul3A_95 : vector<2000x128xf32>
    %add3A_97 = vector.broadcast %get3A_68 : vector<1x128xf32> to vector<2000x128xf32>
    %add3A_98 = arith.addf %mul3A_96, %add3A_97 : vector<2000x128xf32>
    %max3A_99 = arith.constant 0.000000e+00 : f32
    %max3A_100 = vector.broadcast %max3A_99 : f32 to vector<2000x128xf32>
    %max3A_101 = arith.maximumf %add3A_98, %max3A_100 : vector<2000x128xf32>
    %add3A_102 = arith.constant 1.000000e-07 : f32
    %add3A_103 = vector.broadcast %add3A_102 : f32 to vector<2000x128xf32>
    %add3A_104 = arith.addf %max3A_101, %add3A_103 : vector<2000x128xf32>
    %mul3A_105 = vector.broadcast %get3A_71 : vector<1x128xf32> to vector<2000x128xf32>
    %mul3A_106 = arith.mulf %mul3A_105, %add3A_104 : vector<2000x128xf32>
    %exp3A = math.exp %mul3A_106 : vector<2000x128xf32>
    %mul3A_107 = arith.mulf %add3A_104, %exp3A : vector<2000x128xf32>
    %swap3A = arith.constant 0 : index
    %swap3A_108 = arith.constant 0 : index
    %swap3A_109 = vector.load %arg14[%swap3A, %swap3A_108] : memref<2000x128xf32, #tpu.memory_space<vmem>>, vector<2000x128xf32>
    tpu.vector_store %arg14[%swap3A, %swap3A_108], %add3A_62 {strides = array<i32>} : memref<2000x128xf32, #tpu.memory_space<vmem>>, vector<2000x128xf32>,
    %swap3A_110 = arith.constant 0 : index
    %swap3A_111 = arith.constant 0 : index
    %swap3A_112 = vector.load %arg15[%swap3A_110, %swap3A_111] : memref<2000x128xf32, #tpu.memory_space<vmem>>, vector<2000x128xf32>
    tpu.vector_store %arg15[%swap3A_110, %swap3A_111], %max3A_101 {strides = array<i32>} : memref<2000x128xf32, #tpu.memory_space<vmem>>, vector<2000x128xf32>,
    %swap3A_113 = arith.constant 0 : index
    %swap3A_114 = arith.constant 0 : index
    %swap3A_115 = vector.load %arg16[%swap3A_113, %swap3A_114] : memref<2000x128xf32, #tpu.memory_space<vmem>>, vector<2000x128xf32>
    tpu.vector_store %arg16[%swap3A_113, %swap3A_114], %exp3A {strides = array<i32>} : memref<2000x128xf32, #tpu.memory_space<vmem>>, vector<2000x128xf32>,
    %swap3A_116 = arith.constant 0 : index
    %swap3A_117 = arith.constant 0 : index
    %swap3A_118 = vector.load %arg17[%swap3A_116, %swap3A_117] : memref<2000x128xf32, #tpu.memory_space<vmem>>, vector<2000x128xf32>
    tpu.vector_store %arg17[%swap3A_116, %swap3A_117], %mul3A_107 {strides = array<i32>} : memref<2000x128xf32, #tpu.memory_space<vmem>>, vector<2000x128xf32>,
    return
  }
  func.func @transform_0(%arg0: i32) -> (i32, i32) {
    %c0_i32 = arith.constant 0 : i32
    %c0_i32_0 = arith.constant 0 : i32
    return %arg0, %c0_i32 : i32, i32
  }
  func.func @transform_1(%arg0: i32) -> (i32, i32) {
    %c0_i32 = arith.constant 0 : i32
    %c0_i32_0 = arith.constant 0 : i32
    return %arg0, %c0_i32 : i32, i32
  }
  func.func @transform_2(%arg0: i32) -> (i32, i32) {
    %c0_i32 = arith.constant 0 : i32
    %c0_i32_0 = arith.constant 0 : i32
    return %arg0, %c0_i32 : i32, i32
  }
  func.func @transform_3(%arg0: i32) -> (i32, i32) {
    %c0_i32 = arith.constant 0 : i32
    %c0_i32_0 = arith.constant 0 : i32
    return %arg0, %c0_i32 : i32, i32
  }
  func.func @transform_4(%arg0: i32) -> (i32, i32) {
    %c0_i32 = arith.constant 0 : i32
    %c0_i32_0 = arith.constant 0 : i32
    %c0_i32_1 = arith.constant 0 : i32
    return %c0_i32, %c0_i32_0 : i32, i32
  }
  func.func @transform_5(%arg0: i32) -> (i32, i32) {
    %c0_i32 = arith.constant 0 : i32
    %c0_i32_0 = arith.constant 0 : i32
    %c0_i32_1 = arith.constant 0 : i32
    return %c0_i32, %c0_i32_0 : i32, i32
  }
  func.func @transform_6(%arg0: i32) -> (i32, i32) {
    %c0_i32 = arith.constant 0 : i32
    %c0_i32_0 = arith.constant 0 : i32
    %c0_i32_1 = arith.constant 0 : i32
    return %c0_i32, %c0_i32_0 : i32, i32
  }
  func.func @transform_7(%arg0: i32) -> (i32, i32) {
    %c0_i32 = arith.constant 0 : i32
    %c0_i32_0 = arith.constant 0 : i32
    %c0_i32_1 = arith.constant 0 : i32
    return %c0_i32, %c0_i32_0 : i32, i32
  }
  func.func @transform_8(%arg0: i32) -> (i32, i32) {
    %c0_i32 = arith.constant 0 : i32
    %c0_i32_0 = arith.constant 0 : i32
    %c0_i32_1 = arith.constant 0 : i32
    return %c0_i32, %c0_i32_0 : i32, i32
  }
  func.func @transform_9(%arg0: i32) -> (i32, i32) {
    %c0_i32 = arith.constant 0 : i32
    %c0_i32_0 = arith.constant 0 : i32
    %c0_i32_1 = arith.constant 0 : i32
    return %c0_i32, %c0_i32_0 : i32, i32
  }
  func.func @transform_10(%arg0: i32) -> (i32, i32) {
    %c0_i32 = arith.constant 0 : i32
    %c0_i32_0 = arith.constant 0 : i32
    %c0_i32_1 = arith.constant 0 : i32
    return %c0_i32, %c0_i32_0 : i32, i32
  }
  func.func @transform_11(%arg0: i32) -> (i32, i32) {
    %c0_i32 = arith.constant 0 : i32
    %c0_i32_0 = arith.constant 0 : i32
    %c0_i32_1 = arith.constant 0 : i32
    return %c0_i32, %c0_i32_0 : i32, i32
  }
  func.func @transform_12(%arg0: i32) -> (i32, i32) {
    %c0_i32 = arith.constant 0 : i32
    %c0_i32_0 = arith.constant 0 : i32
    %c0_i32_1 = arith.constant 0 : i32
    return %c0_i32, %c0_i32_0 : i32, i32
  }
  func.func @transform_13(%arg0: i32) -> (i32, i32) {
    %c0_i32 = arith.constant 0 : i32
    %c0_i32_0 = arith.constant 0 : i32
    return %arg0, %c0_i32 : i32, i32
  }
  func.func @transform_14(%arg0: i32) -> (i32, i32) {
    %c0_i32 = arith.constant 0 : i32
    %c0_i32_0 = arith.constant 0 : i32
    return %arg0, %c0_i32 : i32, i32
  }
  func.func @transform_15(%arg0: i32) -> (i32, i32) {
    %c0_i32 = arith.constant 0 : i32
    %c0_i32_0 = arith.constant 0 : i32
    return %arg0, %c0_i32 : i32, i32
  }
  func.func @transform_16(%arg0: i32) -> (i32, i32) {
    %c0_i32 = arith.constant 0 : i32
    %c0_i32_0 = arith.constant 0 : i32
    return %arg0, %c0_i32 : i32, i32
  }
}

module attributes {stable_mosaic.version = 14 : i64} {
  func.func @_post_pool_body(%arg0: i32, %arg1: memref<2000x128xf32, #tpu.memory_space<vmem>>, %arg2: memref<2000x128xf32, #tpu.memory_space<vmem>>, %arg3: memref<2000x128xf32, #tpu.memory_space<vmem>>, %arg4: memref<2000x128xf32, #tpu.memory_space<vmem>>, %arg5: memref<128x256xf32, #tpu.memory_space<vmem>>, %arg6: memref<8x256xf32, #tpu.memory_space<vmem>>, %arg7: memref<8x256xf32, #tpu.memory_space<vmem>>, %arg8: memref<8x256xf32, #tpu.memory_space<vmem>>, %arg9: memref<256x128xf32, #tpu.memory_space<vmem>>, %arg10: memref<8x128xf32, #tpu.memory_space<vmem>>, %arg11: memref<2000x128xf32, #tpu.memory_space<vmem>>, %arg12: memref<128x4xf32, #tpu.memory_space<vmem>>, %arg13: memref<8x4xf32, #tpu.memory_space<vmem>>, %arg14: memref<16x4xf32, #tpu.memory_space<vmem>>, %arg15: memref<16x128xf32, #tpu.memory_space<vmem>>) attributes {dimension_semantics = [#tpu.dimension_semantics<arbitrary>], iteration_bounds = array<i64: 5>, scalar_prefetch = 0 : i64, scratch_operands = 1 : i64, tpu.core_type = #tpu.core_type<tc>, window_params = [{transform_indices = @transform_0, window_bounds = array<i64: 2000, 128>}, {transform_indices = @transform_1, window_bounds = array<i64: 2000, 128>}, {transform_indices = @transform_2, window_bounds = array<i64: 2000, 128>}, {transform_indices = @transform_3, window_bounds = array<i64: 2000, 128>}, {pipeline_mode = #tpu.pipeline_mode<synchronous>, transform_indices = @transform_4, window_bounds = array<i64: 128, 256>}, {pipeline_mode = #tpu.pipeline_mode<synchronous>, transform_indices = @transform_5, window_bounds = array<i64: 8, 256>}, {pipeline_mode = #tpu.pipeline_mode<synchronous>, transform_indices = @transform_6, window_bounds = array<i64: 8, 256>}, {pipeline_mode = #tpu.pipeline_mode<synchronous>, transform_indices = @transform_7, window_bounds = array<i64: 8, 256>}, {pipeline_mode = #tpu.pipeline_mode<synchronous>, transform_indices = @transform_8, window_bounds = array<i64: 256, 128>}, {pipeline_mode = #tpu.pipeline_mode<synchronous>, transform_indices = @transform_9, window_bounds = array<i64: 8, 128>}, {transform_indices = @transform_10, window_bounds = array<i64: 2000, 128>}, {pipeline_mode = #tpu.pipeline_mode<synchronous>, transform_indices = @transform_11, window_bounds = array<i64: 128, 4>}, {pipeline_mode = #tpu.pipeline_mode<synchronous>, transform_indices = @transform_12, window_bounds = array<i64: 8, 4>}, {pipeline_mode = #tpu.pipeline_mode<synchronous>, transform_indices = @transform_13, window_bounds = array<i64: 16, 4>}]} {
    %get3A = arith.constant 0 : index
    %get3A_0 = arith.constant 0 : index
    %get3A_1 = vector.load %arg1[%get3A, %get3A_0] : memref<2000x128xf32, #tpu.memory_space<vmem>>, vector<2000x128xf32>
    %get3A_2 = arith.constant 0 : index
    %get3A_3 = arith.constant 0 : index
    %get3A_4 = vector.load %arg2[%get3A_2, %get3A_3] : memref<2000x128xf32, #tpu.memory_space<vmem>>, vector<2000x128xf32>
    %get3A_5 = arith.constant 0 : index
    %get3A_6 = arith.constant 0 : index
    %get3A_7 = vector.load %arg3[%get3A_5, %get3A_6] : memref<2000x128xf32, #tpu.memory_space<vmem>>, vector<2000x128xf32>
    %get3A_8 = arith.constant 0 : index
    %get3A_9 = arith.constant 0 : index
    %get3A_10 = vector.load %arg4[%get3A_8, %get3A_9] : memref<2000x128xf32, #tpu.memory_space<vmem>>, vector<2000x128xf32>
    %get3A_11 = arith.constant 0 : index
    %get3A_12 = arith.constant 0 : index
    %get3A_13 = vector.load %arg5[%get3A_11, %get3A_12] : memref<128x256xf32, #tpu.memory_space<vmem>>, vector<128x256xf32>
    %get3A_14 = arith.constant 0 : index
    %get3A_15 = arith.constant 0 : index
    %get3A_16 = vector.load %arg6[%get3A_14, %get3A_15] : memref<8x256xf32, #tpu.memory_space<vmem>>, vector<1x256xf32>
    %get3A_17 = arith.constant 0 : index
    %get3A_18 = arith.constant 0 : index
    %get3A_19 = vector.load %arg7[%get3A_17, %get3A_18] : memref<8x256xf32, #tpu.memory_space<vmem>>, vector<1x256xf32>
    %get3A_20 = arith.constant 0 : index
    %get3A_21 = arith.constant 0 : index
    %get3A_22 = vector.load %arg8[%get3A_20, %get3A_21] : memref<8x256xf32, #tpu.memory_space<vmem>>, vector<1x256xf32>
    %get3A_23 = arith.constant 0 : index
    %get3A_24 = arith.constant 0 : index
    %get3A_25 = vector.load %arg9[%get3A_23, %get3A_24] : memref<256x128xf32, #tpu.memory_space<vmem>>, vector<256x128xf32>
    %get3A_26 = arith.constant 0 : index
    %get3A_27 = arith.constant 0 : index
    %get3A_28 = vector.load %arg10[%get3A_26, %get3A_27] : memref<8x128xf32, #tpu.memory_space<vmem>>, vector<1x128xf32>
    %add3A = arith.constant 1.000000e-16 : f32
    %add3A_29 = vector.broadcast %add3A : f32 to vector<2000x128xf32>
    %add3A_30 = arith.addf %get3A_7, %add3A_29 : vector<2000x128xf32>
    %div3A = arith.divf %get3A_10, %add3A_30 : vector<2000x128xf32>
    %add3A_31 = arith.addf %div3A, %get3A_4 : vector<2000x128xf32>
    %dot_general3A = arith.constant dense<0.000000e+00> : vector<2000x256xf32>
    %dot_general3A_32 = tpu.matmul %add3A_31, %get3A_13, %dot_general3A {dimension_numbers = #tpu.dot_dimension_numbers<[1], [0], [0], [1], [0, 0, 1, 1], [], []>, transpose_lhs_hint = false} : vector<2000x128xf32>, vector<128x256xf32>, vector<2000x256xf32> -> vector<2000x256xf32>
    %add3A_33 = vector.broadcast %get3A_16 : vector<1x256xf32> to vector<2000x256xf32>
    %add3A_34 = arith.addf %dot_general3A_32, %add3A_33 : vector<2000x256xf32>
    %reduce_sum3A = arith.constant dense<0.000000e+00> : vector<2000xf32>
    %reduce_sum3A_35 = vector.multi_reduction <add>, %add3A_34, %reduce_sum3A [1] : vector<2000x256xf32> to vector<2000xf32>
    %broadcast_in_dim3A = vector.shape_cast %reduce_sum3A_35 : vector<2000xf32> to vector<2000x1xf32>
    %div3A_36 = arith.constant 2.560000e+02 : f32
    %div3A_37 = vector.broadcast %div3A_36 : f32 to vector<2000x1xf32>
    %div3A_38 = arith.divf %broadcast_in_dim3A, %div3A_37 : vector<2000x1xf32>
    %sub3A = vector.broadcast %div3A_38 : vector<2000x1xf32> to vector<2000x256xf32>
    %sub3A_39 = arith.subf %add3A_34, %sub3A : vector<2000x256xf32>
    %integer_pow3A = arith.mulf %sub3A_39, %sub3A_39 : vector<2000x256xf32>
    %reduce_sum3A_40 = arith.constant dense<0.000000e+00> : vector<2000xf32>
    %reduce_sum3A_41 = vector.multi_reduction <add>, %integer_pow3A, %reduce_sum3A_40 [1] : vector<2000x256xf32> to vector<2000xf32>
    %broadcast_in_dim3A_42 = vector.shape_cast %reduce_sum3A_41 : vector<2000xf32> to vector<2000x1xf32>
    %div3A_43 = arith.constant 2.560000e+02 : f32
    %div3A_44 = vector.broadcast %div3A_43 : f32 to vector<2000x1xf32>
    %div3A_45 = arith.divf %broadcast_in_dim3A_42, %div3A_44 : vector<2000x1xf32>
    %sub3A_46 = vector.broadcast %div3A_38 : vector<2000x1xf32> to vector<2000x256xf32>
    %sub3A_47 = arith.subf %add3A_34, %sub3A_46 : vector<2000x256xf32>
    %add3A_48 = arith.constant 9.99999974E-6 : f32
    %add3A_49 = vector.broadcast %add3A_48 : f32 to vector<2000x1xf32>
    %add3A_50 = arith.addf %div3A_45, %add3A_49 : vector<2000x1xf32>
    %rsqrt3A = math.rsqrt %add3A_50 : vector<2000x1xf32>
    %mul3A = vector.broadcast %rsqrt3A : vector<2000x1xf32> to vector<2000x256xf32>
    %mul3A_51 = arith.mulf %sub3A_47, %mul3A : vector<2000x256xf32>
    %mul3A_52 = vector.broadcast %get3A_19 : vector<1x256xf32> to vector<2000x256xf32>
    %mul3A_53 = arith.mulf %mul3A_51, %mul3A_52 : vector<2000x256xf32>
    %add3A_54 = vector.broadcast %get3A_22 : vector<1x256xf32> to vector<2000x256xf32>
    %add3A_55 = arith.addf %mul3A_53, %add3A_54 : vector<2000x256xf32>
    %max3A = arith.constant 0.000000e+00 : f32
    %max3A_56 = vector.broadcast %max3A : f32 to vector<2000x256xf32>
    %max3A_57 = arith.maximumf %add3A_55, %max3A_56 : vector<2000x256xf32>
    %dot_general3A_58 = arith.constant dense<0.000000e+00> : vector<2000x128xf32>
    %dot_general3A_59 = tpu.matmul %max3A_57, %get3A_25, %dot_general3A_58 {dimension_numbers = #tpu.dot_dimension_numbers<[1], [0], [0], [1], [0, 0, 1, 1], [], []>, transpose_lhs_hint = false} : vector<2000x256xf32>, vector<256x128xf32>, vector<2000x128xf32> -> vector<2000x128xf32>
    %add3A_60 = vector.broadcast %get3A_28 : vector<1x128xf32> to vector<2000x128xf32>
    %add3A_61 = arith.addf %dot_general3A_59, %add3A_60 : vector<2000x128xf32>
    %add3A_62 = arith.addf %get3A_1, %add3A_61 : vector<2000x128xf32>
    %get3A_63 = arith.constant 0 : index
    %get3A_64 = arith.constant 0 : index
    %get3A_65 = vector.load %arg11[%get3A_63, %get3A_64] : memref<2000x128xf32, #tpu.memory_space<vmem>>, vector<2000x16xf32>
    %iota3A = tpu.iota {dimensions = array<i32: 1>} : vector<2000x16xi32>
    %convert_element_type3A = arith.sitofp %iota3A : vector<2000x16xi32> to vector<2000x16xf32>
    %eq3A = arith.cmpf oeq, %get3A_65, %convert_element_type3A : vector<2000x16xf32>
    %jit3A = arith.constant 1.000000e+00 : f32
    %jit3A_66 = arith.constant 0.000000e+00 : f32
    %broadcast_in_dim3A_67 = vector.broadcast %jit3A : f32 to vector<2000x16xf32>
    %broadcast_in_dim3A_68 = vector.broadcast %jit3A_66 : f32 to vector<2000x16xf32>
    %select_n3A = arith.select %eq3A, %broadcast_in_dim3A_67, %broadcast_in_dim3A_68 : vector<2000x16xi1>, vector<2000x16xf32>
    %dot_general3A_69 = arith.constant dense<0.000000e+00> : vector<16x128xf32>
    %dot_general3A_70 = tpu.matmul %select_n3A, %add3A_62, %dot_general3A_69 {dimension_numbers = #tpu.dot_dimension_numbers<[0], [0], [1], [1], [0, 1, 1, 1], [], []>, transpose_lhs_hint = false} : vector<2000x16xf32>, vector<2000x128xf32>, vector<16x128xf32> -> vector<16x128xf32>
    %eq3A_71 = arith.constant 0 : i32
    %eq3A_72 = arith.cmpi eq, %arg0, %eq3A_71 : i32
    %convert_element_type3A_73 = arith.extui %eq3A_72 : i1 to i32
    %cond3A = arith.constant 0 : i32
    %cond3A_74 = arith.cmpi ne, %convert_element_type3A_73, %cond3A : i32
    scf.if %cond3A_74 {
      %swap3A_94 = arith.constant 0 : index
      %swap3A_95 = arith.constant 0 : index
      %swap3A_96 = vector.load %arg15[%swap3A_94, %swap3A_95] : memref<16x128xf32, #tpu.memory_space<vmem>>, vector<16x128xf32>
      tpu.vector_store %arg15[%swap3A_94, %swap3A_95], %dot_general3A_70 {strides = array<i32>} : memref<16x128xf32, #tpu.memory_space<vmem>>, vector<16x128xf32>,
    } else {
    }
    %gt3A = arith.constant 0 : i32
    %gt3A_75 = arith.cmpi sgt, %arg0, %gt3A : i32
    %convert_element_type3A_76 = arith.extui %gt3A_75 : i1 to i32
    %cond3A_77 = arith.constant 0 : i32
    %cond3A_78 = arith.cmpi ne, %convert_element_type3A_76, %cond3A_77 : i32
    scf.if %cond3A_78 {
      %get3A_94 = arith.constant 0 : index
      %get3A_95 = arith.constant 0 : index
      %get3A_96 = vector.load %arg15[%get3A_94, %get3A_95] : memref<16x128xf32, #tpu.memory_space<vmem>>, vector<16x128xf32>
      %add3A_97 = arith.addf %get3A_96, %dot_general3A_70 : vector<16x128xf32>
      %swap3A_98 = arith.constant 0 : index
      %swap3A_99 = arith.constant 0 : index
      %swap3A_100 = vector.load %arg15[%swap3A_98, %swap3A_99] : memref<16x128xf32, #tpu.memory_space<vmem>>, vector<16x128xf32>
      tpu.vector_store %arg15[%swap3A_98, %swap3A_99], %add3A_97 {strides = array<i32>} : memref<16x128xf32, #tpu.memory_space<vmem>>, vector<16x128xf32>,
    } else {
    }
    %get3A_79 = arith.constant 0 : index
    %get3A_80 = arith.constant 0 : index
    %get3A_81 = vector.load %arg15[%get3A_79, %get3A_80] : memref<16x128xf32, #tpu.memory_space<vmem>>, vector<16x128xf32>
    %get3A_82 = arith.constant 0 : index
    %get3A_83 = arith.constant 0 : index
    %get3A_84 = vector.load %arg12[%get3A_82, %get3A_83] : memref<128x4xf32, #tpu.memory_space<vmem>>, vector<128x4xf32>
    %dot_general3A_85 = arith.constant dense<0.000000e+00> : vector<16x4xf32>
    %dot_general3A_86 = tpu.matmul %get3A_81, %get3A_84, %dot_general3A_85 {dimension_numbers = #tpu.dot_dimension_numbers<[1], [0], [0], [1], [0, 0, 1, 1], [], []>, transpose_lhs_hint = false} : vector<16x128xf32>, vector<128x4xf32>, vector<16x4xf32> -> vector<16x4xf32>
    %get3A_87 = arith.constant 0 : index
    %get3A_88 = arith.constant 0 : index
    %get3A_89 = vector.load %arg13[%get3A_87, %get3A_88] : memref<8x4xf32, #tpu.memory_space<vmem>>, vector<1x4xf32>
    %add3A_90 = vector.broadcast %get3A_89 : vector<1x4xf32> to vector<16x4xf32>
    %add3A_91 = arith.addf %dot_general3A_86, %add3A_90 : vector<16x4xf32>
    %swap3A = arith.constant 0 : index
    %swap3A_92 = arith.constant 0 : index
    %swap3A_93 = vector.load %arg14[%swap3A, %swap3A_92] : memref<16x4xf32, #tpu.memory_space<vmem>>, vector<16x4xf32>
    tpu.vector_store %arg14[%swap3A, %swap3A_92], %add3A_91 {strides = array<i32>} : memref<16x4xf32, #tpu.memory_space<vmem>>, vector<16x4xf32>,
    return
  }
  func.func @transform_0(%arg0: i32) -> (i32, i32) {
    %c0_i32 = arith.constant 0 : i32
    %c0_i32_0 = arith.constant 0 : i32
    return %arg0, %c0_i32 : i32, i32
  }
  func.func @transform_1(%arg0: i32) -> (i32, i32) {
    %c0_i32 = arith.constant 0 : i32
    %c0_i32_0 = arith.constant 0 : i32
    return %arg0, %c0_i32 : i32, i32
  }
  func.func @transform_2(%arg0: i32) -> (i32, i32) {
    %c0_i32 = arith.constant 0 : i32
    %c0_i32_0 = arith.constant 0 : i32
    return %arg0, %c0_i32 : i32, i32
  }
  func.func @transform_3(%arg0: i32) -> (i32, i32) {
    %c0_i32 = arith.constant 0 : i32
    %c0_i32_0 = arith.constant 0 : i32
    return %arg0, %c0_i32 : i32, i32
  }
  func.func @transform_4(%arg0: i32) -> (i32, i32) {
    %c0_i32 = arith.constant 0 : i32
    %c0_i32_0 = arith.constant 0 : i32
    %c0_i32_1 = arith.constant 0 : i32
    return %c0_i32, %c0_i32_0 : i32, i32
  }
  func.func @transform_5(%arg0: i32) -> (i32, i32) {
    %c0_i32 = arith.constant 0 : i32
    %c0_i32_0 = arith.constant 0 : i32
    %c0_i32_1 = arith.constant 0 : i32
    return %c0_i32, %c0_i32_0 : i32, i32
  }
  func.func @transform_6(%arg0: i32) -> (i32, i32) {
    %c0_i32 = arith.constant 0 : i32
    %c0_i32_0 = arith.constant 0 : i32
    %c0_i32_1 = arith.constant 0 : i32
    return %c0_i32, %c0_i32_0 : i32, i32
  }
  func.func @transform_7(%arg0: i32) -> (i32, i32) {
    %c0_i32 = arith.constant 0 : i32
    %c0_i32_0 = arith.constant 0 : i32
    %c0_i32_1 = arith.constant 0 : i32
    return %c0_i32, %c0_i32_0 : i32, i32
  }
  func.func @transform_8(%arg0: i32) -> (i32, i32) {
    %c0_i32 = arith.constant 0 : i32
    %c0_i32_0 = arith.constant 0 : i32
    %c0_i32_1 = arith.constant 0 : i32
    return %c0_i32, %c0_i32_0 : i32, i32
  }
  func.func @transform_9(%arg0: i32) -> (i32, i32) {
    %c0_i32 = arith.constant 0 : i32
    %c0_i32_0 = arith.constant 0 : i32
    %c0_i32_1 = arith.constant 0 : i32
    return %c0_i32, %c0_i32_0 : i32, i32
  }
  func.func @transform_10(%arg0: i32) -> (i32, i32) {
    %c0_i32 = arith.constant 0 : i32
    %c0_i32_0 = arith.constant 0 : i32
    return %arg0, %c0_i32 : i32, i32
  }
  func.func @transform_11(%arg0: i32) -> (i32, i32) {
    %c0_i32 = arith.constant 0 : i32
    %c0_i32_0 = arith.constant 0 : i32
    %c0_i32_1 = arith.constant 0 : i32
    return %c0_i32, %c0_i32_0 : i32, i32
  }
  func.func @transform_12(%arg0: i32) -> (i32, i32) {
    %c0_i32 = arith.constant 0 : i32
    %c0_i32_0 = arith.constant 0 : i32
    %c0_i32_1 = arith.constant 0 : i32
    return %c0_i32, %c0_i32_0 : i32, i32
  }
  func.func @transform_13(%arg0: i32) -> (i32, i32) {
    %c0_i32 = arith.constant 0 : i32
    %c0_i32_0 = arith.constant 0 : i32
    %c0_i32_1 = arith.constant 0 : i32
    return %c0_i32, %c0_i32_0 : i32, i32
  }
}

</mosaic_0001>

<sc_bundles>
// kernel: kernel.15.cloned.1.call-start
scs
__scs_entry_jumppad:
0x0: {  	(pc) =	sbr.rel $0x88, $3  }
0x1: {  	(tag) =	ssettag $0x0;
	lr =	simm.s32 $0x1  }
0x2: {  	[smem:$0x3F64] =	sst lr;
	_ =	strace $0xD0000000  }
0x3: {  	_ = 	snop  }
0x4: {  	_ = 	snop  }
0x5: {  	_ = 	snop  }
0x6: {  	_ = 	snop  }
0x7: {  	_ = 	snop  }
__scs_overlays_trampoline_lowered:
0x8: {  	[smem:$0x3F73] =	sst s0  }
0x9: {  	[smem:$0x3F74] =	sst s1  }
0xa: {  	[smem:$0x3F75] =	sst s2  }
0xb: {  	[smem:$0x3F76] =	sst s3  }
0xc: {  	[smem:$0x3F77] =	sst s4  }
0xd: {  	[smem:$0x3F78] =	sst s5  }
0xe: {  	[smem:$0x3F79] =	sst s6  }
0xf: {  	[smem:$0x3F7A] =	sst s7  }
0x10: {  	[smem:$0x3F7B] =	sst s8  }
0x11: {  	[smem:$0x3F7C] =	sst s9;
	s0 =	simm.s32 @!p0 $0x0  }
0x12: {  	s1 =	sld [smem:$0x3F62];
	s0 =	simm.s32 @p0 $0x1  }
0x13: {  	[smem:$0x3F7D] =	sst s0;
	s0 =	simm.s32 @!p1 $0x0  }
0x14: {  	s2 =	sld [smem:$0x3F61];
	s0 =	simm.s32 @p1 $0x1  }
0x15: {  	[smem:$0x3F7E] =	sst s0;
	s0 =	simm.s32 @!p2 $0x0  }
0x16: {  	s3 =	sld [smem:$0x3FDB];
	s0 =	simm.s32 @p2 $0x1  }
0x17: {  	s4 =	simm.s32 $0x1BF5;
	[smem:$0x3F80] =	sst s0  }
0x18: {  	s0 =	sld [smem:$0x3F63];
	_ =	swait.ge [sflag:s4], $0x0  }
0x19: {  	s7 =	sld [smem:$0x3F64]  }
0x1a: {  	s8 =	sadd.s32 $0xFFFFE003, lr  }
0x1b: {  	s9 =	sadd.s32 $0xFFFFFEF7, lr;
	s5 =	simm.s32 $0xFFFFFFFF;
	p2 =	slt.u32 s8, $0xFFFFF086  }
0x1c: {  	p1 =	slt.u32 s9, $0xF7A;
	s5 =	simm.s32 @!p2 $0x0  }
0x1d: {  	s5 =	simm.s32 @p1 $0x1;
	p0 =	seq.s32 s7, s2  }
0x1e: {  	s7 =	smul.u32 @!p0 $0xF7A, s2;
	p2 =	seq.s32 @!p0 s5, $0x0  }
0x1f: {  	s9 =	smul.u32 $0xF7A, s1;
	s8 =	simm.s32 @!p0 $0x1BF5;
	p2 =	por !p2, p0  }
0x20: {  	[sflag:s8] =	ssyncset.s32 @!p0 $0xFFFFF086;
	s6 =	sadd.s32 @!p0 s3, s7;
	s7 =	simm.s32 @!p0 $0x108  }
0x21: {  	s3 =	sadd.s32 s3, s9;
	s6 =	sadd.s32 @!p0 $0x88, s6;
	s7 =	simm.s32 @p2 $0x1082  }
0x22: {  	[simem:s7], [sflag:s8] =	dma.local @!p0 [hbm:s6], $0xF7A  }
0x23: {  	s9 =	sor.u32 $0xD0000000, s2;
	s6 =	simm.s32 $0x108;
	_ =	swait.ge @!p0 [sflag:s8], $0x0  }
0x24: {  	s3 =	sadd.s32 $0x88, s3;
	s6 =	simm.s32 @!p1 $0x1082;
	[sflag:s4] =	ssyncset.s32 $0xFFFFF086  }
0x25: {  	[simem:s6], [sflag:s4] =	dma.local [hbm:s3], $0xF7A  }
0x26: {  	[smem:$0x3F64] =	sst s1;
	(tag) =	ssettag s2;
	_ =	strace s9  }
0x27: {  	s1 =	sld [smem:$0x3F74]  }
0x28: {  	s2 =	sld [smem:$0x3F75]  }
0x29: {  	s4 =	sld [smem:$0x3F77]  }
0x2a: {  	p0 =	seq.s32 s5, $0x0;
	s5 =	sld [smem:$0x3F78]  }
0x2b: {  	s6 =	sld [smem:$0x3F79]  }
0x2c: {  	s7 =	sld [smem:$0x3F7A]  }
0x2d: {  	s3 =	simm.s32 $0x108;
	s8 =	sld [smem:$0x3F7B]  }
0x2e: {  	s3 =	simm.s32 @!p0 $0x1082;
	s9 =	sld [smem:$0x3F7C]  }
0x2f: {  	lr =	sadd.s32 s0, s3;
	s0 =	sld [smem:$0x3F73]  }
0x30: {  	s3 =	sld [smem:$0x3F76]  }
0x31: {  	[smem:$0x3F7F] =	sst s10  }
0x32: {  	s10 =	sld [smem:$0x3F7D];
	_ =	sdelay $0x3  }
0x33: {  	p0 =	seq.s32 s10, $0x1;
	s10 =	sld [smem:$0x3F7F];
	_ =	sdelay $0x3  }
0x34: {  	[smem:$0x3F7F] =	sst s10  }
0x35: {  	s10 =	sld [smem:$0x3F7E];
	_ =	sdelay $0x3  }
0x36: {  	p1 =	seq.s32 s10, $0x1;
	s10 =	sld [smem:$0x3F7F];
	_ =	sdelay $0x3  }
0x37: {  	[smem:$0x3F7F] =	sst s10  }
0x38: {  	s10 =	sld [smem:$0x3F80]  }
0x39: {  	_ = 	snop;
	(pc) =	sbr.ind lr, $3  }
0x3a: {  	_ = 	snop  }
0x3b: {  	_ = 	snop  }
0x3c: {  	p2 =	seq.s32 s10, $0x1;
	s10 =	sld [smem:$0x3F7F]  }
0x3d: {  	_ =	shalt  }
0x3e: {  	_ =	shalt  }
0x3f: {  	_ =	shalt  }
0x40: {  	_ =	shalt  }
0x41: {  	_ =	shalt  }
0x42: {  	_ =	shalt  }
0x43: {  	_ =	shalt  }
0x44: {  	_ =	shalt  }
0x45: {  	_ =	shalt  }
0x46: {  	_ =	shalt  }
0x47: {  	_ =	shalt  }
0x48: {  	_ =	shalt  }
0x49: {  	_ =	shalt  }
0x4a: {  	_ =	shalt  }
0x4b: {  	_ =	shalt  }
0x4c: {  	_ =	shalt  }
0x4d: {  	_ =	shalt  }
0x4e: {  	_ =	shalt  }
0x4f: {  	_ =	shalt  }
0x50: {  	_ =	shalt  }
0x51: {  	_ =	shalt  }
0x52: {  	_ =	shalt  }
0x53: {  	_ =	shalt  }
0x54: {  	_ =	shalt  }
0x55: {  	_ =	shalt  }
0x56: {  	_ =	shalt  }
0x57: {  	_ =	shalt  }
0x58: {  	_ =	shalt  }
0x59: {  	_ =	shalt  }
0x5a: {  	_ =	shalt  }
0x5b: {  	_ =	shalt  }
0x5c: {  	_ =	shalt  }
0x5d: {  	_ =	shalt  }
0x5e: {  	_ =	shalt  }
0x5f: {  	_ =	shalt  }
0x60: {  	_ =	shalt  }
0x61: {  	_ =	shalt  }
0x62: {  	_ =	shalt  }
0x63: {  	_ =	shalt  }
0x64: {  	_ =	shalt  }
0x65: {  	_ =	shalt  }
0x66: {  	_ =	shalt  }
0x67: {  	_ =	shalt  }
0x68: {  	_ =	shalt  }
0x69: {  	_ =	shalt  }
0x6a: {  	_ =	shalt  }
0x6b: {  	_ =	shalt  }
0x6c: {  	_ =	shalt  }
0x6d: {  	_ =	shalt  }
0x6e: {  	_ =	shalt  }
0x6f: {  	_ =	shalt  }
0x70: {  	_ =	shalt  }
0x71: {  	_ =	shalt  }
0x72: {  	_ =	shalt  }
0x73: {  	_ =	shalt  }
0x74: {  	_ =	shalt  }
0x75: {  	_ =	shalt  }
0x76: {  	_ =	shalt  }
0x77: {  	_ =	shalt  }
0x78: {  	_ =	shalt  }
0x79: {  	_ =	shalt  }
0x7a: {  	_ =	shalt  }
0x7b: {  	_ =	shalt  }
0x7c: {  	_ =	shalt  }
0x7d: {  	_ =	shalt  }
0x7e: {  	_ =	shalt  }
0x7f: {  	_ =	shalt  }
0x80: {  	_ =	shalt  }
0x81: {  	_ =	shalt  }
0x82: {  	_ =	shalt  }
0x83: {  	_ =	shalt  }
0x84: {  	_ =	shalt  }
0x85: {  	_ =	shalt  }
0x86: {  	_ =	shalt  }
0x87: {  	_ =	shalt  }
.Lfunc_end0:
.L_simem_size_0:
called_computation_lowered:
.L_overlay_start_0:
0x88: {  	s2 =	sld [smem:$0x3FD9]  }
0x89: {  	s3 =	sld [smem:$0x3FFE];
	_ =	sdelay $0x1  }
0x8a: {  	s1 =	srdreg.scid  }
0x8b: {  	s0 =	sand.u32 $0x1, s1  }
0x8c: {  	s16 =	sshll.u32 s0, $0xA;
	s2 =	sadd.s32 s3, s2  }
0x8d: {  	s2 =	sadd.s32 s2, s16  }
0x8e: {  	[smem:$0x3F8B] =	sst s2  }
0x8f: {  	_ = 	snop  }
0x90: {  	(tm) =	ssettm $0x1  }
0x91: {  	s17 =	sld [smem:$0x3FFB];
	_ =	sdelay $0x3  }
0x92: {  	_ =	strace s17  }
0x93: {  	s2 =	sld [smem:$0x3FFC];
	_ =	sdelay $0x3  }
0x94: {  	_ =	strace s2  }
0x95: {  	s2 =	sld [smem:$0x3FFD];
	_ =	sdelay $0x3  }
0x96: {  	_ =	strace s2  }
0x97: {  	_ =	strace $0x8FFFFFFF  }
0x98: {  	s18 =	sld [smem:$0x3FDB];
	_ =	sdelay $0x1  }
0x99: {  	s19 =	simm.s32 $_scs_section_size  }
0x9a: {  	s4 =	simm.s32 $_size__tile_overlayer_lowered;
	s5 =	simm.s32 $_tile_overlayer_lowered  }
0x9b: {  	s22 =	simm.s32 $0x1BFF;
	s21 =	sshll.u32 s5, $0x1;
	s2 =	sadd.s32 s19, s18  }
0x9c: {  	s6 =	simm.s32 $0x0;
	s20 =	sshll.u32 s4, $0x1;
	s4 =	sadd.s32 s21, s2  }
0x9d: {  	[timem:s6], [sflag:s22] =	dma.local [hbm:s4], s20  }
0x9e: {  	_ =	swait.ge [sflag:s22], s20  }
0x9f: {  	s3 =	ssub.s32 $0x0, s20;
	[sflag:s22] =	ssyncset.done $0x0  }
0xa0: {  	[sflag:s22] =	ssyncadd.s32 s3;
	_ =	sdelay $0x1  }
0xa1: {  	s23 =	simm.s32 $0x1B8B  }
0xa2: {  	_ =	swait.ge [sflag:s23], $0x1  }
0xa3: {  	[sflag:s23] =	ssyncset.done $0x0  }
0xa4: {  	s25 =	simm.s32 $0x1B8E;
	s24 =	sld [smem:$0x3FFE];
	[sflag:s23] =	ssyncadd.s32 $0xFFFFFFFF  }
0xa5: {  	s26 =	simm.s32 $execute0_lowered;
	[smem:$0x3FD2] =	sst s25  }
0xa6: {  	s4 =	sshll.u32 s26, $0x1;
	_ =	strace $0x80000046;
	[dreg:$0x1] =	wrdreg $0xFFFFFFFF  }
0xa7: {  	s28 =	simm.s32 $_size_execute0_lowered;
	s2 =	sadd.s32 s2, s4;
	[dreg:$0x0] =	wrdreg $0x0  }
0xa8: {  	s4 =	sshll.u32 s28, $0x1;
	[dreg:$0x2] =	wrdreg s2  }
0xa9: {  	[dreg:$0x3] =	wrdreg s4  }
0xaa: {  	[dreg:$0x4] =	wrdreg $0xC0  }
0xab: {  	_ =	task [dreg:s6], $0x5FFFF  }
0xac: {  	[dreg:$0x1] =	wrdreg $0xFFFFFFFF  }
0xad: {  	[dreg:$0x0] =	wrdreg $0x60  }
0xae: {  	[dreg:$0x2] =	wrdreg s24  }
0xaf: {  	[dreg:$0x3] =	wrdreg $0x100000  }
0xb0: {  	[dreg:$0x4] =	wrdreg $0x9  }
0xb1: {  	_ =	task.clear_ibuf [dreg:s6], $0x5FFFF;
	_ =	strace $0x90000046  }
0xb2: {  	s29 =	simm.s32 $0x9;
	_ =	strace $0x80000048  }
0xb3: {  	_ =	swait.ge [sflag:s29], $0x1  }
0xb4: {  	[sflag:s29] =	ssyncadd.s32 $0xFFFFFFFF  }
0xb5: {  	_ =	strace $0x90000048  }
0xb6: {  	_ =	sfence  }
0xb7: {  	s30 =	sld [smem:$0x0];
	_ =	sdelay $0x2  }
0xb8: {  	s31 =	sshll.u32 s1, $0xD;
	s1 =	sshrl.u32 s1, $0x2  }
0xb9: {  	s3 =	sand.u32 $0x4000, s31;
	s1 =	sadd.s32 s1, s30  }
0xba: {  	s0 =	sor.u32 s3, s0;
	s1 =	sshll.u32 s1, $0x11  }
0xbb: {  	s0 =	sor.u32 s1, s0  }
0xbc: {  	s0 =	sadd.s32 $0x8F2B, s0  }
0xbd: {  	[sflag:s0] =	ssyncadd.remote.s32 $0x1  }
0xbe: {  	_ =	sfence.sel $0xFFFF  }
0xbf: {  	[dreg:$0x0] =	wrdreg $0xFFFFFFFF;
	(pc) =	sbr.abs _section_cstart, $3  }
0xc0: {  	[dreg:$0x1] =	wrdreg $0xFFFFFFFF  }
0xc1: {  	_ =	task.clear_ibuf [dreg:s6], $0x2FFFF;
	_ =	strace $0x9FFFFFFF  }
0xc2: {  	(tm) =	ssettm $0x7FFFFFFF  }
0xc3: {  	_ =	shalt  }
tec
execute0_lowered:
.L_overlay_start_1:
0x0: {  	(tag) =	ssettag $0x1  }
0x1: {  	s8 =	rddreg [dreg:$0x0]  }
0x2: {  	s1 =	rddreg [dreg:$0x1]  }
0x3: {  	s0 =	rddreg [dreg:$0x2];
	s2 =	simm.s32 $0x0;
	s3 =	srdreg.scid  }
0x4: {  	s16 =	simm.s32 $0x5000;
	s17 =	simm.s32 $0x1;
	s18 =	simm.s32 $0x40  }
0x5: {  	s21 =	simm.s32 $0x0;
	[smem:$0x7FF] =	sst s2;
	s4 =	sadd.s32 $0xA9000, s8  }
0x6: {  	s5 =	sadd.s32 $0xAC00, s8;
	s12 =	sand.u32 $0x1, s3;
	s6 =	sadd.s32 $0x32C00, s8  }
0x7: {  	s3 =	stileid.u32;
	s7 =	sadd.s32 $0xF7200, s8;
	s9 =	ssub.s32 $0x2, s12  }
0x8: {  	s8 =	sadd.s32 $0xF8600, s8;
	s11 =	smul.u32 $0x28000, s3;
	s10 =	sshrl.u32 s9, $0x1  }
0x9: {  	_ =	strace $0x80000047;
	s13 =	ssub.s32 s9, s10;
	s9 =	smul.u32 $0x140, s3  }
0xa: {  	s14 =	sshll.u32 s3, $0x6;
	s11 =	sshrl.u32 s11, $0x2;
	s10 =	smul.u32 $0xA0000, s12  }
0xb: {  	s12 =	smul.u32 $0x13C000, s12;
	s15 =	sadd.s32 s11, s1;
	s11 =	sor.u32 $0x1C02, s14  }
0xc: {  	s13 =	smax.u32 s13, $0x1;
	s14 =	sshrl.u32 s15, $0x3;
	s15 =	simm.s32 $0x2  }
.LBB2_1:
0xd: {  	p1 =	por $0x1, $0x1;
	s19 =	simm.s32 $0x0  }
.LBB2_2:
0xe: {  	[spmem:s14], [sflag:s11] =	dma.local [hbm:s7], $0x1400  }
0xf: {  	_ =	swait.ge [sflag:s15], $0x1400  }
0x10: {  	[sflag:s15] =	ssyncset.done $0x0  }
0x11: {  	s20 =	smul.u32 $0xA0000, s19;
	p0 =	por p1, p1;
	[sflag:s15] =	ssyncadd.s32 $0xFFFFEC00  }
0x12: {  	p2 =	por $0x1, $0x1;
	s22 =	simm.s32 $0x0;
	[bflag:$0x0] =	sbarrier.arrive $0xFFFF  }
.LBB2_3:
0x13: {  	s22 =	sadd.s32 s9, s22  }
0x14: {  	s22 =	sshll.u32 s22, $0x7  }
0x15: {  	s23 =	sadd.s32 s10, s22  }
0x16: {  	s23 =	sshrl.u32 s23, $0x3  }
0x17: {  	s23 =	sadd.s32 s5, s23  }
0x18: {  	[tilespmem:s21], [sflag:$0x2] =	stream.linear.gather [hbm4b:s23+s21], $0x5000, $0x38;
	[tilespmem:$0x1A000] =	vst v63  }
0x19: {  	s22 =	sadd.s32 s20, s22;
	_ =	swait.ge [sflag:s15], $0x5000  }
0x1a: {  	s22 =	sshrl.u32 s22, $0x3;
	[sflag:s15] =	ssyncset.done $0x0  }
0x1b: {  	s22 =	sadd.s32 s6, s22;
	[sflag:s15] =	ssyncadd.s32 $0xFFFFB000  }
0x1c: {  	[tilespmem:s16], [sflag:$0x2] =	stream.linear.gather [hbm4b:s22+s21], $0x5000, $0x38;
	[tilespmem:$0x1A000] =	vst v63  }
0x1d: {  	_ =	swait.ge [sflag:s15], $0x5000  }
0x1e: {  	p1 =	por p2, p2;
	s24 =	simm.s32 $0x0;
	[sflag:s15] =	ssyncset.done $0x0  }
0x1f: {  	s23 =	simm.s32 $0x0;
	s22 =	simm.s32 $0x4F00;
	[sflag:s15] =	ssyncadd.s32 $0xFFFFB000  }
.LBB2_4:
0x20: {  	p2 =	sgt.u32 s24, $0x9F  }
0x21: {  	s25 =	smul.u32 @!p2 $0xAB, s24;
	_ =	sdelay $0x1  }
0x22: {  	s25 =	sshrl.u32 @!p2 s25, $0x9  }
0x23: {  	s25 =	sand.u32 @!p2 $0x7F, s25  }
0x24: {  	s25 =	smul.u32 @!p2 $0x3, s25;
	_ =	sdelay $0x1  }
0x25: {  	s25 =	ssub.s32 @!p2 s24, s25  }
0x26: {  	s25 =	sand.u32 @!p2 $0xFF, s25  }
0x27: {  	s25 =	sshll.u32 @!p2 s25, $0xD  }
0x28: {  	s26 =	simm.s32 @!p2 $0x40;
	p3 =	slt.u32 @!p2 s24, $0x2;
	s25 =	sadd.s32 @!p2 $0xA000, s25  }
0x29: {  	[tilespmem:s25], [sflag:$0x1] =	stream.indirect.gather @!p2 [hbm4b:s4+s26], $0x80, s23, s26, $0xb8;
	[tilespmem:$0x1A000] =	vst v63  }
0x2a: {  	p2 =	por p2, !p3  }
0x2b: {  	s25 =	sadd.s32 @p2 $0xFFFFFFFE, s24  }
0x2c: {  	s26 =	sand.u32 @p2 $0xFF, s25  }
0x2d: {  	s26 =	smul.u32 @p2 $0xAB, s26;
	_ =	sdelay $0x1  }
0x2e: {  	s26 =	sshrl.u32 @p2 s26, $0x9  }
0x2f: {  	s26 =	smul.u32 @p2 $0x3, s26;
	_ =	sdelay $0x1  }
0x30: {  	s25 =	ssub.s32 @p2 s25, s26  }
0x31: {  	_ =	swait.ge @p2 [sflag:s17], $0x2000;
	s25 =	sand.u32 @p2 $0xFF, s25  }
0x32: {  	[sflag:s17] =	ssyncset.done @p2 $0x0;
	s25 =	sshll.u32 @p2 s25, $0xD  }
0x33: {  	[sflag:s17] =	ssyncadd.s32 @p2 $0xFFFFE000;
	s25 =	sadd.s32 @p2 $0xA000, s25  }
0x34: {  	[spmem:s1] =	stream.indirect.scatter.add.f32 @p2 [tilespmem:s25], [sflag:$0x2], $0x80, s22, s18, $0xb8;
	[tilespmem:$0x1A000] =	vst v63  }
0x35: {  	_ =	swait.ge @p2 [sflag:s15], $0x2000  }
0x36: {  	s24 =	sadd.s32 $0x1, s24;
	[sflag:s15] =	ssyncset.done @p2 $0x0  }
0x37: {  	[sflag:s15] =	ssyncadd.s32 @p2 $0xFFFFE000;
	p2 =	sne.s32 s24, $0xA2  }
.Ltmp0:
0x38: {  	_ = 	snop;
	(pc) =	sbr.rel @p2 .LBB2_4-.Ltmp0, $2  }
0x39: {  	_ =	sdelay $0x2  }
0x3a: {  	s23 =	sadd.s32 $0x80, s23;
	s22 =	sadd.s32 $0x80, s22  }
.Ltmp1:
0x3b: {  	(pc) =	sbr.rel @p1 .LBB2_3-.Ltmp1, $2  }
0x3c: {  	_ =	sdelay $0x2  }
0x3d: {  	s22 =	simm.s32 $0xA0;
	p2 =	por $0x0, $0x0  }
0x3e: {  	s19 =	smul.u32 $0x1380, s19;
	_ =	sdelay $0x1  }
0x3f: {  	s19 =	sadd.s32 s9, s19  }
0x40: {  	s19 =	sshll.u32 s19, $0x7  }
0x41: {  	s19 =	sadd.s32 s12, s19  }
0x42: {  	s19 =	sshrl.u32 s19, $0x3  }
.Ltmp2:
0x43: {  	[bflag:$0x0] =	sbarrier.arrive $0xFFFF;
	s19 =	sadd.s32 s8, s19;
	(pc) =	sbr.rel @p0 .LBB2_2-.Ltmp2, $4  }
0x44: {  	[hbm:s19], [sflag:s11] =	dma.local [spmem:s14], $0x1400  }
0x45: {  	_ =	swait.ge [sflag:s15], $0x1400  }
0x46: {  	[sflag:s15] =	ssyncset.done $0x0  }
0x47: {  	p1 =	por $0x0, $0x0;
	s19 =	simm.s32 $0x1;
	[sflag:s15] =	ssyncadd.s32 $0xFFFFEC00  }
0x48: {  	s2 =	sadd.s32 $0x1, s2  }
0x49: {  	p0 =	sne.s32 s2, s13  }
.Ltmp3:
0x4a: {  	_ = 	snop;
	(pc) =	sbr.rel @p0 .LBB2_1-.Ltmp3, $1  }
0x4b: {  	_ =	sdelay $0x3  }
0x4c: {  	_ =	sfence.sel $0x180000  }
0x4d: {  	[bflag:$0x0] =	sbarrier.arrive $0xFFFF  }
0x4e: {  	p0 =	sne.s32 s3, $0x0;
	_ =	strace $0x90000047  }
0x4f: {  	s0 =	sadd.s32 @!p0 $0x100000, s0;
	[bflag:$0x2] =	sbarrier.arrive $0xFFFF  }
0x50: {  	[sflag:s0] =	ssyncadd.tile.s32 @!p0 $0x1;
	_ =	shalt  }
.Lfunc_end2:
_tile_overlayer_lowered:
.L_overlay_start_2:
0x51: {  	(tag) =	ssettag $0x2  }
0x52: {  	s0 =	rddreg [dreg:$0x0];
	s2 =	stileid.u32  }
0x53: {  	s1 =	rddreg [dreg:$0x1];
	p0 =	sne.s32 s2, $0x0  }
0x54: {  	s3 =	rddreg [dreg:$0x2];
	[bflag:$0x3] =	sbarrier.arrive $0xFFFF;
	s2 =	simm.s32 @!p0 $0x1C02  }
0x55: {  	[timem:s3], [sflag:s2] =	dma.local @!p0 [hbm:s0], s1  }
0x56: {  	s0 =	simm.s32 @!p0 $0x2  }
0x57: {  	_ =	swait.ge @!p0 [sflag:s0], s1  }
0x58: {  	s1 =	ssub.s32 @!p0 $0x0, s1;
	[sflag:s0] =	ssyncset.done @!p0 $0x0  }
0x59: {  	[sflag:s0] =	ssyncadd.s32 @!p0 s1  }
0x5a: {  	[bflag:$0x3] =	sbarrier.arrive $0xFFFF  }
0x5b: {  	_ =	shalt  }

// kernel: kernel.18.cloned.1.call-start
scs
__scs_entry_jumppad:
0x0: {  	(pc) =	sbr.rel $0x88, $3  }
0x1: {  	(tag) =	ssettag $0x0;
	lr =	simm.s32 $0x1  }
0x2: {  	[smem:$0x3F64] =	sst lr;
	_ =	strace $0xD0000000  }
0x3: {  	_ = 	snop  }
0x4: {  	_ = 	snop  }
0x5: {  	_ = 	snop  }
0x6: {  	_ = 	snop  }
0x7: {  	_ = 	snop  }
__scs_overlays_trampoline_lowered:
0x8: {  	[smem:$0x3F73] =	sst s0  }
0x9: {  	[smem:$0x3F74] =	sst s1  }
0xa: {  	[smem:$0x3F75] =	sst s2  }
0xb: {  	[smem:$0x3F76] =	sst s3  }
0xc: {  	[smem:$0x3F77] =	sst s4  }
0xd: {  	[smem:$0x3F78] =	sst s5  }
0xe: {  	[smem:$0x3F79] =	sst s6  }
0xf: {  	[smem:$0x3F7A] =	sst s7  }
0x10: {  	[smem:$0x3F7B] =	sst s8  }
0x11: {  	[smem:$0x3F7C] =	sst s9;
	s0 =	simm.s32 @!p0 $0x0  }
0x12: {  	s1 =	sld [smem:$0x3F62];
	s0 =	simm.s32 @p0 $0x1  }
0x13: {  	[smem:$0x3F7D] =	sst s0;
	s0 =	simm.s32 @!p1 $0x0  }
0x14: {  	s2 =	sld [smem:$0x3F61];
	s0 =	simm.s32 @p1 $0x1  }
0x15: {  	[smem:$0x3F7E] =	sst s0;
	s0 =	simm.s32 @!p2 $0x0  }
0x16: {  	s3 =	sld [smem:$0x3FDB];
	s0 =	simm.s32 @p2 $0x1  }
0x17: {  	s4 =	simm.s32 $0x1BF5;
	[smem:$0x3F80] =	sst s0  }
0x18: {  	s0 =	sld [smem:$0x3F63];
	_ =	swait.ge [sflag:s4], $0x0  }
0x19: {  	s7 =	sld [smem:$0x3F64]  }
0x1a: {  	s8 =	sadd.s32 $0xFFFFE003, lr  }
0x1b: {  	s9 =	sadd.s32 $0xFFFFFEF7, lr;
	s5 =	simm.s32 $0xFFFFFFFF;
	p2 =	slt.u32 s8, $0xFFFFF086  }
0x1c: {  	p1 =	slt.u32 s9, $0xF7A;
	s5 =	simm.s32 @!p2 $0x0  }
0x1d: {  	s5 =	simm.s32 @p1 $0x1;
	p0 =	seq.s32 s7, s2  }
0x1e: {  	s7 =	smul.u32 @!p0 $0xF7A, s2;
	p2 =	seq.s32 @!p0 s5, $0x0  }
0x1f: {  	s9 =	smul.u32 $0xF7A, s1;
	s8 =	simm.s32 @!p0 $0x1BF5;
	p2 =	por !p2, p0  }
0x20: {  	[sflag:s8] =	ssyncset.s32 @!p0 $0xFFFFF086;
	s6 =	sadd.s32 @!p0 s3, s7;
	s7 =	simm.s32 @!p0 $0x108  }
0x21: {  	s3 =	sadd.s32 s3, s9;
	s6 =	sadd.s32 @!p0 $0x88, s6;
	s7 =	simm.s32 @p2 $0x1082  }
0x22: {  	[simem:s7], [sflag:s8] =	dma.local @!p0 [hbm:s6], $0xF7A  }
0x23: {  	s9 =	sor.u32 $0xD0000000, s2;
	s6 =	simm.s32 $0x108;
	_ =	swait.ge @!p0 [sflag:s8], $0x0  }
0x24: {  	s3 =	sadd.s32 $0x88, s3;
	s6 =	simm.s32 @!p1 $0x1082;
	[sflag:s4] =	ssyncset.s32 $0xFFFFF086  }
0x25: {  	[simem:s6], [sflag:s4] =	dma.local [hbm:s3], $0xF7A  }
0x26: {  	[smem:$0x3F64] =	sst s1;
	(tag) =	ssettag s2;
	_ =	strace s9  }
0x27: {  	s1 =	sld [smem:$0x3F74]  }
0x28: {  	s2 =	sld [smem:$0x3F75]  }
0x29: {  	s4 =	sld [smem:$0x3F77]  }
0x2a: {  	p0 =	seq.s32 s5, $0x0;
	s5 =	sld [smem:$0x3F78]  }
0x2b: {  	s6 =	sld [smem:$0x3F79]  }
0x2c: {  	s7 =	sld [smem:$0x3F7A]  }
0x2d: {  	s3 =	simm.s32 $0x108;
	s8 =	sld [smem:$0x3F7B]  }
0x2e: {  	s3 =	simm.s32 @!p0 $0x1082;
	s9 =	sld [smem:$0x3F7C]  }
0x2f: {  	lr =	sadd.s32 s0, s3;
	s0 =	sld [smem:$0x3F73]  }
0x30: {  	s3 =	sld [smem:$0x3F76]  }
0x31: {  	[smem:$0x3F7F] =	sst s10  }
0x32: {  	s10 =	sld [smem:$0x3F7D];
	_ =	sdelay $0x3  }
0x33: {  	p0 =	seq.s32 s10, $0x1;
	s10 =	sld [smem:$0x3F7F];
	_ =	sdelay $0x3  }
0x34: {  	[smem:$0x3F7F] =	sst s10  }
0x35: {  	s10 =	sld [smem:$0x3F7E];
	_ =	sdelay $0x3  }
0x36: {  	p1 =	seq.s32 s10, $0x1;
	s10 =	sld [smem:$0x3F7F];
	_ =	sdelay $0x3  }
0x37: {  	[smem:$0x3F7F] =	sst s10  }
0x38: {  	s10 =	sld [smem:$0x3F80]  }
0x39: {  	_ = 	snop;
	(pc) =	sbr.ind lr, $3  }
0x3a: {  	_ = 	snop  }
0x3b: {  	_ = 	snop  }
0x3c: {  	p2 =	seq.s32 s10, $0x1;
	s10 =	sld [smem:$0x3F7F]  }
0x3d: {  	_ =	shalt  }
0x3e: {  	_ =	shalt  }
0x3f: {  	_ =	shalt  }
0x40: {  	_ =	shalt  }
0x41: {  	_ =	shalt  }
0x42: {  	_ =	shalt  }
0x43: {  	_ =	shalt  }
0x44: {  	_ =	shalt  }
0x45: {  	_ =	shalt  }
0x46: {  	_ =	shalt  }
0x47: {  	_ =	shalt  }
0x48: {  	_ =	shalt  }
0x49: {  	_ =	shalt  }
0x4a: {  	_ =	shalt  }
0x4b: {  	_ =	shalt  }
0x4c: {  	_ =	shalt  }
0x4d: {  	_ =	shalt  }
0x4e: {  	_ =	shalt  }
0x4f: {  	_ =	shalt  }
0x50: {  	_ =	shalt  }
0x51: {  	_ =	shalt  }
0x52: {  	_ =	shalt  }
0x53: {  	_ =	shalt  }
0x54: {  	_ =	shalt  }
0x55: {  	_ =	shalt  }
0x56: {  	_ =	shalt  }
0x57: {  	_ =	shalt  }
0x58: {  	_ =	shalt  }
0x59: {  	_ =	shalt  }
0x5a: {  	_ =	shalt  }
0x5b: {  	_ =	shalt  }
0x5c: {  	_ =	shalt  }
0x5d: {  	_ =	shalt  }
0x5e: {  	_ =	shalt  }
0x5f: {  	_ =	shalt  }
0x60: {  	_ =	shalt  }
0x61: {  	_ =	shalt  }
0x62: {  	_ =	shalt  }
0x63: {  	_ =	shalt  }
0x64: {  	_ =	shalt  }
0x65: {  	_ =	shalt  }
0x66: {  	_ =	shalt  }
0x67: {  	_ =	shalt  }
0x68: {  	_ =	shalt  }
0x69: {  	_ =	shalt  }
0x6a: {  	_ =	shalt  }
0x6b: {  	_ =	shalt  }
0x6c: {  	_ =	shalt  }
0x6d: {  	_ =	shalt  }
0x6e: {  	_ =	shalt  }
0x6f: {  	_ =	shalt  }
0x70: {  	_ =	shalt  }
0x71: {  	_ =	shalt  }
0x72: {  	_ =	shalt  }
0x73: {  	_ =	shalt  }
0x74: {  	_ =	shalt  }
0x75: {  	_ =	shalt  }
0x76: {  	_ =	shalt  }
0x77: {  	_ =	shalt  }
0x78: {  	_ =	shalt  }
0x79: {  	_ =	shalt  }
0x7a: {  	_ =	shalt  }
0x7b: {  	_ =	shalt  }
0x7c: {  	_ =	shalt  }
0x7d: {  	_ =	shalt  }
0x7e: {  	_ =	shalt  }
0x7f: {  	_ =	shalt  }
0x80: {  	_ =	shalt  }
0x81: {  	_ =	shalt  }
0x82: {  	_ =	shalt  }
0x83: {  	_ =	shalt  }
0x84: {  	_ =	shalt  }
0x85: {  	_ =	shalt  }
0x86: {  	_ =	shalt  }
0x87: {  	_ =	shalt  }
.Lfunc_end0:
.L_simem_size_0:
called_computation.1_lowered:
.L_overlay_start_0:
0x88: {  	s2 =	sld [smem:$0x3FD9]  }
0x89: {  	s3 =	sld [smem:$0x3FFE];
	_ =	sdelay $0x1  }
0x8a: {  	s1 =	srdreg.scid  }
0x8b: {  	s0 =	sand.u32 $0x1, s1  }
0x8c: {  	s16 =	sshll.u32 s0, $0xA;
	s2 =	sadd.s32 s3, s2  }
0x8d: {  	s2 =	sadd.s32 s2, s16  }
0x8e: {  	[smem:$0x3F8B] =	sst s2  }
0x8f: {  	_ = 	snop  }
0x90: {  	(tm) =	ssettm $0x1  }
0x91: {  	s17 =	sld [smem:$0x3FFB];
	_ =	sdelay $0x3  }
0x92: {  	_ =	strace s17  }
0x93: {  	s2 =	sld [smem:$0x3FFC];
	_ =	sdelay $0x3  }
0x94: {  	_ =	strace s2  }
0x95: {  	s2 =	sld [smem:$0x3FFD];
	_ =	sdelay $0x3  }
0x96: {  	_ =	strace s2  }
0x97: {  	_ =	strace $0x8FFFFFFF  }
0x98: {  	s18 =	sld [smem:$0x3FDB];
	_ =	sdelay $0x1  }
0x99: {  	s19 =	simm.s32 $_scs_section_size  }
0x9a: {  	s4 =	simm.s32 $_size__tile_overlayer_lowered;
	s5 =	simm.s32 $_tile_overlayer_lowered  }
0x9b: {  	s22 =	simm.s32 $0x1BFF;
	s21 =	sshll.u32 s5, $0x1;
	s2 =	sadd.s32 s19, s18  }
0x9c: {  	s6 =	simm.s32 $0x0;
	s20 =	sshll.u32 s4, $0x1;
	s4 =	sadd.s32 s21, s2  }
0x9d: {  	[timem:s6], [sflag:s22] =	dma.local [hbm:s4], s20  }
0x9e: {  	_ =	swait.ge [sflag:s22], s20  }
0x9f: {  	s3 =	ssub.s32 $0x0, s20;
	[sflag:s22] =	ssyncset.done $0x0  }
0xa0: {  	[sflag:s22] =	ssyncadd.s32 s3;
	_ =	sdelay $0x1  }
0xa1: {  	s23 =	simm.s32 $0x1B8B  }
0xa2: {  	_ =	swait.ge [sflag:s23], $0x1  }
0xa3: {  	[sflag:s23] =	ssyncset.done $0x0  }
0xa4: {  	s25 =	simm.s32 $0x1B8E;
	s24 =	sld [smem:$0x3FFE];
	[sflag:s23] =	ssyncadd.s32 $0xFFFFFFFF  }
0xa5: {  	s26 =	simm.s32 $execute0_lowered;
	[smem:$0x3FD2] =	sst s25  }
0xa6: {  	s4 =	sshll.u32 s26, $0x1;
	_ =	strace $0x80000049;
	[dreg:$0x1] =	wrdreg $0xFFFFFFFF  }
0xa7: {  	s28 =	simm.s32 $_size_execute0_lowered;
	s2 =	sadd.s32 s2, s4;
	[dreg:$0x0] =	wrdreg $0x0  }
0xa8: {  	s4 =	sshll.u32 s28, $0x1;
	[dreg:$0x2] =	wrdreg s2  }
0xa9: {  	[dreg:$0x3] =	wrdreg s4  }
0xaa: {  	[dreg:$0x4] =	wrdreg $0xC0  }
0xab: {  	_ =	task [dreg:s6], $0x5FFFF  }
0xac: {  	[dreg:$0x1] =	wrdreg $0xFFFFFFFF  }
0xad: {  	[dreg:$0x0] =	wrdreg $0x60  }
0xae: {  	[dreg:$0x2] =	wrdreg s24  }
0xaf: {  	[dreg:$0x3] =	wrdreg $0x100000  }
0xb0: {  	[dreg:$0x4] =	wrdreg $0x9  }
0xb1: {  	_ =	task.clear_ibuf [dreg:s6], $0x5FFFF;
	_ =	strace $0x90000049  }
0xb2: {  	s29 =	simm.s32 $0x9;
	_ =	strace $0x8000004B  }
0xb3: {  	_ =	swait.ge [sflag:s29], $0x1  }
0xb4: {  	[sflag:s29] =	ssyncadd.s32 $0xFFFFFFFF  }
0xb5: {  	_ =	strace $0x9000004B  }
0xb6: {  	_ =	sfence  }
0xb7: {  	s30 =	sld [smem:$0x0];
	_ =	sdelay $0x2  }
0xb8: {  	s31 =	sshll.u32 s1, $0xD;
	s1 =	sshrl.u32 s1, $0x2  }
0xb9: {  	s3 =	sand.u32 $0x4000, s31;
	s1 =	sadd.s32 s1, s30  }
0xba: {  	s0 =	sor.u32 s3, s0;
	s1 =	sshll.u32 s1, $0x11  }
0xbb: {  	s0 =	sor.u32 s1, s0  }
0xbc: {  	s0 =	sadd.s32 $0x8F2B, s0  }
0xbd: {  	[sflag:s0] =	ssyncadd.remote.s32 $0x1  }
0xbe: {  	_ =	sfence.sel $0xFFFF  }
0xbf: {  	[dreg:$0x0] =	wrdreg $0xFFFFFFFF;
	(pc) =	sbr.abs _section_cstart, $3  }
0xc0: {  	[dreg:$0x1] =	wrdreg $0xFFFFFFFF  }
0xc1: {  	_ =	task.clear_ibuf [dreg:s6], $0x2FFFF;
	_ =	strace $0x9FFFFFFF  }
0xc2: {  	(tm) =	ssettm $0x7FFFFFFF  }
0xc3: {  	_ =	shalt  }
tec
execute0_lowered:
.L_overlay_start_1:
0x0: {  	(tag) =	ssettag $0x1  }
0x1: {  	s8 =	rddreg [dreg:$0x0]  }
0x2: {  	s1 =	rddreg [dreg:$0x1]  }
0x3: {  	s0 =	rddreg [dreg:$0x2];
	s2 =	simm.s32 $0x0;
	s3 =	srdreg.scid  }
0x4: {  	s16 =	simm.s32 $0x5000;
	s17 =	simm.s32 $0x1;
	s18 =	simm.s32 $0x40  }
0x5: {  	s21 =	simm.s32 $0x0;
	[smem:$0x7FF] =	sst s2;
	s4 =	sadd.s32 $0xA9000, s8  }
0x6: {  	s5 =	sadd.s32 $0xAC00, s8;
	s12 =	sand.u32 $0x1, s3;
	s6 =	sadd.s32 $0x32C00, s8  }
0x7: {  	s3 =	stileid.u32;
	s7 =	sadd.s32 $0xF7200, s8;
	s9 =	ssub.s32 $0x2, s12  }
0x8: {  	s8 =	sadd.s32 $0xF8600, s8;
	s11 =	smul.u32 $0x28000, s3;
	s10 =	sshrl.u32 s9, $0x1  }
0x9: {  	_ =	strace $0x8000004A;
	s13 =	ssub.s32 s9, s10;
	s9 =	smul.u32 $0x140, s3  }
0xa: {  	s14 =	sshll.u32 s3, $0x6;
	s11 =	sshrl.u32 s11, $0x2;
	s10 =	smul.u32 $0xA0000, s12  }
0xb: {  	s12 =	smul.u32 $0x13C000, s12;
	s15 =	sadd.s32 s11, s1;
	s11 =	sor.u32 $0x1C02, s14  }
0xc: {  	s13 =	smax.u32 s13, $0x1;
	s14 =	sshrl.u32 s15, $0x3;
	s15 =	simm.s32 $0x2  }
.LBB2_1:
0xd: {  	p1 =	por $0x1, $0x1;
	s19 =	simm.s32 $0x0  }
.LBB2_2:
0xe: {  	[spmem:s14], [sflag:s11] =	dma.local [hbm:s7], $0x1400  }
0xf: {  	_ =	swait.ge [sflag:s15], $0x1400  }
0x10: {  	[sflag:s15] =	ssyncset.done $0x0  }
0x11: {  	s20 =	smul.u32 $0xA0000, s19;
	p0 =	por p1, p1;
	[sflag:s15] =	ssyncadd.s32 $0xFFFFEC00  }
0x12: {  	p2 =	por $0x1, $0x1;
	s22 =	simm.s32 $0x0;
	[bflag:$0x0] =	sbarrier.arrive $0xFFFF  }
.LBB2_3:
0x13: {  	s22 =	sadd.s32 s9, s22  }
0x14: {  	s22 =	sshll.u32 s22, $0x7  }
0x15: {  	s23 =	sadd.s32 s10, s22  }
0x16: {  	s23 =	sshrl.u32 s23, $0x3  }
0x17: {  	s23 =	sadd.s32 s5, s23  }
0x18: {  	[tilespmem:s21], [sflag:$0x2] =	stream.linear.gather [hbm4b:s23+s21], $0x5000, $0x38;
	[tilespmem:$0x1A000] =	vst v63  }
0x19: {  	s22 =	sadd.s32 s20, s22;
	_ =	swait.ge [sflag:s15], $0x5000  }
0x1a: {  	s22 =	sshrl.u32 s22, $0x3;
	[sflag:s15] =	ssyncset.done $0x0  }
0x1b: {  	s22 =	sadd.s32 s6, s22;
	[sflag:s15] =	ssyncadd.s32 $0xFFFFB000  }
0x1c: {  	[tilespmem:s16], [sflag:$0x2] =	stream.linear.gather [hbm4b:s22+s21], $0x5000, $0x38;
	[tilespmem:$0x1A000] =	vst v63  }
0x1d: {  	_ =	swait.ge [sflag:s15], $0x5000  }
0x1e: {  	p1 =	por p2, p2;
	s24 =	simm.s32 $0x0;
	[sflag:s15] =	ssyncset.done $0x0  }
0x1f: {  	s23 =	simm.s32 $0x0;
	s22 =	simm.s32 $0x4F00;
	[sflag:s15] =	ssyncadd.s32 $0xFFFFB000  }
.LBB2_4:
0x20: {  	p2 =	sgt.u32 s24, $0x9F  }
0x21: {  	s25 =	smul.u32 @!p2 $0xAB, s24;
	_ =	sdelay $0x1  }
0x22: {  	s25 =	sshrl.u32 @!p2 s25, $0x9  }
0x23: {  	s25 =	sand.u32 @!p2 $0x7F, s25  }
0x24: {  	s25 =	smul.u32 @!p2 $0x3, s25;
	_ =	sdelay $0x1  }
0x25: {  	s25 =	ssub.s32 @!p2 s24, s25  }
0x26: {  	s25 =	sand.u32 @!p2 $0xFF, s25  }
0x27: {  	s25 =	sshll.u32 @!p2 s25, $0xD  }
0x28: {  	s26 =	simm.s32 @!p2 $0x40;
	p3 =	slt.u32 @!p2 s24, $0x2;
	s25 =	sadd.s32 @!p2 $0xA000, s25  }
0x29: {  	[tilespmem:s25], [sflag:$0x1] =	stream.indirect.gather @!p2 [hbm4b:s4+s26], $0x80, s23, s26, $0xb8;
	[tilespmem:$0x1A000] =	vst v63  }
0x2a: {  	p2 =	por p2, !p3  }
0x2b: {  	s25 =	sadd.s32 @p2 $0xFFFFFFFE, s24  }
0x2c: {  	s26 =	sand.u32 @p2 $0xFF, s25  }
0x2d: {  	s26 =	smul.u32 @p2 $0xAB, s26;
	_ =	sdelay $0x1  }
0x2e: {  	s26 =	sshrl.u32 @p2 s26, $0x9  }
0x2f: {  	s26 =	smul.u32 @p2 $0x3, s26;
	_ =	sdelay $0x1  }
0x30: {  	s25 =	ssub.s32 @p2 s25, s26  }
0x31: {  	_ =	swait.ge @p2 [sflag:s17], $0x2000;
	s25 =	sand.u32 @p2 $0xFF, s25  }
0x32: {  	[sflag:s17] =	ssyncset.done @p2 $0x0;
	s25 =	sshll.u32 @p2 s25, $0xD  }
0x33: {  	[sflag:s17] =	ssyncadd.s32 @p2 $0xFFFFE000;
	s25 =	sadd.s32 @p2 $0xA000, s25  }
0x34: {  	[spmem:s1] =	stream.indirect.scatter.add.f32 @p2 [tilespmem:s25], [sflag:$0x2], $0x80, s22, s18, $0xb8;
	[tilespmem:$0x1A000] =	vst v63  }
0x35: {  	_ =	swait.ge @p2 [sflag:s15], $0x2000  }
0x36: {  	s24 =	sadd.s32 $0x1, s24;
	[sflag:s15] =	ssyncset.done @p2 $0x0  }
0x37: {  	[sflag:s15] =	ssyncadd.s32 @p2 $0xFFFFE000;
	p2 =	sne.s32 s24, $0xA2  }
.Ltmp0:
0x38: {  	_ = 	snop;
	(pc) =	sbr.rel @p2 .LBB2_4-.Ltmp0, $2  }
0x39: {  	_ =	sdelay $0x2  }
0x3a: {  	s23 =	sadd.s32 $0x80, s23;
	s22 =	sadd.s32 $0x80, s22  }
.Ltmp1:
0x3b: {  	(pc) =	sbr.rel @p1 .LBB2_3-.Ltmp1, $2  }
0x3c: {  	_ =	sdelay $0x2  }
0x3d: {  	s22 =	simm.s32 $0xA0;
	p2 =	por $0x0, $0x0  }
0x3e: {  	s19 =	smul.u32 $0x1380, s19;
	_ =	sdelay $0x1  }
0x3f: {  	s19 =	sadd.s32 s9, s19  }
0x40: {  	s19 =	sshll.u32 s19, $0x7  }
0x41: {  	s19 =	sadd.s32 s12, s19  }
0x42: {  	s19 =	sshrl.u32 s19, $0x3  }
.Ltmp2:
0x43: {  	[bflag:$0x0] =	sbarrier.arrive $0xFFFF;
	s19 =	sadd.s32 s8, s19;
	(pc) =	sbr.rel @p0 .LBB2_2-.Ltmp2, $4  }
0x44: {  	[hbm:s19], [sflag:s11] =	dma.local [spmem:s14], $0x1400  }
0x45: {  	_ =	swait.ge [sflag:s15], $0x1400  }
0x46: {  	[sflag:s15] =	ssyncset.done $0x0  }
0x47: {  	p1 =	por $0x0, $0x0;
	s19 =	simm.s32 $0x1;
	[sflag:s15] =	ssyncadd.s32 $0xFFFFEC00  }
0x48: {  	s2 =	sadd.s32 $0x1, s2  }
0x49: {  	p0 =	sne.s32 s2, s13  }
.Ltmp3:
0x4a: {  	_ = 	snop;
	(pc) =	sbr.rel @p0 .LBB2_1-.Ltmp3, $1  }
0x4b: {  	_ =	sdelay $0x3  }
0x4c: {  	_ =	sfence.sel $0x180000  }
0x4d: {  	[bflag:$0x0] =	sbarrier.arrive $0xFFFF  }
0x4e: {  	p0 =	sne.s32 s3, $0x0;
	_ =	strace $0x9000004A  }
0x4f: {  	s0 =	sadd.s32 @!p0 $0x100000, s0;
	[bflag:$0x2] =	sbarrier.arrive $0xFFFF  }
0x50: {  	[sflag:s0] =	ssyncadd.tile.s32 @!p0 $0x1;
	_ =	shalt  }
.Lfunc_end2:
_tile_overlayer_lowered:
.L_overlay_start_2:
0x51: {  	(tag) =	ssettag $0x2  }
0x52: {  	s0 =	rddreg [dreg:$0x0];
	s2 =	stileid.u32  }
0x53: {  	s1 =	rddreg [dreg:$0x1];
	p0 =	sne.s32 s2, $0x0  }
0x54: {  	s3 =	rddreg [dreg:$0x2];
	[bflag:$0x3] =	sbarrier.arrive $0xFFFF;
	s2 =	simm.s32 @!p0 $0x1C02  }
0x55: {  	[timem:s3], [sflag:s2] =	dma.local @!p0 [hbm:s0], s1  }
0x56: {  	s0 =	simm.s32 @!p0 $0x2  }
0x57: {  	_ =	swait.ge @!p0 [sflag:s0], s1  }
0x58: {  	s1 =	ssub.s32 @!p0 $0x0, s1;
	[sflag:s0] =	ssyncset.done @!p0 $0x0  }
0x59: {  	[sflag:s0] =	ssyncadd.s32 @!p0 s1  }
0x5a: {  	[bflag:$0x3] =	sbarrier.arrive $0xFFFF  }
0x5b: {  	_ =	shalt  }

// kernel: kernel.21.cloned.1.call-start
scs
__scs_entry_jumppad:
0x0: {  	(pc) =	sbr.rel $0x88, $3  }
0x1: {  	(tag) =	ssettag $0x0;
	lr =	simm.s32 $0x1  }
0x2: {  	[smem:$0x3F64] =	sst lr;
	_ =	strace $0xD0000000  }
0x3: {  	_ = 	snop  }
0x4: {  	_ = 	snop  }
0x5: {  	_ = 	snop  }
0x6: {  	_ = 	snop  }
0x7: {  	_ = 	snop  }
__scs_overlays_trampoline_lowered:
0x8: {  	[smem:$0x3F73] =	sst s0  }
0x9: {  	[smem:$0x3F74] =	sst s1  }
0xa: {  	[smem:$0x3F75] =	sst s2  }
0xb: {  	[smem:$0x3F76] =	sst s3  }
0xc: {  	[smem:$0x3F77] =	sst s4  }
0xd: {  	[smem:$0x3F78] =	sst s5  }
0xe: {  	[smem:$0x3F79] =	sst s6  }
0xf: {  	[smem:$0x3F7A] =	sst s7  }
0x10: {  	[smem:$0x3F7B] =	sst s8  }
0x11: {  	[smem:$0x3F7C] =	sst s9;
	s0 =	simm.s32 @!p0 $0x0  }
0x12: {  	s1 =	sld [smem:$0x3F62];
	s0 =	simm.s32 @p0 $0x1  }
0x13: {  	[smem:$0x3F7D] =	sst s0;
	s0 =	simm.s32 @!p1 $0x0  }
0x14: {  	s2 =	sld [smem:$0x3F61];
	s0 =	simm.s32 @p1 $0x1  }
0x15: {  	[smem:$0x3F7E] =	sst s0;
	s0 =	simm.s32 @!p2 $0x0  }
0x16: {  	s3 =	sld [smem:$0x3FDB];
	s0 =	simm.s32 @p2 $0x1  }
0x17: {  	s4 =	simm.s32 $0x1BF5;
	[smem:$0x3F80] =	sst s0  }
0x18: {  	s0 =	sld [smem:$0x3F63];
	_ =	swait.ge [sflag:s4], $0x0  }
0x19: {  	s7 =	sld [smem:$0x3F64]  }
0x1a: {  	s8 =	sadd.s32 $0xFFFFE003, lr  }
0x1b: {  	s9 =	sadd.s32 $0xFFFFFEF7, lr;
	s5 =	simm.s32 $0xFFFFFFFF;
	p2 =	slt.u32 s8, $0xFFFFF086  }
0x1c: {  	p1 =	slt.u32 s9, $0xF7A;
	s5 =	simm.s32 @!p2 $0x0  }
0x1d: {  	s5 =	simm.s32 @p1 $0x1;
	p0 =	seq.s32 s7, s2  }
0x1e: {  	s7 =	smul.u32 @!p0 $0xF7A, s2;
	p2 =	seq.s32 @!p0 s5, $0x0  }
0x1f: {  	s9 =	smul.u32 $0xF7A, s1;
	s8 =	simm.s32 @!p0 $0x1BF5;
	p2 =	por !p2, p0  }
0x20: {  	[sflag:s8] =	ssyncset.s32 @!p0 $0xFFFFF086;
	s6 =	sadd.s32 @!p0 s3, s7;
	s7 =	simm.s32 @!p0 $0x108  }
0x21: {  	s3 =	sadd.s32 s3, s9;
	s6 =	sadd.s32 @!p0 $0x88, s6;
	s7 =	simm.s32 @p2 $0x1082  }
0x22: {  	[simem:s7], [sflag:s8] =	dma.local @!p0 [hbm:s6], $0xF7A  }
0x23: {  	s9 =	sor.u32 $0xD0000000, s2;
	s6 =	simm.s32 $0x108;
	_ =	swait.ge @!p0 [sflag:s8], $0x0  }
0x24: {  	s3 =	sadd.s32 $0x88, s3;
	s6 =	simm.s32 @!p1 $0x1082;
	[sflag:s4] =	ssyncset.s32 $0xFFFFF086  }
0x25: {  	[simem:s6], [sflag:s4] =	dma.local [hbm:s3], $0xF7A  }
0x26: {  	[smem:$0x3F64] =	sst s1;
	(tag) =	ssettag s2;
	_ =	strace s9  }
0x27: {  	s1 =	sld [smem:$0x3F74]  }
0x28: {  	s2 =	sld [smem:$0x3F75]  }
0x29: {  	s4 =	sld [smem:$0x3F77]  }
0x2a: {  	p0 =	seq.s32 s5, $0x0;
	s5 =	sld [smem:$0x3F78]  }
0x2b: {  	s6 =	sld [smem:$0x3F79]  }
0x2c: {  	s7 =	sld [smem:$0x3F7A]  }
0x2d: {  	s3 =	simm.s32 $0x108;
	s8 =	sld [smem:$0x3F7B]  }
0x2e: {  	s3 =	simm.s32 @!p0 $0x1082;
	s9 =	sld [smem:$0x3F7C]  }
0x2f: {  	lr =	sadd.s32 s0, s3;
	s0 =	sld [smem:$0x3F73]  }
0x30: {  	s3 =	sld [smem:$0x3F76]  }
0x31: {  	[smem:$0x3F7F] =	sst s10  }
0x32: {  	s10 =	sld [smem:$0x3F7D];
	_ =	sdelay $0x3  }
0x33: {  	p0 =	seq.s32 s10, $0x1;
	s10 =	sld [smem:$0x3F7F];
	_ =	sdelay $0x3  }
0x34: {  	[smem:$0x3F7F] =	sst s10  }
0x35: {  	s10 =	sld [smem:$0x3F7E];
	_ =	sdelay $0x3  }
0x36: {  	p1 =	seq.s32 s10, $0x1;
	s10 =	sld [smem:$0x3F7F];
	_ =	sdelay $0x3  }
0x37: {  	[smem:$0x3F7F] =	sst s10  }
0x38: {  	s10 =	sld [smem:$0x3F80]  }
0x39: {  	_ = 	snop;
	(pc) =	sbr.ind lr, $3  }
0x3a: {  	_ = 	snop  }
0x3b: {  	_ = 	snop  }
0x3c: {  	p2 =	seq.s32 s10, $0x1;
	s10 =	sld [smem:$0x3F7F]  }
0x3d: {  	_ =	shalt  }
0x3e: {  	_ =	shalt  }
0x3f: {  	_ =	shalt  }
0x40: {  	_ =	shalt  }
0x41: {  	_ =	shalt  }
0x42: {  	_ =	shalt  }
0x43: {  	_ =	shalt  }
0x44: {  	_ =	shalt  }
0x45: {  	_ =	shalt  }
0x46: {  	_ =	shalt  }
0x47: {  	_ =	shalt  }
0x48: {  	_ =	shalt  }
0x49: {  	_ =	shalt  }
0x4a: {  	_ =	shalt  }
0x4b: {  	_ =	shalt  }
0x4c: {  	_ =	shalt  }
0x4d: {  	_ =	shalt  }
0x4e: {  	_ =	shalt  }
0x4f: {  	_ =	shalt  }
0x50: {  	_ =	shalt  }
0x51: {  	_ =	shalt  }
0x52: {  	_ =	shalt  }
0x53: {  	_ =	shalt  }
0x54: {  	_ =	shalt  }
0x55: {  	_ =	shalt  }
0x56: {  	_ =	shalt  }
0x57: {  	_ =	shalt  }
0x58: {  	_ =	shalt  }
0x59: {  	_ =	shalt  }
0x5a: {  	_ =	shalt  }
0x5b: {  	_ =	shalt  }
0x5c: {  	_ =	shalt  }
0x5d: {  	_ =	shalt  }
0x5e: {  	_ =	shalt  }
0x5f: {  	_ =	shalt  }
0x60: {  	_ =	shalt  }
0x61: {  	_ =	shalt  }
0x62: {  	_ =	shalt  }
0x63: {  	_ =	shalt  }
0x64: {  	_ =	shalt  }
0x65: {  	_ =	shalt  }
0x66: {  	_ =	shalt  }
0x67: {  	_ =	shalt  }
0x68: {  	_ =	shalt  }
0x69: {  	_ =	shalt  }
0x6a: {  	_ =	shalt  }
0x6b: {  	_ =	shalt  }
0x6c: {  	_ =	shalt  }
0x6d: {  	_ =	shalt  }
0x6e: {  	_ =	shalt  }
0x6f: {  	_ =	shalt  }
0x70: {  	_ =	shalt  }
0x71: {  	_ =	shalt  }
0x72: {  	_ =	shalt  }
0x73: {  	_ =	shalt  }
0x74: {  	_ =	shalt  }
0x75: {  	_ =	shalt  }
0x76: {  	_ =	shalt  }
0x77: {  	_ =	shalt  }
0x78: {  	_ =	shalt  }
0x79: {  	_ =	shalt  }
0x7a: {  	_ =	shalt  }
0x7b: {  	_ =	shalt  }
0x7c: {  	_ =	shalt  }
0x7d: {  	_ =	shalt  }
0x7e: {  	_ =	shalt  }
0x7f: {  	_ =	shalt  }
0x80: {  	_ =	shalt  }
0x81: {  	_ =	shalt  }
0x82: {  	_ =	shalt  }
0x83: {  	_ =	shalt  }
0x84: {  	_ =	shalt  }
0x85: {  	_ =	shalt  }
0x86: {  	_ =	shalt  }
0x87: {  	_ =	shalt  }
.Lfunc_end0:
.L_simem_size_0:
called_computation.2_lowered:
.L_overlay_start_0:
0x88: {  	s2 =	sld [smem:$0x3FD9]  }
0x89: {  	s3 =	sld [smem:$0x3FFE];
	_ =	sdelay $0x1  }
0x8a: {  	s1 =	srdreg.scid  }
0x8b: {  	s0 =	sand.u32 $0x1, s1  }
0x8c: {  	s16 =	sshll.u32 s0, $0xA;
	s2 =	sadd.s32 s3, s2  }
0x8d: {  	s2 =	sadd.s32 s2, s16  }
0x8e: {  	[smem:$0x3F8B] =	sst s2  }
0x8f: {  	_ = 	snop  }
0x90: {  	(tm) =	ssettm $0x1  }
0x91: {  	s17 =	sld [smem:$0x3FFB];
	_ =	sdelay $0x3  }
0x92: {  	_ =	strace s17  }
0x93: {  	s2 =	sld [smem:$0x3FFC];
	_ =	sdelay $0x3  }
0x94: {  	_ =	strace s2  }
0x95: {  	s2 =	sld [smem:$0x3FFD];
	_ =	sdelay $0x3  }
0x96: {  	_ =	strace s2  }
0x97: {  	_ =	strace $0x8FFFFFFF  }
0x98: {  	s18 =	sld [smem:$0x3FDB];
	_ =	sdelay $0x1  }
0x99: {  	s19 =	simm.s32 $_scs_section_size  }
0x9a: {  	s4 =	simm.s32 $_size__tile_overlayer_lowered;
	s5 =	simm.s32 $_tile_overlayer_lowered  }
0x9b: {  	s22 =	simm.s32 $0x1BFF;
	s21 =	sshll.u32 s5, $0x1;
	s2 =	sadd.s32 s19, s18  }
0x9c: {  	s6 =	simm.s32 $0x0;
	s20 =	sshll.u32 s4, $0x1;
	s4 =	sadd.s32 s21, s2  }
0x9d: {  	[timem:s6], [sflag:s22] =	dma.local [hbm:s4], s20  }
0x9e: {  	_ =	swait.ge [sflag:s22], s20  }
0x9f: {  	s3 =	ssub.s32 $0x0, s20;
	[sflag:s22] =	ssyncset.done $0x0  }
0xa0: {  	[sflag:s22] =	ssyncadd.s32 s3;
	_ =	sdelay $0x1  }
0xa1: {  	s23 =	simm.s32 $0x1B8B  }
0xa2: {  	_ =	swait.ge [sflag:s23], $0x1  }
0xa3: {  	[sflag:s23] =	ssyncset.done $0x0  }
0xa4: {  	s25 =	simm.s32 $0x1B8E;
	s24 =	sld [smem:$0x3FFE];
	[sflag:s23] =	ssyncadd.s32 $0xFFFFFFFF  }
0xa5: {  	s26 =	simm.s32 $execute0_lowered;
	[smem:$0x3FD2] =	sst s25  }
0xa6: {  	s4 =	sshll.u32 s26, $0x1;
	_ =	strace $0x8000004C;
	[dreg:$0x1] =	wrdreg $0xFFFFFFFF  }
0xa7: {  	s28 =	simm.s32 $_size_execute0_lowered;
	s2 =	sadd.s32 s2, s4;
	[dreg:$0x0] =	wrdreg $0x0  }
0xa8: {  	s4 =	sshll.u32 s28, $0x1;
	[dreg:$0x2] =	wrdreg s2  }
0xa9: {  	[dreg:$0x3] =	wrdreg s4  }
0xaa: {  	[dreg:$0x4] =	wrdreg $0xC0  }
0xab: {  	_ =	task [dreg:s6], $0x5FFFF  }
0xac: {  	[dreg:$0x1] =	wrdreg $0xFFFFFFFF  }
0xad: {  	[dreg:$0x0] =	wrdreg $0x60  }
0xae: {  	[dreg:$0x2] =	wrdreg s24  }
0xaf: {  	[dreg:$0x3] =	wrdreg $0x100000  }
0xb0: {  	[dreg:$0x4] =	wrdreg $0x9  }
0xb1: {  	_ =	task.clear_ibuf [dreg:s6], $0x5FFFF;
	_ =	strace $0x9000004C  }
0xb2: {  	s29 =	simm.s32 $0x9;
	_ =	strace $0x8000004E  }
0xb3: {  	_ =	swait.ge [sflag:s29], $0x1  }
0xb4: {  	[sflag:s29] =	ssyncadd.s32 $0xFFFFFFFF  }
0xb5: {  	_ =	strace $0x9000004E  }
0xb6: {  	_ =	sfence  }
0xb7: {  	s30 =	sld [smem:$0x0];
	_ =	sdelay $0x2  }
0xb8: {  	s31 =	sshll.u32 s1, $0xD;
	s1 =	sshrl.u32 s1, $0x2  }
0xb9: {  	s3 =	sand.u32 $0x4000, s31;
	s1 =	sadd.s32 s1, s30  }
0xba: {  	s0 =	sor.u32 s3, s0;
	s1 =	sshll.u32 s1, $0x11  }
0xbb: {  	s0 =	sor.u32 s1, s0  }
0xbc: {  	s0 =	sadd.s32 $0x8F2B, s0  }
0xbd: {  	[sflag:s0] =	ssyncadd.remote.s32 $0x1  }
0xbe: {  	_ =	sfence.sel $0xFFFF  }
0xbf: {  	[dreg:$0x0] =	wrdreg $0xFFFFFFFF;
	(pc) =	sbr.abs _section_cstart, $3  }
0xc0: {  	[dreg:$0x1] =	wrdreg $0xFFFFFFFF  }
0xc1: {  	_ =	task.clear_ibuf [dreg:s6], $0x2FFFF;
	_ =	strace $0x9FFFFFFF  }
0xc2: {  	(tm) =	ssettm $0x7FFFFFFF  }
0xc3: {  	_ =	shalt  }
tec
execute0_lowered:
.L_overlay_start_1:
0x0: {  	(tag) =	ssettag $0x1  }
0x1: {  	s8 =	rddreg [dreg:$0x0]  }
0x2: {  	s1 =	rddreg [dreg:$0x1]  }
0x3: {  	s0 =	rddreg [dreg:$0x2];
	s2 =	simm.s32 $0x0;
	s3 =	srdreg.scid  }
0x4: {  	s16 =	simm.s32 $0x5000;
	s17 =	simm.s32 $0x1;
	s18 =	simm.s32 $0x40  }
0x5: {  	s21 =	simm.s32 $0x0;
	[smem:$0x7FF] =	sst s2;
	s4 =	sadd.s32 $0xA9000, s8  }
0x6: {  	s5 =	sadd.s32 $0xAC00, s8;
	s12 =	sand.u32 $0x1, s3;
	s6 =	sadd.s32 $0x32C00, s8  }
0x7: {  	s3 =	stileid.u32;
	s7 =	sadd.s32 $0xF7200, s8;
	s9 =	ssub.s32 $0x2, s12  }
0x8: {  	s8 =	sadd.s32 $0xF8600, s8;
	s11 =	smul.u32 $0x28000, s3;
	s10 =	sshrl.u32 s9, $0x1  }
0x9: {  	_ =	strace $0x8000004D;
	s13 =	ssub.s32 s9, s10;
	s9 =	smul.u32 $0x140, s3  }
0xa: {  	s14 =	sshll.u32 s3, $0x6;
	s11 =	sshrl.u32 s11, $0x2;
	s10 =	smul.u32 $0xA0000, s12  }
0xb: {  	s12 =	smul.u32 $0x13C000, s12;
	s15 =	sadd.s32 s11, s1;
	s11 =	sor.u32 $0x1C02, s14  }
0xc: {  	s13 =	smax.u32 s13, $0x1;
	s14 =	sshrl.u32 s15, $0x3;
	s15 =	simm.s32 $0x2  }
.LBB2_1:
0xd: {  	p1 =	por $0x1, $0x1;
	s19 =	simm.s32 $0x0  }
.LBB2_2:
0xe: {  	[spmem:s14], [sflag:s11] =	dma.local [hbm:s7], $0x1400  }
0xf: {  	_ =	swait.ge [sflag:s15], $0x1400  }
0x10: {  	[sflag:s15] =	ssyncset.done $0x0  }
0x11: {  	s20 =	smul.u32 $0xA0000, s19;
	p0 =	por p1, p1;
	[sflag:s15] =	ssyncadd.s32 $0xFFFFEC00  }
0x12: {  	p2 =	por $0x1, $0x1;
	s22 =	simm.s32 $0x0;
	[bflag:$0x0] =	sbarrier.arrive $0xFFFF  }
.LBB2_3:
0x13: {  	s22 =	sadd.s32 s9, s22  }
0x14: {  	s22 =	sshll.u32 s22, $0x7  }
0x15: {  	s23 =	sadd.s32 s10, s22  }
0x16: {  	s23 =	sshrl.u32 s23, $0x3  }
0x17: {  	s23 =	sadd.s32 s5, s23  }
0x18: {  	[tilespmem:s21], [sflag:$0x2] =	stream.linear.gather [hbm4b:s23+s21], $0x5000, $0x38;
	[tilespmem:$0x1A000] =	vst v63  }
0x19: {  	s22 =	sadd.s32 s20, s22;
	_ =	swait.ge [sflag:s15], $0x5000  }
0x1a: {  	s22 =	sshrl.u32 s22, $0x3;
	[sflag:s15] =	ssyncset.done $0x0  }
0x1b: {  	s22 =	sadd.s32 s6, s22;
	[sflag:s15] =	ssyncadd.s32 $0xFFFFB000  }
0x1c: {  	[tilespmem:s16], [sflag:$0x2] =	stream.linear.gather [hbm4b:s22+s21], $0x5000, $0x38;
	[tilespmem:$0x1A000] =	vst v63  }
0x1d: {  	_ =	swait.ge [sflag:s15], $0x5000  }
0x1e: {  	p1 =	por p2, p2;
	s24 =	simm.s32 $0x0;
	[sflag:s15] =	ssyncset.done $0x0  }
0x1f: {  	s23 =	simm.s32 $0x0;
	s22 =	simm.s32 $0x4F00;
	[sflag:s15] =	ssyncadd.s32 $0xFFFFB000  }
.LBB2_4:
0x20: {  	p2 =	sgt.u32 s24, $0x9F  }
0x21: {  	s25 =	smul.u32 @!p2 $0xAB, s24;
	_ =	sdelay $0x1  }
0x22: {  	s25 =	sshrl.u32 @!p2 s25, $0x9  }
0x23: {  	s25 =	sand.u32 @!p2 $0x7F, s25  }
0x24: {  	s25 =	smul.u32 @!p2 $0x3, s25;
	_ =	sdelay $0x1  }
0x25: {  	s25 =	ssub.s32 @!p2 s24, s25  }
0x26: {  	s25 =	sand.u32 @!p2 $0xFF, s25  }
0x27: {  	s25 =	sshll.u32 @!p2 s25, $0xD  }
0x28: {  	s26 =	simm.s32 @!p2 $0x40;
	p3 =	slt.u32 @!p2 s24, $0x2;
	s25 =	sadd.s32 @!p2 $0xA000, s25  }
0x29: {  	[tilespmem:s25], [sflag:$0x1] =	stream.indirect.gather @!p2 [hbm4b:s4+s26], $0x80, s23, s26, $0xb8;
	[tilespmem:$0x1A000] =	vst v63  }
0x2a: {  	p2 =	por p2, !p3  }
0x2b: {  	s25 =	sadd.s32 @p2 $0xFFFFFFFE, s24  }
0x2c: {  	s26 =	sand.u32 @p2 $0xFF, s25  }
0x2d: {  	s26 =	smul.u32 @p2 $0xAB, s26;
	_ =	sdelay $0x1  }
0x2e: {  	s26 =	sshrl.u32 @p2 s26, $0x9  }
0x2f: {  	s26 =	smul.u32 @p2 $0x3, s26;
	_ =	sdelay $0x1  }
0x30: {  	s25 =	ssub.s32 @p2 s25, s26  }
0x31: {  	_ =	swait.ge @p2 [sflag:s17], $0x2000;
	s25 =	sand.u32 @p2 $0xFF, s25  }
0x32: {  	[sflag:s17] =	ssyncset.done @p2 $0x0;
	s25 =	sshll.u32 @p2 s25, $0xD  }
0x33: {  	[sflag:s17] =	ssyncadd.s32 @p2 $0xFFFFE000;
	s25 =	sadd.s32 @p2 $0xA000, s25  }
0x34: {  	[spmem:s1] =	stream.indirect.scatter.add.f32 @p2 [tilespmem:s25], [sflag:$0x2], $0x80, s22, s18, $0xb8;
	[tilespmem:$0x1A000] =	vst v63  }
0x35: {  	_ =	swait.ge @p2 [sflag:s15], $0x2000  }
0x36: {  	s24 =	sadd.s32 $0x1, s24;
	[sflag:s15] =	ssyncset.done @p2 $0x0  }
0x37: {  	[sflag:s15] =	ssyncadd.s32 @p2 $0xFFFFE000;
	p2 =	sne.s32 s24, $0xA2  }
.Ltmp0:
0x38: {  	_ = 	snop;
	(pc) =	sbr.rel @p2 .LBB2_4-.Ltmp0, $2  }
0x39: {  	_ =	sdelay $0x2  }
0x3a: {  	s23 =	sadd.s32 $0x80, s23;
	s22 =	sadd.s32 $0x80, s22  }
.Ltmp1:
0x3b: {  	(pc) =	sbr.rel @p1 .LBB2_3-.Ltmp1, $2  }
0x3c: {  	_ =	sdelay $0x2  }
0x3d: {  	s22 =	simm.s32 $0xA0;
	p2 =	por $0x0, $0x0  }
0x3e: {  	s19 =	smul.u32 $0x1380, s19;
	_ =	sdelay $0x1  }
0x3f: {  	s19 =	sadd.s32 s9, s19  }
0x40: {  	s19 =	sshll.u32 s19, $0x7  }
0x41: {  	s19 =	sadd.s32 s12, s19  }
0x42: {  	s19 =	sshrl.u32 s19, $0x3  }
.Ltmp2:
0x43: {  	[bflag:$0x0] =	sbarrier.arrive $0xFFFF;
	s19 =	sadd.s32 s8, s19;
	(pc) =	sbr.rel @p0 .LBB2_2-.Ltmp2, $4  }
0x44: {  	[hbm:s19], [sflag:s11] =	dma.local [spmem:s14], $0x1400  }
0x45: {  	_ =	swait.ge [sflag:s15], $0x1400  }
0x46: {  	[sflag:s15] =	ssyncset.done $0x0  }
0x47: {  	p1 =	por $0x0, $0x0;
	s19 =	simm.s32 $0x1;
	[sflag:s15] =	ssyncadd.s32 $0xFFFFEC00  }
0x48: {  	s2 =	sadd.s32 $0x1, s2  }
0x49: {  	p0 =	sne.s32 s2, s13  }
.Ltmp3:
0x4a: {  	_ = 	snop;
	(pc) =	sbr.rel @p0 .LBB2_1-.Ltmp3, $1  }
0x4b: {  	_ =	sdelay $0x3  }
0x4c: {  	_ =	sfence.sel $0x180000  }
0x4d: {  	[bflag:$0x0] =	sbarrier.arrive $0xFFFF  }
0x4e: {  	p0 =	sne.s32 s3, $0x0;
	_ =	strace $0x9000004D  }
0x4f: {  	s0 =	sadd.s32 @!p0 $0x100000, s0;
	[bflag:$0x2] =	sbarrier.arrive $0xFFFF  }
0x50: {  	[sflag:s0] =	ssyncadd.tile.s32 @!p0 $0x1;
	_ =	shalt  }
.Lfunc_end2:
_tile_overlayer_lowered:
.L_overlay_start_2:
0x51: {  	(tag) =	ssettag $0x2  }
0x52: {  	s0 =	rddreg [dreg:$0x0];
	s2 =	stileid.u32  }
0x53: {  	s1 =	rddreg [dreg:$0x1];
	p0 =	sne.s32 s2, $0x0  }
0x54: {  	s3 =	rddreg [dreg:$0x2];
	[bflag:$0x3] =	sbarrier.arrive $0xFFFF;
	s2 =	simm.s32 @!p0 $0x1C02  }
0x55: {  	[timem:s3], [sflag:s2] =	dma.local @!p0 [hbm:s0], s1  }
0x56: {  	s0 =	simm.s32 @!p0 $0x2  }
0x57: {  	_ =	swait.ge @!p0 [sflag:s0], s1  }
0x58: {  	s1 =	ssub.s32 @!p0 $0x0, s1;
	[sflag:s0] =	ssyncset.done @!p0 $0x0  }
0x59: {  	[sflag:s0] =	ssyncadd.s32 @!p0 s1  }
0x5a: {  	[bflag:$0x3] =	sbarrier.arrive $0xFFFF  }
0x5b: {  	_ =	shalt  }

// kernel: kernel.24.cloned.1.call-start
scs
__scs_entry_jumppad:
0x0: {  	(pc) =	sbr.rel $0x88, $3  }
0x1: {  	(tag) =	ssettag $0x0;
	lr =	simm.s32 $0x1  }
0x2: {  	[smem:$0x3F64] =	sst lr;
	_ =	strace $0xD0000000  }
0x3: {  	_ = 	snop  }
0x4: {  	_ = 	snop  }
0x5: {  	_ = 	snop  }
0x6: {  	_ = 	snop  }
0x7: {  	_ = 	snop  }
__scs_overlays_trampoline_lowered:
0x8: {  	[smem:$0x3F73] =	sst s0  }
0x9: {  	[smem:$0x3F74] =	sst s1  }
0xa: {  	[smem:$0x3F75] =	sst s2  }
0xb: {  	[smem:$0x3F76] =	sst s3  }
0xc: {  	[smem:$0x3F77] =	sst s4  }
0xd: {  	[smem:$0x3F78] =	sst s5  }
0xe: {  	[smem:$0x3F79] =	sst s6  }
0xf: {  	[smem:$0x3F7A] =	sst s7  }
0x10: {  	[smem:$0x3F7B] =	sst s8  }
0x11: {  	[smem:$0x3F7C] =	sst s9;
	s0 =	simm.s32 @!p0 $0x0  }
0x12: {  	s1 =	sld [smem:$0x3F62];
	s0 =	simm.s32 @p0 $0x1  }
0x13: {  	[smem:$0x3F7D] =	sst s0;
	s0 =	simm.s32 @!p1 $0x0  }
0x14: {  	s2 =	sld [smem:$0x3F61];
	s0 =	simm.s32 @p1 $0x1  }
0x15: {  	[smem:$0x3F7E] =	sst s0;
	s0 =	simm.s32 @!p2 $0x0  }
0x16: {  	s3 =	sld [smem:$0x3FDB];
	s0 =	simm.s32 @p2 $0x1  }
0x17: {  	s4 =	simm.s32 $0x1BF5;
	[smem:$0x3F80] =	sst s0  }
0x18: {  	s0 =	sld [smem:$0x3F63];
	_ =	swait.ge [sflag:s4], $0x0  }
0x19: {  	s7 =	sld [smem:$0x3F64]  }
0x1a: {  	s8 =	sadd.s32 $0xFFFFE003, lr  }
0x1b: {  	s9 =	sadd.s32 $0xFFFFFEF7, lr;
	s5 =	simm.s32 $0xFFFFFFFF;
	p2 =	slt.u32 s8, $0xFFFFF086  }
0x1c: {  	p1 =	slt.u32 s9, $0xF7A;
	s5 =	simm.s32 @!p2 $0x0  }
0x1d: {  	s5 =	simm.s32 @p1 $0x1;
	p0 =	seq.s32 s7, s2  }
0x1e: {  	s7 =	smul.u32 @!p0 $0xF7A, s2;
	p2 =	seq.s32 @!p0 s5, $0x0  }
0x1f: {  	s9 =	smul.u32 $0xF7A, s1;
	s8 =	simm.s32 @!p0 $0x1BF5;
	p2 =	por !p2, p0  }
0x20: {  	[sflag:s8] =	ssyncset.s32 @!p0 $0xFFFFF086;
	s6 =	sadd.s32 @!p0 s3, s7;
	s7 =	simm.s32 @!p0 $0x108  }
0x21: {  	s3 =	sadd.s32 s3, s9;
	s6 =	sadd.s32 @!p0 $0x88, s6;
	s7 =	simm.s32 @p2 $0x1082  }
0x22: {  	[simem:s7], [sflag:s8] =	dma.local @!p0 [hbm:s6], $0xF7A  }
0x23: {  	s9 =	sor.u32 $0xD0000000, s2;
	s6 =	simm.s32 $0x108;
	_ =	swait.ge @!p0 [sflag:s8], $0x0  }
0x24: {  	s3 =	sadd.s32 $0x88, s3;
	s6 =	simm.s32 @!p1 $0x1082;
	[sflag:s4] =	ssyncset.s32 $0xFFFFF086  }
0x25: {  	[simem:s6], [sflag:s4] =	dma.local [hbm:s3], $0xF7A  }
0x26: {  	[smem:$0x3F64] =	sst s1;
	(tag) =	ssettag s2;
	_ =	strace s9  }
0x27: {  	s1 =	sld [smem:$0x3F74]  }
0x28: {  	s2 =	sld [smem:$0x3F75]  }
0x29: {  	s4 =	sld [smem:$0x3F77]  }
0x2a: {  	p0 =	seq.s32 s5, $0x0;
	s5 =	sld [smem:$0x3F78]  }
0x2b: {  	s6 =	sld [smem:$0x3F79]  }
0x2c: {  	s7 =	sld [smem:$0x3F7A]  }
0x2d: {  	s3 =	simm.s32 $0x108;
	s8 =	sld [smem:$0x3F7B]  }
0x2e: {  	s3 =	simm.s32 @!p0 $0x1082;
	s9 =	sld [smem:$0x3F7C]  }
0x2f: {  	lr =	sadd.s32 s0, s3;
	s0 =	sld [smem:$0x3F73]  }
0x30: {  	s3 =	sld [smem:$0x3F76]  }
0x31: {  	[smem:$0x3F7F] =	sst s10  }
0x32: {  	s10 =	sld [smem:$0x3F7D];
	_ =	sdelay $0x3  }
0x33: {  	p0 =	seq.s32 s10, $0x1;
	s10 =	sld [smem:$0x3F7F];
	_ =	sdelay $0x3  }
0x34: {  	[smem:$0x3F7F] =	sst s10  }
0x35: {  	s10 =	sld [smem:$0x3F7E];
	_ =	sdelay $0x3  }
0x36: {  	p1 =	seq.s32 s10, $0x1;
	s10 =	sld [smem:$0x3F7F];
	_ =	sdelay $0x3  }
0x37: {  	[smem:$0x3F7F] =	sst s10  }
0x38: {  	s10 =	sld [smem:$0x3F80]  }
0x39: {  	_ = 	snop;
	(pc) =	sbr.ind lr, $3  }
0x3a: {  	_ = 	snop  }
0x3b: {  	_ = 	snop  }
0x3c: {  	p2 =	seq.s32 s10, $0x1;
	s10 =	sld [smem:$0x3F7F]  }
0x3d: {  	_ =	shalt  }
0x3e: {  	_ =	shalt  }
0x3f: {  	_ =	shalt  }
0x40: {  	_ =	shalt  }
0x41: {  	_ =	shalt  }
0x42: {  	_ =	shalt  }
0x43: {  	_ =	shalt  }
0x44: {  	_ =	shalt  }
0x45: {  	_ =	shalt  }
0x46: {  	_ =	shalt  }
0x47: {  	_ =	shalt  }
0x48: {  	_ =	shalt  }
0x49: {  	_ =	shalt  }
0x4a: {  	_ =	shalt  }
0x4b: {  	_ =	shalt  }
0x4c: {  	_ =	shalt  }
0x4d: {  	_ =	shalt  }
0x4e: {  	_ =	shalt  }
0x4f: {  	_ =	shalt  }
0x50: {  	_ =	shalt  }
0x51: {  	_ =	shalt  }
0x52: {  	_ =	shalt  }
0x53: {  	_ =	shalt  }
0x54: {  	_ =	shalt  }
0x55: {  	_ =	shalt  }
0x56: {  	_ =	shalt  }
0x57: {  	_ =	shalt  }
0x58: {  	_ =	shalt  }
0x59: {  	_ =	shalt  }
0x5a: {  	_ =	shalt  }
0x5b: {  	_ =	shalt  }
0x5c: {  	_ =	shalt  }
0x5d: {  	_ =	shalt  }
0x5e: {  	_ =	shalt  }
0x5f: {  	_ =	shalt  }
0x60: {  	_ =	shalt  }
0x61: {  	_ =	shalt  }
0x62: {  	_ =	shalt  }
0x63: {  	_ =	shalt  }
0x64: {  	_ =	shalt  }
0x65: {  	_ =	shalt  }
0x66: {  	_ =	shalt  }
0x67: {  	_ =	shalt  }
0x68: {  	_ =	shalt  }
0x69: {  	_ =	shalt  }
0x6a: {  	_ =	shalt  }
0x6b: {  	_ =	shalt  }
0x6c: {  	_ =	shalt  }
0x6d: {  	_ =	shalt  }
0x6e: {  	_ =	shalt  }
0x6f: {  	_ =	shalt  }
0x70: {  	_ =	shalt  }
0x71: {  	_ =	shalt  }
0x72: {  	_ =	shalt  }
0x73: {  	_ =	shalt  }
0x74: {  	_ =	shalt  }
0x75: {  	_ =	shalt  }
0x76: {  	_ =	shalt  }
0x77: {  	_ =	shalt  }
0x78: {  	_ =	shalt  }
0x79: {  	_ =	shalt  }
0x7a: {  	_ =	shalt  }
0x7b: {  	_ =	shalt  }
0x7c: {  	_ =	shalt  }
0x7d: {  	_ =	shalt  }
0x7e: {  	_ =	shalt  }
0x7f: {  	_ =	shalt  }
0x80: {  	_ =	shalt  }
0x81: {  	_ =	shalt  }
0x82: {  	_ =	shalt  }
0x83: {  	_ =	shalt  }
0x84: {  	_ =	shalt  }
0x85: {  	_ =	shalt  }
0x86: {  	_ =	shalt  }
0x87: {  	_ =	shalt  }
.Lfunc_end0:
.L_simem_size_0:
called_computation.3_lowered:
.L_overlay_start_0:
0x88: {  	s2 =	sld [smem:$0x3FD9]  }
0x89: {  	s3 =	sld [smem:$0x3FFE];
	_ =	sdelay $0x1  }
0x8a: {  	s1 =	srdreg.scid  }
0x8b: {  	s0 =	sand.u32 $0x1, s1  }
0x8c: {  	s16 =	sshll.u32 s0, $0xA;
	s2 =	sadd.s32 s3, s2  }
0x8d: {  	s2 =	sadd.s32 s2, s16  }
0x8e: {  	[smem:$0x3F8B] =	sst s2  }
0x8f: {  	_ = 	snop  }
0x90: {  	(tm) =	ssettm $0x1  }
0x91: {  	s17 =	sld [smem:$0x3FFB];
	_ =	sdelay $0x3  }
0x92: {  	_ =	strace s17  }
0x93: {  	s2 =	sld [smem:$0x3FFC];
	_ =	sdelay $0x3  }
0x94: {  	_ =	strace s2  }
0x95: {  	s2 =	sld [smem:$0x3FFD];
	_ =	sdelay $0x3  }
0x96: {  	_ =	strace s2  }
0x97: {  	_ =	strace $0x8FFFFFFF  }
0x98: {  	s18 =	sld [smem:$0x3FDB];
	_ =	sdelay $0x1  }
0x99: {  	s19 =	simm.s32 $_scs_section_size  }
0x9a: {  	s4 =	simm.s32 $_size__tile_overlayer_lowered;
	s5 =	simm.s32 $_tile_overlayer_lowered  }
0x9b: {  	s22 =	simm.s32 $0x1BFF;
	s21 =	sshll.u32 s5, $0x1;
	s2 =	sadd.s32 s19, s18  }
0x9c: {  	s6 =	simm.s32 $0x0;
	s20 =	sshll.u32 s4, $0x1;
	s4 =	sadd.s32 s21, s2  }
0x9d: {  	[timem:s6], [sflag:s22] =	dma.local [hbm:s4], s20  }
0x9e: {  	_ =	swait.ge [sflag:s22], s20  }
0x9f: {  	s3 =	ssub.s32 $0x0, s20;
	[sflag:s22] =	ssyncset.done $0x0  }
0xa0: {  	[sflag:s22] =	ssyncadd.s32 s3;
	_ =	sdelay $0x1  }
0xa1: {  	s23 =	simm.s32 $0x1B8B  }
0xa2: {  	_ =	swait.ge [sflag:s23], $0x1  }
0xa3: {  	[sflag:s23] =	ssyncset.done $0x0  }
0xa4: {  	s25 =	simm.s32 $0x1B8E;
	s24 =	sld [smem:$0x3FFE];
	[sflag:s23] =	ssyncadd.s32 $0xFFFFFFFF  }
0xa5: {  	s26 =	simm.s32 $execute0_lowered;
	[smem:$0x3FD2] =	sst s25  }
0xa6: {  	s4 =	sshll.u32 s26, $0x1;
	_ =	strace $0x8000004F;
	[dreg:$0x1] =	wrdreg $0xFFFFFFFF  }
0xa7: {  	s28 =	simm.s32 $_size_execute0_lowered;
	s2 =	sadd.s32 s2, s4;
	[dreg:$0x0] =	wrdreg $0x0  }
0xa8: {  	s4 =	sshll.u32 s28, $0x1;
	[dreg:$0x2] =	wrdreg s2  }
0xa9: {  	[dreg:$0x3] =	wrdreg s4  }
0xaa: {  	[dreg:$0x4] =	wrdreg $0xC0  }
0xab: {  	_ =	task [dreg:s6], $0x5FFFF  }
0xac: {  	[dreg:$0x1] =	wrdreg $0xFFFFFFFF  }
0xad: {  	[dreg:$0x0] =	wrdreg $0x60  }
0xae: {  	[dreg:$0x2] =	wrdreg s24  }
0xaf: {  	[dreg:$0x3] =	wrdreg $0x100000  }
0xb0: {  	[dreg:$0x4] =	wrdreg $0x9  }
0xb1: {  	_ =	task.clear_ibuf [dreg:s6], $0x5FFFF;
	_ =	strace $0x9000004F  }
0xb2: {  	s29 =	simm.s32 $0x9;
	_ =	strace $0x80000051  }
0xb3: {  	_ =	swait.ge [sflag:s29], $0x1  }
0xb4: {  	[sflag:s29] =	ssyncadd.s32 $0xFFFFFFFF  }
0xb5: {  	_ =	strace $0x90000051  }
0xb6: {  	_ =	sfence  }
0xb7: {  	s30 =	sld [smem:$0x0];
	_ =	sdelay $0x2  }
0xb8: {  	s31 =	sshll.u32 s1, $0xD;
	s1 =	sshrl.u32 s1, $0x2  }
0xb9: {  	s3 =	sand.u32 $0x4000, s31;
	s1 =	sadd.s32 s1, s30  }
0xba: {  	s0 =	sor.u32 s3, s0;
	s1 =	sshll.u32 s1, $0x11  }
0xbb: {  	s0 =	sor.u32 s1, s0  }
0xbc: {  	s0 =	sadd.s32 $0x8F2B, s0  }
0xbd: {  	[sflag:s0] =	ssyncadd.remote.s32 $0x1  }
0xbe: {  	_ =	sfence.sel $0xFFFF  }
0xbf: {  	[dreg:$0x0] =	wrdreg $0xFFFFFFFF;
	(pc) =	sbr.abs _section_cstart, $3  }
0xc0: {  	[dreg:$0x1] =	wrdreg $0xFFFFFFFF  }
0xc1: {  	_ =	task.clear_ibuf [dreg:s6], $0x2FFFF;
	_ =	strace $0x9FFFFFFF  }
0xc2: {  	(tm) =	ssettm $0x7FFFFFFF  }
0xc3: {  	_ =	shalt  }
tec
execute0_lowered:
.L_overlay_start_1:
0x0: {  	(tag) =	ssettag $0x1  }
0x1: {  	s8 =	rddreg [dreg:$0x0]  }
0x2: {  	s1 =	rddreg [dreg:$0x1]  }
0x3: {  	s0 =	rddreg [dreg:$0x2];
	s2 =	simm.s32 $0x0;
	s3 =	srdreg.scid  }
0x4: {  	s16 =	simm.s32 $0x5000;
	s17 =	simm.s32 $0x1;
	s18 =	simm.s32 $0x40  }
0x5: {  	s21 =	simm.s32 $0x0;
	[smem:$0x7FF] =	sst s2;
	s4 =	sadd.s32 $0xA9000, s8  }
0x6: {  	s5 =	sadd.s32 $0xAC00, s8;
	s12 =	sand.u32 $0x1, s3;
	s6 =	sadd.s32 $0x32C00, s8  }
0x7: {  	s3 =	stileid.u32;
	s7 =	sadd.s32 $0xF7200, s8;
	s9 =	ssub.s32 $0x2, s12  }
0x8: {  	s8 =	sadd.s32 $0xF8600, s8;
	s11 =	smul.u32 $0x28000, s3;
	s10 =	sshrl.u32 s9, $0x1  }
0x9: {  	_ =	strace $0x80000050;
	s13 =	ssub.s32 s9, s10;
	s9 =	smul.u32 $0x140, s3  }
0xa: {  	s14 =	sshll.u32 s3, $0x6;
	s11 =	sshrl.u32 s11, $0x2;
	s10 =	smul.u32 $0xA0000, s12  }
0xb: {  	s12 =	smul.u32 $0x13C000, s12;
	s15 =	sadd.s32 s11, s1;
	s11 =	sor.u32 $0x1C02, s14  }
0xc: {  	s13 =	smax.u32 s13, $0x1;
	s14 =	sshrl.u32 s15, $0x3;
	s15 =	simm.s32 $0x2  }
.LBB2_1:
0xd: {  	p1 =	por $0x1, $0x1;
	s19 =	simm.s32 $0x0  }
.LBB2_2:
0xe: {  	[spmem:s14], [sflag:s11] =	dma.local [hbm:s7], $0x1400  }
0xf: {  	_ =	swait.ge [sflag:s15], $0x1400  }
0x10: {  	[sflag:s15] =	ssyncset.done $0x0  }
0x11: {  	s20 =	smul.u32 $0xA0000, s19;
	p0 =	por p1, p1;
	[sflag:s15] =	ssyncadd.s32 $0xFFFFEC00  }
0x12: {  	p2 =	por $0x1, $0x1;
	s22 =	simm.s32 $0x0;
	[bflag:$0x0] =	sbarrier.arrive $0xFFFF  }
.LBB2_3:
0x13: {  	s22 =	sadd.s32 s9, s22  }
0x14: {  	s22 =	sshll.u32 s22, $0x7  }
0x15: {  	s23 =	sadd.s32 s10, s22  }
0x16: {  	s23 =	sshrl.u32 s23, $0x3  }
0x17: {  	s23 =	sadd.s32 s5, s23  }
0x18: {  	[tilespmem:s21], [sflag:$0x2] =	stream.linear.gather [hbm4b:s23+s21], $0x5000, $0x38;
	[tilespmem:$0x1A000] =	vst v63  }
0x19: {  	s22 =	sadd.s32 s20, s22;
	_ =	swait.ge [sflag:s15], $0x5000  }
0x1a: {  	s22 =	sshrl.u32 s22, $0x3;
	[sflag:s15] =	ssyncset.done $0x0  }
0x1b: {  	s22 =	sadd.s32 s6, s22;
	[sflag:s15] =	ssyncadd.s32 $0xFFFFB000  }
0x1c: {  	[tilespmem:s16], [sflag:$0x2] =	stream.linear.gather [hbm4b:s22+s21], $0x5000, $0x38;
	[tilespmem:$0x1A000] =	vst v63  }
0x1d: {  	_ =	swait.ge [sflag:s15], $0x5000  }
0x1e: {  	p1 =	por p2, p2;
	s24 =	simm.s32 $0x0;
	[sflag:s15] =	ssyncset.done $0x0  }
0x1f: {  	s23 =	simm.s32 $0x0;
	s22 =	simm.s32 $0x4F00;
	[sflag:s15] =	ssyncadd.s32 $0xFFFFB000  }
.LBB2_4:
0x20: {  	p2 =	sgt.u32 s24, $0x9F  }
0x21: {  	s25 =	smul.u32 @!p2 $0xAB, s24;
	_ =	sdelay $0x1  }
0x22: {  	s25 =	sshrl.u32 @!p2 s25, $0x9  }
0x23: {  	s25 =	sand.u32 @!p2 $0x7F, s25  }
0x24: {  	s25 =	smul.u32 @!p2 $0x3, s25;
	_ =	sdelay $0x1  }
0x25: {  	s25 =	ssub.s32 @!p2 s24, s25  }
0x26: {  	s25 =	sand.u32 @!p2 $0xFF, s25  }
0x27: {  	s25 =	sshll.u32 @!p2 s25, $0xD  }
0x28: {  	s26 =	simm.s32 @!p2 $0x40;
	p3 =	slt.u32 @!p2 s24, $0x2;
	s25 =	sadd.s32 @!p2 $0xA000, s25  }
0x29: {  	[tilespmem:s25], [sflag:$0x1] =	stream.indirect.gather @!p2 [hbm4b:s4+s26], $0x80, s23, s26, $0xb8;
	[tilespmem:$0x1A000] =	vst v63  }
0x2a: {  	p2 =	por p2, !p3  }
0x2b: {  	s25 =	sadd.s32 @p2 $0xFFFFFFFE, s24  }
0x2c: {  	s26 =	sand.u32 @p2 $0xFF, s25  }
0x2d: {  	s26 =	smul.u32 @p2 $0xAB, s26;
	_ =	sdelay $0x1  }
0x2e: {  	s26 =	sshrl.u32 @p2 s26, $0x9  }
0x2f: {  	s26 =	smul.u32 @p2 $0x3, s26;
	_ =	sdelay $0x1  }
0x30: {  	s25 =	ssub.s32 @p2 s25, s26  }
0x31: {  	_ =	swait.ge @p2 [sflag:s17], $0x2000;
	s25 =	sand.u32 @p2 $0xFF, s25  }
0x32: {  	[sflag:s17] =	ssyncset.done @p2 $0x0;
	s25 =	sshll.u32 @p2 s25, $0xD  }
0x33: {  	[sflag:s17] =	ssyncadd.s32 @p2 $0xFFFFE000;
	s25 =	sadd.s32 @p2 $0xA000, s25  }
0x34: {  	[spmem:s1] =	stream.indirect.scatter.add.f32 @p2 [tilespmem:s25], [sflag:$0x2], $0x80, s22, s18, $0xb8;
	[tilespmem:$0x1A000] =	vst v63  }
0x35: {  	_ =	swait.ge @p2 [sflag:s15], $0x2000  }
0x36: {  	s24 =	sadd.s32 $0x1, s24;
	[sflag:s15] =	ssyncset.done @p2 $0x0  }
0x37: {  	[sflag:s15] =	ssyncadd.s32 @p2 $0xFFFFE000;
	p2 =	sne.s32 s24, $0xA2  }
.Ltmp0:
0x38: {  	_ = 	snop;
	(pc) =	sbr.rel @p2 .LBB2_4-.Ltmp0, $2  }
0x39: {  	_ =	sdelay $0x2  }
0x3a: {  	s23 =	sadd.s32 $0x80, s23;
	s22 =	sadd.s32 $0x80, s22  }
.Ltmp1:
0x3b: {  	(pc) =	sbr.rel @p1 .LBB2_3-.Ltmp1, $2  }
0x3c: {  	_ =	sdelay $0x2  }
0x3d: {  	s22 =	simm.s32 $0xA0;
	p2 =	por $0x0, $0x0  }
0x3e: {  	s19 =	smul.u32 $0x1380, s19;
	_ =	sdelay $0x1  }
0x3f: {  	s19 =	sadd.s32 s9, s19  }
0x40: {  	s19 =	sshll.u32 s19, $0x7  }
0x41: {  	s19 =	sadd.s32 s12, s19  }
0x42: {  	s19 =	sshrl.u32 s19, $0x3  }
.Ltmp2:
0x43: {  	[bflag:$0x0] =	sbarrier.arrive $0xFFFF;
	s19 =	sadd.s32 s8, s19;
	(pc) =	sbr.rel @p0 .LBB2_2-.Ltmp2, $4  }
0x44: {  	[hbm:s19], [sflag:s11] =	dma.local [spmem:s14], $0x1400  }
0x45: {  	_ =	swait.ge [sflag:s15], $0x1400  }
0x46: {  	[sflag:s15] =	ssyncset.done $0x0  }
0x47: {  	p1 =	por $0x0, $0x0;
	s19 =	simm.s32 $0x1;
	[sflag:s15] =	ssyncadd.s32 $0xFFFFEC00  }
0x48: {  	s2 =	sadd.s32 $0x1, s2  }
0x49: {  	p0 =	sne.s32 s2, s13  }
.Ltmp3:
0x4a: {  	_ = 	snop;
	(pc) =	sbr.rel @p0 .LBB2_1-.Ltmp3, $1  }
0x4b: {  	_ =	sdelay $0x3  }
0x4c: {  	_ =	sfence.sel $0x180000  }
0x4d: {  	[bflag:$0x0] =	sbarrier.arrive $0xFFFF  }
0x4e: {  	p0 =	sne.s32 s3, $0x0;
	_ =	strace $0x90000050  }
0x4f: {  	s0 =	sadd.s32 @!p0 $0x100000, s0;
	[bflag:$0x2] =	sbarrier.arrive $0xFFFF  }
0x50: {  	[sflag:s0] =	ssyncadd.tile.s32 @!p0 $0x1;
	_ =	shalt  }
.Lfunc_end2:
_tile_overlayer_lowered:
.L_overlay_start_2:
0x51: {  	(tag) =	ssettag $0x2  }
0x52: {  	s0 =	rddreg [dreg:$0x0];
	s2 =	stileid.u32  }
0x53: {  	s1 =	rddreg [dreg:$0x1];
	p0 =	sne.s32 s2, $0x0  }
0x54: {  	s3 =	rddreg [dreg:$0x2];
	[bflag:$0x3] =	sbarrier.arrive $0xFFFF;
	s2 =	simm.s32 @!p0 $0x1C02  }
0x55: {  	[timem:s3], [sflag:s2] =	dma.local @!p0 [hbm:s0], s1  }
0x56: {  	s0 =	simm.s32 @!p0 $0x2  }
0x57: {  	_ =	swait.ge @!p0 [sflag:s0], s1  }
0x58: {  	s1 =	ssub.s32 @!p0 $0x0, s1;
	[sflag:s0] =	ssyncset.done @!p0 $0x0  }
0x59: {  	[sflag:s0] =	ssyncadd.s32 @!p0 s1  }
0x5a: {  	[bflag:$0x3] =	sbarrier.arrive $0xFFFF  }
0x5b: {  	_ =	shalt  }

// kernel: kernel.27.cloned.1.call-start
scs
__scs_entry_jumppad:
0x0: {  	(pc) =	sbr.rel $0x88, $3  }
0x1: {  	(tag) =	ssettag $0x0;
	lr =	simm.s32 $0x1  }
0x2: {  	[smem:$0x3F64] =	sst lr;
	_ =	strace $0xD0000000  }
0x3: {  	_ = 	snop  }
0x4: {  	_ = 	snop  }
0x5: {  	_ = 	snop  }
0x6: {  	_ = 	snop  }
0x7: {  	_ = 	snop  }
__scs_overlays_trampoline_lowered:
0x8: {  	[smem:$0x3F73] =	sst s0  }
0x9: {  	[smem:$0x3F74] =	sst s1  }
0xa: {  	[smem:$0x3F75] =	sst s2  }
0xb: {  	[smem:$0x3F76] =	sst s3  }
0xc: {  	[smem:$0x3F77] =	sst s4  }
0xd: {  	[smem:$0x3F78] =	sst s5  }
0xe: {  	[smem:$0x3F79] =	sst s6  }
0xf: {  	[smem:$0x3F7A] =	sst s7  }
0x10: {  	[smem:$0x3F7B] =	sst s8  }
0x11: {  	[smem:$0x3F7C] =	sst s9;
	s0 =	simm.s32 @!p0 $0x0  }
0x12: {  	s1 =	sld [smem:$0x3F62];
	s0 =	simm.s32 @p0 $0x1  }
0x13: {  	[smem:$0x3F7D] =	sst s0;
	s0 =	simm.s32 @!p1 $0x0  }
0x14: {  	s2 =	sld [smem:$0x3F61];
	s0 =	simm.s32 @p1 $0x1  }
0x15: {  	[smem:$0x3F7E] =	sst s0;
	s0 =	simm.s32 @!p2 $0x0  }
0x16: {  	s3 =	sld [smem:$0x3FDB];
	s0 =	simm.s32 @p2 $0x1  }
0x17: {  	s4 =	simm.s32 $0x1BF5;
	[smem:$0x3F80] =	sst s0  }
0x18: {  	s0 =	sld [smem:$0x3F63];
	_ =	swait.ge [sflag:s4], $0x0  }
0x19: {  	s7 =	sld [smem:$0x3F64]  }
0x1a: {  	s8 =	sadd.s32 $0xFFFFE003, lr  }
0x1b: {  	s9 =	sadd.s32 $0xFFFFFEF7, lr;
	s5 =	simm.s32 $0xFFFFFFFF;
	p2 =	slt.u32 s8, $0xFFFFF086  }
0x1c: {  	p1 =	slt.u32 s9, $0xF7A;
	s5 =	simm.s32 @!p2 $0x0  }
0x1d: {  	s5 =	simm.s32 @p1 $0x1;
	p0 =	seq.s32 s7, s2  }
0x1e: {  	s7 =	smul.u32 @!p0 $0xF7A, s2;
	p2 =	seq.s32 @!p0 s5, $0x0  }
0x1f: {  	s9 =	smul.u32 $0xF7A, s1;
	s8 =	simm.s32 @!p0 $0x1BF5;
	p2 =	por !p2, p0  }
0x20: {  	[sflag:s8] =	ssyncset.s32 @!p0 $0xFFFFF086;
	s6 =	sadd.s32 @!p0 s3, s7;
	s7 =	simm.s32 @!p0 $0x108  }
0x21: {  	s3 =	sadd.s32 s3, s9;
	s6 =	sadd.s32 @!p0 $0x88, s6;
	s7 =	simm.s32 @p2 $0x1082  }
0x22: {  	[simem:s7], [sflag:s8] =	dma.local @!p0 [hbm:s6], $0xF7A  }
0x23: {  	s9 =	sor.u32 $0xD0000000, s2;
	s6 =	simm.s32 $0x108;
	_ =	swait.ge @!p0 [sflag:s8], $0x0  }
0x24: {  	s3 =	sadd.s32 $0x88, s3;
	s6 =	simm.s32 @!p1 $0x1082;
	[sflag:s4] =	ssyncset.s32 $0xFFFFF086  }
0x25: {  	[simem:s6], [sflag:s4] =	dma.local [hbm:s3], $0xF7A  }
0x26: {  	[smem:$0x3F64] =	sst s1;
	(tag) =	ssettag s2;
	_ =	strace s9  }
0x27: {  	s1 =	sld [smem:$0x3F74]  }
0x28: {  	s2 =	sld [smem:$0x3F75]  }
0x29: {  	s4 =	sld [smem:$0x3F77]  }
0x2a: {  	p0 =	seq.s32 s5, $0x0;
	s5 =	sld [smem:$0x3F78]  }
0x2b: {  	s6 =	sld [smem:$0x3F79]  }
0x2c: {  	s7 =	sld [smem:$0x3F7A]  }
0x2d: {  	s3 =	simm.s32 $0x108;
	s8 =	sld [smem:$0x3F7B]  }
0x2e: {  	s3 =	simm.s32 @!p0 $0x1082;
	s9 =	sld [smem:$0x3F7C]  }
0x2f: {  	lr =	sadd.s32 s0, s3;
	s0 =	sld [smem:$0x3F73]  }
0x30: {  	s3 =	sld [smem:$0x3F76]  }
0x31: {  	[smem:$0x3F7F] =	sst s10  }
0x32: {  	s10 =	sld [smem:$0x3F7D];
	_ =	sdelay $0x3  }
0x33: {  	p0 =	seq.s32 s10, $0x1;
	s10 =	sld [smem:$0x3F7F];
	_ =	sdelay $0x3  }
0x34: {  	[smem:$0x3F7F] =	sst s10  }
0x35: {  	s10 =	sld [smem:$0x3F7E];
	_ =	sdelay $0x3  }
0x36: {  	p1 =	seq.s32 s10, $0x1;
	s10 =	sld [smem:$0x3F7F];
	_ =	sdelay $0x3  }
0x37: {  	[smem:$0x3F7F] =	sst s10  }
0x38: {  	s10 =	sld [smem:$0x3F80]  }
0x39: {  	_ = 	snop;
	(pc) =	sbr.ind lr, $3  }
0x3a: {  	_ = 	snop  }
0x3b: {  	_ = 	snop  }
0x3c: {  	p2 =	seq.s32 s10, $0x1;
	s10 =	sld [smem:$0x3F7F]  }
0x3d: {  	_ =	shalt  }
0x3e: {  	_ =	shalt  }
0x3f: {  	_ =	shalt  }
0x40: {  	_ =	shalt  }
0x41: {  	_ =	shalt  }
0x42: {  	_ =	shalt  }
0x43: {  	_ =	shalt  }
0x44: {  	_ =	shalt  }
0x45: {  	_ =	shalt  }
0x46: {  	_ =	shalt  }
0x47: {  	_ =	shalt  }
0x48: {  	_ =	shalt  }
0x49: {  	_ =	shalt  }
0x4a: {  	_ =	shalt  }
0x4b: {  	_ =	shalt  }
0x4c: {  	_ =	shalt  }
0x4d: {  	_ =	shalt  }
0x4e: {  	_ =	shalt  }
0x4f: {  	_ =	shalt  }
0x50: {  	_ =	shalt  }
0x51: {  	_ =	shalt  }
0x52: {  	_ =	shalt  }
0x53: {  	_ =	shalt  }
0x54: {  	_ =	shalt  }
0x55: {  	_ =	shalt  }
0x56: {  	_ =	shalt  }
0x57: {  	_ =	shalt  }
0x58: {  	_ =	shalt  }
0x59: {  	_ =	shalt  }
0x5a: {  	_ =	shalt  }
0x5b: {  	_ =	shalt  }
0x5c: {  	_ =	shalt  }
0x5d: {  	_ =	shalt  }
0x5e: {  	_ =	shalt  }
0x5f: {  	_ =	shalt  }
0x60: {  	_ =	shalt  }
0x61: {  	_ =	shalt  }
0x62: {  	_ =	shalt  }
0x63: {  	_ =	shalt  }
0x64: {  	_ =	shalt  }
0x65: {  	_ =	shalt  }
0x66: {  	_ =	shalt  }
0x67: {  	_ =	shalt  }
0x68: {  	_ =	shalt  }
0x69: {  	_ =	shalt  }
0x6a: {  	_ =	shalt  }
0x6b: {  	_ =	shalt  }
0x6c: {  	_ =	shalt  }
0x6d: {  	_ =	shalt  }
0x6e: {  	_ =	shalt  }
0x6f: {  	_ =	shalt  }
0x70: {  	_ =	shalt  }
0x71: {  	_ =	shalt  }
0x72: {  	_ =	shalt  }
0x73: {  	_ =	shalt  }
0x74: {  	_ =	shalt  }
0x75: {  	_ =	shalt  }
0x76: {  	_ =	shalt  }
0x77: {  	_ =	shalt  }
0x78: {  	_ =	shalt  }
0x79: {  	_ =	shalt  }
0x7a: {  	_ =	shalt  }
0x7b: {  	_ =	shalt  }
0x7c: {  	_ =	shalt  }
0x7d: {  	_ =	shalt  }
0x7e: {  	_ =	shalt  }
0x7f: {  	_ =	shalt  }
0x80: {  	_ =	shalt  }
0x81: {  	_ =	shalt  }
0x82: {  	_ =	shalt  }
0x83: {  	_ =	shalt  }
0x84: {  	_ =	shalt  }
0x85: {  	_ =	shalt  }
0x86: {  	_ =	shalt  }
0x87: {  	_ =	shalt  }
.Lfunc_end0:
.L_simem_size_0:
called_computation.4_lowered:
.L_overlay_start_0:
0x88: {  	s2 =	sld [smem:$0x3FD9]  }
0x89: {  	s3 =	sld [smem:$0x3FFE];
	_ =	sdelay $0x1  }
0x8a: {  	s1 =	srdreg.scid  }
0x8b: {  	s0 =	sand.u32 $0x1, s1  }
0x8c: {  	s16 =	sshll.u32 s0, $0xA;
	s2 =	sadd.s32 s3, s2  }
0x8d: {  	s2 =	sadd.s32 s2, s16  }
0x8e: {  	[smem:$0x3F8B] =	sst s2  }
0x8f: {  	_ = 	snop  }
0x90: {  	(tm) =	ssettm $0x1  }
0x91: {  	s17 =	sld [smem:$0x3FFB];
	_ =	sdelay $0x3  }
0x92: {  	_ =	strace s17  }
0x93: {  	s2 =	sld [smem:$0x3FFC];
	_ =	sdelay $0x3  }
0x94: {  	_ =	strace s2  }
0x95: {  	s2 =	sld [smem:$0x3FFD];
	_ =	sdelay $0x3  }
0x96: {  	_ =	strace s2  }
0x97: {  	_ =	strace $0x8FFFFFFF  }
0x98: {  	s18 =	sld [smem:$0x3FDB];
	_ =	sdelay $0x1  }
0x99: {  	s19 =	simm.s32 $_scs_section_size  }
0x9a: {  	s4 =	simm.s32 $_size__tile_overlayer_lowered;
	s5 =	simm.s32 $_tile_overlayer_lowered  }
0x9b: {  	s22 =	simm.s32 $0x1BFF;
	s21 =	sshll.u32 s5, $0x1;
	s2 =	sadd.s32 s19, s18  }
0x9c: {  	s6 =	simm.s32 $0x0;
	s20 =	sshll.u32 s4, $0x1;
	s4 =	sadd.s32 s21, s2  }
0x9d: {  	[timem:s6], [sflag:s22] =	dma.local [hbm:s4], s20  }
0x9e: {  	_ =	swait.ge [sflag:s22], s20  }
0x9f: {  	s3 =	ssub.s32 $0x0, s20;
	[sflag:s22] =	ssyncset.done $0x0  }
0xa0: {  	[sflag:s22] =	ssyncadd.s32 s3;
	_ =	sdelay $0x1  }
0xa1: {  	s23 =	simm.s32 $0x1B8B  }
0xa2: {  	_ =	swait.ge [sflag:s23], $0x1  }
0xa3: {  	[sflag:s23] =	ssyncset.done $0x0  }
0xa4: {  	s25 =	simm.s32 $0x1B8E;
	s24 =	sld [smem:$0x3FFE];
	[sflag:s23] =	ssyncadd.s32 $0xFFFFFFFF  }
0xa5: {  	s26 =	simm.s32 $execute0_lowered;
	[smem:$0x3FD2] =	sst s25  }
0xa6: {  	s4 =	sshll.u32 s26, $0x1;
	_ =	strace $0x80000052;
	[dreg:$0x1] =	wrdreg $0xFFFFFFFF  }
0xa7: {  	s28 =	simm.s32 $_size_execute0_lowered;
	s2 =	sadd.s32 s2, s4;
	[dreg:$0x0] =	wrdreg $0x0  }
0xa8: {  	s4 =	sshll.u32 s28, $0x1;
	[dreg:$0x2] =	wrdreg s2  }
0xa9: {  	[dreg:$0x3] =	wrdreg s4  }
0xaa: {  	[dreg:$0x4] =	wrdreg $0xC0  }
0xab: {  	_ =	task [dreg:s6], $0x5FFFF  }
0xac: {  	[dreg:$0x1] =	wrdreg $0xFFFFFFFF  }
0xad: {  	[dreg:$0x0] =	wrdreg $0x60  }
0xae: {  	[dreg:$0x2] =	wrdreg s24  }
0xaf: {  	[dreg:$0x3] =	wrdreg $0x100000  }
0xb0: {  	[dreg:$0x4] =	wrdreg $0x9  }
0xb1: {  	_ =	task.clear_ibuf [dreg:s6], $0x5FFFF;
	_ =	strace $0x90000052  }
0xb2: {  	s29 =	simm.s32 $0x9;
	_ =	strace $0x80000054  }
0xb3: {  	_ =	swait.ge [sflag:s29], $0x1  }
0xb4: {  	[sflag:s29] =	ssyncadd.s32 $0xFFFFFFFF  }
0xb5: {  	_ =	strace $0x90000054  }
0xb6: {  	_ =	sfence  }
0xb7: {  	s30 =	sld [smem:$0x0];
	_ =	sdelay $0x2  }
0xb8: {  	s31 =	sshll.u32 s1, $0xD;
	s1 =	sshrl.u32 s1, $0x2  }
0xb9: {  	s3 =	sand.u32 $0x4000, s31;
	s1 =	sadd.s32 s1, s30  }
0xba: {  	s0 =	sor.u32 s3, s0;
	s1 =	sshll.u32 s1, $0x11  }
0xbb: {  	s0 =	sor.u32 s1, s0  }
0xbc: {  	s0 =	sadd.s32 $0x8F2B, s0  }
0xbd: {  	[sflag:s0] =	ssyncadd.remote.s32 $0x1  }
0xbe: {  	_ =	sfence.sel $0xFFFF  }
0xbf: {  	[dreg:$0x0] =	wrdreg $0xFFFFFFFF;
	(pc) =	sbr.abs _section_cstart, $3  }
0xc0: {  	[dreg:$0x1] =	wrdreg $0xFFFFFFFF  }
0xc1: {  	_ =	task.clear_ibuf [dreg:s6], $0x2FFFF;
	_ =	strace $0x9FFFFFFF  }
0xc2: {  	(tm) =	ssettm $0x7FFFFFFF  }
0xc3: {  	_ =	shalt  }
tec
execute0_lowered:
.L_overlay_start_1:
0x0: {  	(tag) =	ssettag $0x1  }
0x1: {  	s8 =	rddreg [dreg:$0x0]  }
0x2: {  	s1 =	rddreg [dreg:$0x1]  }
0x3: {  	s0 =	rddreg [dreg:$0x2];
	s2 =	simm.s32 $0x0;
	s3 =	srdreg.scid  }
0x4: {  	s16 =	simm.s32 $0x5000;
	s17 =	simm.s32 $0x1;
	s18 =	simm.s32 $0x40  }
0x5: {  	s21 =	simm.s32 $0x0;
	[smem:$0x7FF] =	sst s2;
	s4 =	sadd.s32 $0xA9000, s8  }
0x6: {  	s5 =	sadd.s32 $0xAC00, s8;
	s12 =	sand.u32 $0x1, s3;
	s6 =	sadd.s32 $0x32C00, s8  }
0x7: {  	s3 =	stileid.u32;
	s7 =	sadd.s32 $0xF7200, s8;
	s9 =	ssub.s32 $0x2, s12  }
0x8: {  	s8 =	sadd.s32 $0xF8600, s8;
	s11 =	smul.u32 $0x28000, s3;
	s10 =	sshrl.u32 s9, $0x1  }
0x9: {  	_ =	strace $0x80000053;
	s13 =	ssub.s32 s9, s10;
	s9 =	smul.u32 $0x140, s3  }
0xa: {  	s14 =	sshll.u32 s3, $0x6;
	s11 =	sshrl.u32 s11, $0x2;
	s10 =	smul.u32 $0xA0000, s12  }
0xb: {  	s12 =	smul.u32 $0x13C000, s12;
	s15 =	sadd.s32 s11, s1;
	s11 =	sor.u32 $0x1C02, s14  }
0xc: {  	s13 =	smax.u32 s13, $0x1;
	s14 =	sshrl.u32 s15, $0x3;
	s15 =	simm.s32 $0x2  }
.LBB2_1:
0xd: {  	p1 =	por $0x1, $0x1;
	s19 =	simm.s32 $0x0  }
.LBB2_2:
0xe: {  	[spmem:s14], [sflag:s11] =	dma.local [hbm:s7], $0x1400  }
0xf: {  	_ =	swait.ge [sflag:s15], $0x1400  }
0x10: {  	[sflag:s15] =	ssyncset.done $0x0  }
0x11: {  	s20 =	smul.u32 $0xA0000, s19;
	p0 =	por p1, p1;
	[sflag:s15] =	ssyncadd.s32 $0xFFFFEC00  }
0x12: {  	p2 =	por $0x1, $0x1;
	s22 =	simm.s32 $0x0;
	[bflag:$0x0] =	sbarrier.arrive $0xFFFF  }
.LBB2_3:
0x13: {  	s22 =	sadd.s32 s9, s22  }
0x14: {  	s22 =	sshll.u32 s22, $0x7  }
0x15: {  	s23 =	sadd.s32 s10, s22  }
0x16: {  	s23 =	sshrl.u32 s23, $0x3  }
0x17: {  	s23 =	sadd.s32 s5, s23  }
0x18: {  	[tilespmem:s21], [sflag:$0x2] =	stream.linear.gather [hbm4b:s23+s21], $0x5000, $0x38;
	[tilespmem:$0x1A000] =	vst v63  }
0x19: {  	s22 =	sadd.s32 s20, s22;
	_ =	swait.ge [sflag:s15], $0x5000  }
0x1a: {  	s22 =	sshrl.u32 s22, $0x3;
	[sflag:s15] =	ssyncset.done $0x0  }
0x1b: {  	s22 =	sadd.s32 s6, s22;
	[sflag:s15] =	ssyncadd.s32 $0xFFFFB000  }
0x1c: {  	[tilespmem:s16], [sflag:$0x2] =	stream.linear.gather [hbm4b:s22+s21], $0x5000, $0x38;
	[tilespmem:$0x1A000] =	vst v63  }
0x1d: {  	_ =	swait.ge [sflag:s15], $0x5000  }
0x1e: {  	p1 =	por p2, p2;
	s24 =	simm.s32 $0x0;
	[sflag:s15] =	ssyncset.done $0x0  }
0x1f: {  	s23 =	simm.s32 $0x0;
	s22 =	simm.s32 $0x4F00;
	[sflag:s15] =	ssyncadd.s32 $0xFFFFB000  }
.LBB2_4:
0x20: {  	p2 =	sgt.u32 s24, $0x9F  }
0x21: {  	s25 =	smul.u32 @!p2 $0xAB, s24;
	_ =	sdelay $0x1  }
0x22: {  	s25 =	sshrl.u32 @!p2 s25, $0x9  }
0x23: {  	s25 =	sand.u32 @!p2 $0x7F, s25  }
0x24: {  	s25 =	smul.u32 @!p2 $0x3, s25;
	_ =	sdelay $0x1  }
0x25: {  	s25 =	ssub.s32 @!p2 s24, s25  }
0x26: {  	s25 =	sand.u32 @!p2 $0xFF, s25  }
0x27: {  	s25 =	sshll.u32 @!p2 s25, $0xD  }
0x28: {  	s26 =	simm.s32 @!p2 $0x40;
	p3 =	slt.u32 @!p2 s24, $0x2;
	s25 =	sadd.s32 @!p2 $0xA000, s25  }
0x29: {  	[tilespmem:s25], [sflag:$0x1] =	stream.indirect.gather @!p2 [hbm4b:s4+s26], $0x80, s23, s26, $0xb8;
	[tilespmem:$0x1A000] =	vst v63  }
0x2a: {  	p2 =	por p2, !p3  }
0x2b: {  	s25 =	sadd.s32 @p2 $0xFFFFFFFE, s24  }
0x2c: {  	s26 =	sand.u32 @p2 $0xFF, s25  }
0x2d: {  	s26 =	smul.u32 @p2 $0xAB, s26;
	_ =	sdelay $0x1  }
0x2e: {  	s26 =	sshrl.u32 @p2 s26, $0x9  }
0x2f: {  	s26 =	smul.u32 @p2 $0x3, s26;
	_ =	sdelay $0x1  }
0x30: {  	s25 =	ssub.s32 @p2 s25, s26  }
0x31: {  	_ =	swait.ge @p2 [sflag:s17], $0x2000;
	s25 =	sand.u32 @p2 $0xFF, s25  }
0x32: {  	[sflag:s17] =	ssyncset.done @p2 $0x0;
	s25 =	sshll.u32 @p2 s25, $0xD  }
0x33: {  	[sflag:s17] =	ssyncadd.s32 @p2 $0xFFFFE000;
	s25 =	sadd.s32 @p2 $0xA000, s25  }
0x34: {  	[spmem:s1] =	stream.indirect.scatter.add.f32 @p2 [tilespmem:s25], [sflag:$0x2], $0x80, s22, s18, $0xb8;
	[tilespmem:$0x1A000] =	vst v63  }
0x35: {  	_ =	swait.ge @p2 [sflag:s15], $0x2000  }
0x36: {  	s24 =	sadd.s32 $0x1, s24;
	[sflag:s15] =	ssyncset.done @p2 $0x0  }
0x37: {  	[sflag:s15] =	ssyncadd.s32 @p2 $0xFFFFE000;
	p2 =	sne.s32 s24, $0xA2  }
.Ltmp0:
0x38: {  	_ = 	snop;
	(pc) =	sbr.rel @p2 .LBB2_4-.Ltmp0, $2  }
0x39: {  	_ =	sdelay $0x2  }
0x3a: {  	s23 =	sadd.s32 $0x80, s23;
	s22 =	sadd.s32 $0x80, s22  }
.Ltmp1:
0x3b: {  	(pc) =	sbr.rel @p1 .LBB2_3-.Ltmp1, $2  }
0x3c: {  	_ =	sdelay $0x2  }
0x3d: {  	s22 =	simm.s32 $0xA0;
	p2 =	por $0x0, $0x0  }
0x3e: {  	s19 =	smul.u32 $0x1380, s19;
	_ =	sdelay $0x1  }
0x3f: {  	s19 =	sadd.s32 s9, s19  }
0x40: {  	s19 =	sshll.u32 s19, $0x7  }
0x41: {  	s19 =	sadd.s32 s12, s19  }
0x42: {  	s19 =	sshrl.u32 s19, $0x3  }
.Ltmp2:
0x43: {  	[bflag:$0x0] =	sbarrier.arrive $0xFFFF;
	s19 =	sadd.s32 s8, s19;
	(pc) =	sbr.rel @p0 .LBB2_2-.Ltmp2, $4  }
0x44: {  	[hbm:s19], [sflag:s11] =	dma.local [spmem:s14], $0x1400  }
0x45: {  	_ =	swait.ge [sflag:s15], $0x1400  }
0x46: {  	[sflag:s15] =	ssyncset.done $0x0  }
0x47: {  	p1 =	por $0x0, $0x0;
	s19 =	simm.s32 $0x1;
	[sflag:s15] =	ssyncadd.s32 $0xFFFFEC00  }
0x48: {  	s2 =	sadd.s32 $0x1, s2  }
0x49: {  	p0 =	sne.s32 s2, s13  }
.Ltmp3:
0x4a: {  	_ = 	snop;
	(pc) =	sbr.rel @p0 .LBB2_1-.Ltmp3, $1  }
0x4b: {  	_ =	sdelay $0x3  }
0x4c: {  	_ =	sfence.sel $0x180000  }
0x4d: {  	[bflag:$0x0] =	sbarrier.arrive $0xFFFF  }
0x4e: {  	p0 =	sne.s32 s3, $0x0;
	_ =	strace $0x90000053  }
0x4f: {  	s0 =	sadd.s32 @!p0 $0x100000, s0;
	[bflag:$0x2] =	sbarrier.arrive $0xFFFF  }
0x50: {  	[sflag:s0] =	ssyncadd.tile.s32 @!p0 $0x1;
	_ =	shalt  }
.Lfunc_end2:
_tile_overlayer_lowered:
.L_overlay_start_2:
0x51: {  	(tag) =	ssettag $0x2  }
0x52: {  	s0 =	rddreg [dreg:$0x0];
	s2 =	stileid.u32  }
0x53: {  	s1 =	rddreg [dreg:$0x1];
	p0 =	sne.s32 s2, $0x0  }
0x54: {  	s3 =	rddreg [dreg:$0x2];
	[bflag:$0x3] =	sbarrier.arrive $0xFFFF;
	s2 =	simm.s32 @!p0 $0x1C02  }
0x55: {  	[timem:s3], [sflag:s2] =	dma.local @!p0 [hbm:s0], s1  }
0x56: {  	s0 =	simm.s32 @!p0 $0x2  }
0x57: {  	_ =	swait.ge @!p0 [sflag:s0], s1  }
0x58: {  	s1 =	ssub.s32 @!p0 $0x0, s1;
	[sflag:s0] =	ssyncset.done @!p0 $0x0  }
0x59: {  	[sflag:s0] =	ssyncadd.s32 @!p0 s1  }
0x5a: {  	[bflag:$0x3] =	sbarrier.arrive $0xFFFF  }
0x5b: {  	_ =	shalt  }

// kernel: kernel.30.cloned.1.call-start
scs
__scs_entry_jumppad:
0x0: {  	(pc) =	sbr.rel $0x88, $3  }
0x1: {  	(tag) =	ssettag $0x0;
	lr =	simm.s32 $0x1  }
0x2: {  	[smem:$0x3F64] =	sst lr;
	_ =	strace $0xD0000000  }
0x3: {  	_ = 	snop  }
0x4: {  	_ = 	snop  }
0x5: {  	_ = 	snop  }
0x6: {  	_ = 	snop  }
0x7: {  	_ = 	snop  }
__scs_overlays_trampoline_lowered:
0x8: {  	[smem:$0x3F73] =	sst s0  }
0x9: {  	[smem:$0x3F74] =	sst s1  }
0xa: {  	[smem:$0x3F75] =	sst s2  }
0xb: {  	[smem:$0x3F76] =	sst s3  }
0xc: {  	[smem:$0x3F77] =	sst s4  }
0xd: {  	[smem:$0x3F78] =	sst s5  }
0xe: {  	[smem:$0x3F79] =	sst s6  }
0xf: {  	[smem:$0x3F7A] =	sst s7  }
0x10: {  	[smem:$0x3F7B] =	sst s8  }
0x11: {  	[smem:$0x3F7C] =	sst s9;
	s0 =	simm.s32 @!p0 $0x0  }
0x12: {  	s1 =	sld [smem:$0x3F62];
	s0 =	simm.s32 @p0 $0x1  }
0x13: {  	[smem:$0x3F7D] =	sst s0;
	s0 =	simm.s32 @!p1 $0x0  }
0x14: {  	s2 =	sld [smem:$0x3F61];
	s0 =	simm.s32 @p1 $0x1  }
0x15: {  	[smem:$0x3F7E] =	sst s0;
	s0 =	simm.s32 @!p2 $0x0  }
0x16: {  	s3 =	sld [smem:$0x3FDB];
	s0 =	simm.s32 @p2 $0x1  }
0x17: {  	s4 =	simm.s32 $0x1BF5;
	[smem:$0x3F80] =	sst s0  }
0x18: {  	s0 =	sld [smem:$0x3F63];
	_ =	swait.ge [sflag:s4], $0x0  }
0x19: {  	s7 =	sld [smem:$0x3F64]  }
0x1a: {  	s8 =	sadd.s32 $0xFFFFE003, lr  }
0x1b: {  	s9 =	sadd.s32 $0xFFFFFEF7, lr;
	s5 =	simm.s32 $0xFFFFFFFF;
	p2 =	slt.u32 s8, $0xFFFFF086  }
0x1c: {  	p1 =	slt.u32 s9, $0xF7A;
	s5 =	simm.s32 @!p2 $0x0  }
0x1d: {  	s5 =	simm.s32 @p1 $0x1;
	p0 =	seq.s32 s7, s2  }
0x1e: {  	s7 =	smul.u32 @!p0 $0xF7A, s2;
	p2 =	seq.s32 @!p0 s5, $0x0  }
0x1f: {  	s9 =	smul.u32 $0xF7A, s1;
	s8 =	simm.s32 @!p0 $0x1BF5;
	p2 =	por !p2, p0  }
0x20: {  	[sflag:s8] =	ssyncset.s32 @!p0 $0xFFFFF086;
	s6 =	sadd.s32 @!p0 s3, s7;
	s7 =	simm.s32 @!p0 $0x108  }
0x21: {  	s3 =	sadd.s32 s3, s9;
	s6 =	sadd.s32 @!p0 $0x88, s6;
	s7 =	simm.s32 @p2 $0x1082  }
0x22: {  	[simem:s7], [sflag:s8] =	dma.local @!p0 [hbm:s6], $0xF7A  }
0x23: {  	s9 =	sor.u32 $0xD0000000, s2;
	s6 =	simm.s32 $0x108;
	_ =	swait.ge @!p0 [sflag:s8], $0x0  }
0x24: {  	s3 =	sadd.s32 $0x88, s3;
	s6 =	simm.s32 @!p1 $0x1082;
	[sflag:s4] =	ssyncset.s32 $0xFFFFF086  }
0x25: {  	[simem:s6], [sflag:s4] =	dma.local [hbm:s3], $0xF7A  }
0x26: {  	[smem:$0x3F64] =	sst s1;
	(tag) =	ssettag s2;
	_ =	strace s9  }
0x27: {  	s1 =	sld [smem:$0x3F74]  }
0x28: {  	s2 =	sld [smem:$0x3F75]  }
0x29: {  	s4 =	sld [smem:$0x3F77]  }
0x2a: {  	p0 =	seq.s32 s5, $0x0;
	s5 =	sld [smem:$0x3F78]  }
0x2b: {  	s6 =	sld [smem:$0x3F79]  }
0x2c: {  	s7 =	sld [smem:$0x3F7A]  }
0x2d: {  	s3 =	simm.s32 $0x108;
	s8 =	sld [smem:$0x3F7B]  }
0x2e: {  	s3 =	simm.s32 @!p0 $0x1082;
	s9 =	sld [smem:$0x3F7C]  }
0x2f: {  	lr =	sadd.s32 s0, s3;
	s0 =	sld [smem:$0x3F73]  }
0x30: {  	s3 =	sld [smem:$0x3F76]  }
0x31: {  	[smem:$0x3F7F] =	sst s10  }
0x32: {  	s10 =	sld [smem:$0x3F7D];
	_ =	sdelay $0x3  }
0x33: {  	p0 =	seq.s32 s10, $0x1;
	s10 =	sld [smem:$0x3F7F];
	_ =	sdelay $0x3  }
0x34: {  	[smem:$0x3F7F] =	sst s10  }
0x35: {  	s10 =	sld [smem:$0x3F7E];
	_ =	sdelay $0x3  }
0x36: {  	p1 =	seq.s32 s10, $0x1;
	s10 =	sld [smem:$0x3F7F];
	_ =	sdelay $0x3  }
0x37: {  	[smem:$0x3F7F] =	sst s10  }
0x38: {  	s10 =	sld [smem:$0x3F80]  }
0x39: {  	_ = 	snop;
	(pc) =	sbr.ind lr, $3  }
0x3a: {  	_ = 	snop  }
0x3b: {  	_ = 	snop  }
0x3c: {  	p2 =	seq.s32 s10, $0x1;
	s10 =	sld [smem:$0x3F7F]  }
0x3d: {  	_ =	shalt  }
0x3e: {  	_ =	shalt  }
0x3f: {  	_ =	shalt  }
0x40: {  	_ =	shalt  }
0x41: {  	_ =	shalt  }
0x42: {  	_ =	shalt  }
0x43: {  	_ =	shalt  }
0x44: {  	_ =	shalt  }
0x45: {  	_ =	shalt  }
0x46: {  	_ =	shalt  }
0x47: {  	_ =	shalt  }
0x48: {  	_ =	shalt  }
0x49: {  	_ =	shalt  }
0x4a: {  	_ =	shalt  }
0x4b: {  	_ =	shalt  }
0x4c: {  	_ =	shalt  }
0x4d: {  	_ =	shalt  }
0x4e: {  	_ =	shalt  }
0x4f: {  	_ =	shalt  }
0x50: {  	_ =	shalt  }
0x51: {  	_ =	shalt  }
0x52: {  	_ =	shalt  }
0x53: {  	_ =	shalt  }
0x54: {  	_ =	shalt  }
0x55: {  	_ =	shalt  }
0x56: {  	_ =	shalt  }
0x57: {  	_ =	shalt  }
0x58: {  	_ =	shalt  }
0x59: {  	_ =	shalt  }
0x5a: {  	_ =	shalt  }
0x5b: {  	_ =	shalt  }
0x5c: {  	_ =	shalt  }
0x5d: {  	_ =	shalt  }
0x5e: {  	_ =	shalt  }
0x5f: {  	_ =	shalt  }
0x60: {  	_ =	shalt  }
0x61: {  	_ =	shalt  }
0x62: {  	_ =	shalt  }
0x63: {  	_ =	shalt  }
0x64: {  	_ =	shalt  }
0x65: {  	_ =	shalt  }
0x66: {  	_ =	shalt  }
0x67: {  	_ =	shalt  }
0x68: {  	_ =	shalt  }
0x69: {  	_ =	shalt  }
0x6a: {  	_ =	shalt  }
0x6b: {  	_ =	shalt  }
0x6c: {  	_ =	shalt  }
0x6d: {  	_ =	shalt  }
0x6e: {  	_ =	shalt  }
0x6f: {  	_ =	shalt  }
0x70: {  	_ =	shalt  }
0x71: {  	_ =	shalt  }
0x72: {  	_ =	shalt  }
0x73: {  	_ =	shalt  }
0x74: {  	_ =	shalt  }
0x75: {  	_ =	shalt  }
0x76: {  	_ =	shalt  }
0x77: {  	_ =	shalt  }
0x78: {  	_ =	shalt  }
0x79: {  	_ =	shalt  }
0x7a: {  	_ =	shalt  }
0x7b: {  	_ =	shalt  }
0x7c: {  	_ =	shalt  }
0x7d: {  	_ =	shalt  }
0x7e: {  	_ =	shalt  }
0x7f: {  	_ =	shalt  }
0x80: {  	_ =	shalt  }
0x81: {  	_ =	shalt  }
0x82: {  	_ =	shalt  }
0x83: {  	_ =	shalt  }
0x84: {  	_ =	shalt  }
0x85: {  	_ =	shalt  }
0x86: {  	_ =	shalt  }
0x87: {  	_ =	shalt  }
.Lfunc_end0:
.L_simem_size_0:
called_computation.5_lowered:
.L_overlay_start_0:
0x88: {  	s2 =	sld [smem:$0x3FD9]  }
0x89: {  	s3 =	sld [smem:$0x3FFE];
	_ =	sdelay $0x1  }
0x8a: {  	s1 =	srdreg.scid  }
0x8b: {  	s0 =	sand.u32 $0x1, s1  }
0x8c: {  	s16 =	sshll.u32 s0, $0xA;
	s2 =	sadd.s32 s3, s2  }
0x8d: {  	s2 =	sadd.s32 s2, s16  }
0x8e: {  	[smem:$0x3F8B] =	sst s2  }
0x8f: {  	_ = 	snop  }
0x90: {  	(tm) =	ssettm $0x1  }
0x91: {  	s17 =	sld [smem:$0x3FFB];
	_ =	sdelay $0x3  }
0x92: {  	_ =	strace s17  }
0x93: {  	s2 =	sld [smem:$0x3FFC];
	_ =	sdelay $0x3  }
0x94: {  	_ =	strace s2  }
0x95: {  	s2 =	sld [smem:$0x3FFD];
	_ =	sdelay $0x3  }
0x96: {  	_ =	strace s2  }
0x97: {  	_ =	strace $0x8FFFFFFF  }
0x98: {  	s18 =	sld [smem:$0x3FDB];
	_ =	sdelay $0x1  }
0x99: {  	s19 =	simm.s32 $_scs_section_size  }
0x9a: {  	s4 =	simm.s32 $_size__tile_overlayer_lowered;
	s5 =	simm.s32 $_tile_overlayer_lowered  }
0x9b: {  	s22 =	simm.s32 $0x1BFF;
	s21 =	sshll.u32 s5, $0x1;
	s2 =	sadd.s32 s19, s18  }
0x9c: {  	s6 =	simm.s32 $0x0;
	s20 =	sshll.u32 s4, $0x1;
	s4 =	sadd.s32 s21, s2  }
0x9d: {  	[timem:s6], [sflag:s22] =	dma.local [hbm:s4], s20  }
0x9e: {  	_ =	swait.ge [sflag:s22], s20  }
0x9f: {  	s3 =	ssub.s32 $0x0, s20;
	[sflag:s22] =	ssyncset.done $0x0  }
0xa0: {  	[sflag:s22] =	ssyncadd.s32 s3;
	_ =	sdelay $0x1  }
0xa1: {  	s23 =	simm.s32 $0x1B8B  }
0xa2: {  	_ =	swait.ge [sflag:s23], $0x1  }
0xa3: {  	[sflag:s23] =	ssyncset.done $0x0  }
0xa4: {  	s25 =	simm.s32 $0x1B8E;
	s24 =	sld [smem:$0x3FFE];
	[sflag:s23] =	ssyncadd.s32 $0xFFFFFFFF  }
0xa5: {  	s26 =	simm.s32 $execute0_lowered;
	[smem:$0x3FD2] =	sst s25  }
0xa6: {  	s4 =	sshll.u32 s26, $0x1;
	_ =	strace $0x80000055;
	[dreg:$0x1] =	wrdreg $0xFFFFFFFF  }
0xa7: {  	s28 =	simm.s32 $_size_execute0_lowered;
	s2 =	sadd.s32 s2, s4;
	[dreg:$0x0] =	wrdreg $0x0  }
0xa8: {  	s4 =	sshll.u32 s28, $0x1;
	[dreg:$0x2] =	wrdreg s2  }
0xa9: {  	[dreg:$0x3] =	wrdreg s4  }
0xaa: {  	[dreg:$0x4] =	wrdreg $0xC0  }
0xab: {  	_ =	task [dreg:s6], $0x5FFFF  }
0xac: {  	[dreg:$0x1] =	wrdreg $0xFFFFFFFF  }
0xad: {  	[dreg:$0x0] =	wrdreg $0x60  }
0xae: {  	[dreg:$0x2] =	wrdreg s24  }
0xaf: {  	[dreg:$0x3] =	wrdreg $0x100000  }
0xb0: {  	[dreg:$0x4] =	wrdreg $0x9  }
0xb1: {  	_ =	task.clear_ibuf [dreg:s6], $0x5FFFF;
	_ =	strace $0x90000055  }
0xb2: {  	s29 =	simm.s32 $0x9;
	_ =	strace $0x80000057  }
0xb3: {  	_ =	swait.ge [sflag:s29], $0x1  }
0xb4: {  	[sflag:s29] =	ssyncadd.s32 $0xFFFFFFFF  }
0xb5: {  	_ =	strace $0x90000057  }
0xb6: {  	_ =	sfence  }
0xb7: {  	s30 =	sld [smem:$0x0];
	_ =	sdelay $0x2  }
0xb8: {  	s31 =	sshll.u32 s1, $0xD;
	s1 =	sshrl.u32 s1, $0x2  }
0xb9: {  	s3 =	sand.u32 $0x4000, s31;
	s1 =	sadd.s32 s1, s30  }
0xba: {  	s0 =	sor.u32 s3, s0;
	s1 =	sshll.u32 s1, $0x11  }
0xbb: {  	s0 =	sor.u32 s1, s0  }
0xbc: {  	s0 =	sadd.s32 $0x8F2B, s0  }
0xbd: {  	[sflag:s0] =	ssyncadd.remote.s32 $0x1  }
0xbe: {  	_ =	sfence.sel $0xFFFF  }
0xbf: {  	[dreg:$0x0] =	wrdreg $0xFFFFFFFF;
	(pc) =	sbr.abs _section_cstart, $3  }
0xc0: {  	[dreg:$0x1] =	wrdreg $0xFFFFFFFF  }
0xc1: {  	_ =	task.clear_ibuf [dreg:s6], $0x2FFFF;
	_ =	strace $0x9FFFFFFF  }
0xc2: {  	(tm) =	ssettm $0x7FFFFFFF  }
0xc3: {  	_ =	shalt  }
tec
execute0_lowered:
.L_overlay_start_1:
0x0: {  	(tag) =	ssettag $0x1  }
0x1: {  	s8 =	rddreg [dreg:$0x0]  }
0x2: {  	s1 =	rddreg [dreg:$0x1]  }
0x3: {  	s0 =	rddreg [dreg:$0x2];
	s2 =	simm.s32 $0x0;
	s3 =	srdreg.scid  }
0x4: {  	s16 =	simm.s32 $0x5000;
	s17 =	simm.s32 $0x1;
	s18 =	simm.s32 $0x40  }
0x5: {  	s21 =	simm.s32 $0x0;
	[smem:$0x7FF] =	sst s2;
	s4 =	sadd.s32 $0x5AC00, s8  }
0x6: {  	s5 =	sadd.s32 $0xAC00, s8;
	s12 =	sand.u32 $0x1, s3;
	s6 =	sadd.s32 $0x32C00, s8  }
0x7: {  	s3 =	stileid.u32;
	s7 =	sadd.s32 $0xF7200, s8;
	s9 =	ssub.s32 $0x2, s12  }
0x8: {  	s8 =	sadd.s32 $0xF8600, s8;
	s11 =	smul.u32 $0x28000, s3;
	s10 =	sshrl.u32 s9, $0x1  }
0x9: {  	_ =	strace $0x80000056;
	s13 =	ssub.s32 s9, s10;
	s9 =	smul.u32 $0x140, s3  }
0xa: {  	s14 =	sshll.u32 s3, $0x6;
	s11 =	sshrl.u32 s11, $0x2;
	s10 =	smul.u32 $0xA0000, s12  }
0xb: {  	s12 =	smul.u32 $0x13C000, s12;
	s15 =	sadd.s32 s11, s1;
	s11 =	sor.u32 $0x1C02, s14  }
0xc: {  	s13 =	smax.u32 s13, $0x1;
	s14 =	sshrl.u32 s15, $0x3;
	s15 =	simm.s32 $0x2  }
.LBB2_1:
0xd: {  	p1 =	por $0x1, $0x1;
	s19 =	simm.s32 $0x0  }
.LBB2_2:
0xe: {  	[spmem:s14], [sflag:s11] =	dma.local [hbm:s7], $0x1400  }
0xf: {  	_ =	swait.ge [sflag:s15], $0x1400  }
0x10: {  	[sflag:s15] =	ssyncset.done $0x0  }
0x11: {  	s20 =	smul.u32 $0xA0000, s19;
	p0 =	por p1, p1;
	[sflag:s15] =	ssyncadd.s32 $0xFFFFEC00  }
0x12: {  	p2 =	por $0x1, $0x1;
	s22 =	simm.s32 $0x0;
	[bflag:$0x0] =	sbarrier.arrive $0xFFFF  }
.LBB2_3:
0x13: {  	s22 =	sadd.s32 s9, s22  }
0x14: {  	s22 =	sshll.u32 s22, $0x7  }
0x15: {  	s23 =	sadd.s32 s10, s22  }
0x16: {  	s23 =	sshrl.u32 s23, $0x3  }
0x17: {  	s23 =	sadd.s32 s5, s23  }
0x18: {  	[tilespmem:s21], [sflag:$0x2] =	stream.linear.gather [hbm4b:s23+s21], $0x5000, $0x38;
	[tilespmem:$0x1A000] =	vst v63  }
0x19: {  	s22 =	sadd.s32 s20, s22;
	_ =	swait.ge [sflag:s15], $0x5000  }
0x1a: {  	s22 =	sshrl.u32 s22, $0x3;
	[sflag:s15] =	ssyncset.done $0x0  }
0x1b: {  	s22 =	sadd.s32 s6, s22;
	[sflag:s15] =	ssyncadd.s32 $0xFFFFB000  }
0x1c: {  	[tilespmem:s16], [sflag:$0x2] =	stream.linear.gather [hbm4b:s22+s21], $0x5000, $0x38;
	[tilespmem:$0x1A000] =	vst v63  }
0x1d: {  	_ =	swait.ge [sflag:s15], $0x5000  }
0x1e: {  	p1 =	por p2, p2;
	s24 =	simm.s32 $0x0;
	[sflag:s15] =	ssyncset.done $0x0  }
0x1f: {  	s23 =	simm.s32 $0x0;
	s22 =	simm.s32 $0x4F00;
	[sflag:s15] =	ssyncadd.s32 $0xFFFFB000  }
.LBB2_4:
0x20: {  	p2 =	sgt.u32 s24, $0x9F  }
0x21: {  	s25 =	smul.u32 @!p2 $0xAB, s24;
	_ =	sdelay $0x1  }
0x22: {  	s25 =	sshrl.u32 @!p2 s25, $0x9  }
0x23: {  	s25 =	sand.u32 @!p2 $0x7F, s25  }
0x24: {  	s25 =	smul.u32 @!p2 $0x3, s25;
	_ =	sdelay $0x1  }
0x25: {  	s25 =	ssub.s32 @!p2 s24, s25  }
0x26: {  	s25 =	sand.u32 @!p2 $0xFF, s25  }
0x27: {  	s25 =	sshll.u32 @!p2 s25, $0xD  }
0x28: {  	s26 =	simm.s32 @!p2 $0x40;
	p3 =	slt.u32 @!p2 s24, $0x2;
	s25 =	sadd.s32 @!p2 $0xA000, s25  }
0x29: {  	[tilespmem:s25], [sflag:$0x1] =	stream.indirect.gather @!p2 [hbm4b:s4+s26], $0x80, s23, s26, $0xb8;
	[tilespmem:$0x1A000] =	vst v63  }
0x2a: {  	p2 =	por p2, !p3  }
0x2b: {  	s25 =	sadd.s32 @p2 $0xFFFFFFFE, s24  }
0x2c: {  	s26 =	sand.u32 @p2 $0xFF, s25  }
0x2d: {  	s26 =	smul.u32 @p2 $0xAB, s26;
	_ =	sdelay $0x1  }
0x2e: {  	s26 =	sshrl.u32 @p2 s26, $0x9  }
0x2f: {  	s26 =	smul.u32 @p2 $0x3, s26;
	_ =	sdelay $0x1  }
0x30: {  	s25 =	ssub.s32 @p2 s25, s26  }
0x31: {  	_ =	swait.ge @p2 [sflag:s17], $0x2000;
	s25 =	sand.u32 @p2 $0xFF, s25  }
0x32: {  	[sflag:s17] =	ssyncset.done @p2 $0x0;
	s25 =	sshll.u32 @p2 s25, $0xD  }
0x33: {  	[sflag:s17] =	ssyncadd.s32 @p2 $0xFFFFE000;
	s25 =	sadd.s32 @p2 $0xA000, s25  }
0x34: {  	[spmem:s1] =	stream.indirect.scatter.add.f32 @p2 [tilespmem:s25], [sflag:$0x2], $0x80, s22, s18, $0xb8;
	[tilespmem:$0x1A000] =	vst v63  }
0x35: {  	_ =	swait.ge @p2 [sflag:s15], $0x2000  }
0x36: {  	s24 =	sadd.s32 $0x1, s24;
	[sflag:s15] =	ssyncset.done @p2 $0x0  }
0x37: {  	[sflag:s15] =	ssyncadd.s32 @p2 $0xFFFFE000;
	p2 =	sne.s32 s24, $0xA2  }
.Ltmp0:
0x38: {  	_ = 	snop;
	(pc) =	sbr.rel @p2 .LBB2_4-.Ltmp0, $2  }
0x39: {  	_ =	sdelay $0x2  }
0x3a: {  	s23 =	sadd.s32 $0x80, s23;
	s22 =	sadd.s32 $0x80, s22  }
.Ltmp1:
0x3b: {  	(pc) =	sbr.rel @p1 .LBB2_3-.Ltmp1, $2  }
0x3c: {  	_ =	sdelay $0x2  }
0x3d: {  	s22 =	simm.s32 $0xA0;
	p2 =	por $0x0, $0x0  }
0x3e: {  	s19 =	smul.u32 $0x1380, s19;
	_ =	sdelay $0x1  }
0x3f: {  	s19 =	sadd.s32 s9, s19  }
0x40: {  	s19 =	sshll.u32 s19, $0x7  }
0x41: {  	s19 =	sadd.s32 s12, s19  }
0x42: {  	s19 =	sshrl.u32 s19, $0x3  }
.Ltmp2:
0x43: {  	[bflag:$0x0] =	sbarrier.arrive $0xFFFF;
	s19 =	sadd.s32 s8, s19;
	(pc) =	sbr.rel @p0 .LBB2_2-.Ltmp2, $4  }
0x44: {  	[hbm:s19], [sflag:s11] =	dma.local [spmem:s14], $0x1400  }
0x45: {  	_ =	swait.ge [sflag:s15], $0x1400  }
0x46: {  	[sflag:s15] =	ssyncset.done $0x0  }
0x47: {  	p1 =	por $0x0, $0x0;
	s19 =	simm.s32 $0x1;
	[sflag:s15] =	ssyncadd.s32 $0xFFFFEC00  }
0x48: {  	s2 =	sadd.s32 $0x1, s2  }
0x49: {  	p0 =	sne.s32 s2, s13  }
.Ltmp3:
0x4a: {  	_ = 	snop;
	(pc) =	sbr.rel @p0 .LBB2_1-.Ltmp3, $1  }
0x4b: {  	_ =	sdelay $0x3  }
0x4c: {  	_ =	sfence.sel $0x180000  }
0x4d: {  	[bflag:$0x0] =	sbarrier.arrive $0xFFFF  }
0x4e: {  	p0 =	sne.s32 s3, $0x0;
	_ =	strace $0x90000056  }
0x4f: {  	s0 =	sadd.s32 @!p0 $0x100000, s0;
	[bflag:$0x2] =	sbarrier.arrive $0xFFFF  }
0x50: {  	[sflag:s0] =	ssyncadd.tile.s32 @!p0 $0x1;
	_ =	shalt  }
.Lfunc_end2:
_tile_overlayer_lowered:
.L_overlay_start_2:
0x51: {  	(tag) =	ssettag $0x2  }
0x52: {  	s0 =	rddreg [dreg:$0x0];
	s2 =	stileid.u32  }
0x53: {  	s1 =	rddreg [dreg:$0x1];
	p0 =	sne.s32 s2, $0x0  }
0x54: {  	s3 =	rddreg [dreg:$0x2];
	[bflag:$0x3] =	sbarrier.arrive $0xFFFF;
	s2 =	simm.s32 @!p0 $0x1C02  }
0x55: {  	[timem:s3], [sflag:s2] =	dma.local @!p0 [hbm:s0], s1  }
0x56: {  	s0 =	simm.s32 @!p0 $0x2  }
0x57: {  	_ =	swait.ge @!p0 [sflag:s0], s1  }
0x58: {  	s1 =	ssub.s32 @!p0 $0x0, s1;
	[sflag:s0] =	ssyncset.done @!p0 $0x0  }
0x59: {  	[sflag:s0] =	ssyncadd.s32 @!p0 s1  }
0x5a: {  	[bflag:$0x3] =	sbarrier.arrive $0xFFFF  }
0x5b: {  	_ =	shalt  }

</sc_bundles>
